<compile_context>
chip_gen: v7x
topology: tpu7x:2x2x1
jax: 0.10.2.dev20260603
libtpu: 0.0.44.dev20260713+nightly
codegen_flags: <defaults>
</compile_context>

<pallas_src>
import jax
import jax.numpy as jnp
from jax import lax
from jax.experimental import pallas as pl
from jax.experimental.pallas import tpu as pltpu
from jax.experimental.pallas import tpu_sc as plsc

_H_TC = 48
_BM1 = 8
_BM2 = 4
_SC_WC = 4


def _tc_sumsq_body(x_ref, o_ref):
    @pl.when(pl.program_id(1) == 0)
    def _init():
        o_ref[...] = jnp.zeros_like(o_ref)

    xb = x_ref[...].reshape(-1, x_ref.shape[-1])
    o_ref[0] += jnp.sum(xb * xb, axis=0, keepdims=True)


def _sc_sumsq_body(x_hbm, out_hbm, buf0, buf1, acc_v, sem0, sem1):
    c = lax.axis_index("c")
    s = lax.axis_index("s")
    wid = s * 2 + c
    b = wid // 16
    h = _H_TC + lax.rem(wid, 16)

    n_chunks = 64 // _SC_WC
    bufs = (buf0, buf1)
    sems = (sem0, sem1)

    def start(k, slot):
        return pltpu.async_copy(
            x_hbm.at[b, h, pl.ds(k * _SC_WC, _SC_WC)], bufs[slot], sems[slot])

    start(0, 0)
    zero = jnp.zeros((16,), jnp.float32)
    acc = (zero, zero, zero, zero, zero, zero)

    def chunk_rows(buf, acc):
        def row_body(r, carry):
            i = r // 64
            rr = lax.rem(r, 64)
            out = []
            for j in range(6):
                v = buf[i, rr, pl.ds(16 * j, 16)]
                out.append(carry[j] + v * v)
            return tuple(out)
        return lax.fori_loop(0, _SC_WC * 64, row_body, acc)

    for k in range(n_chunks):
        slot = k % 2
        pltpu.make_async_copy(
            x_hbm.at[b, h, pl.ds(k * _SC_WC, _SC_WC)], bufs[slot],
            sems[slot]).wait()
        if k + 1 < n_chunks:
            start(k + 1, 1 - slot)
        acc = chunk_rows(bufs[slot], acc)

    for j in range(6):
        acc_v[pl.ds(16 * j, 16)] = acc[j]
    pltpu.sync_copy(acc_v, out_hbm.at[wid])


def _norm_body(ptc_ref, psc_ref, gamma_ref, scale_ref):
    gsq = ptc_ref[0] + jnp.sum(psc_ref[...], axis=0, keepdims=True)
    gx = jnp.sqrt(gsq)
    mean = jnp.mean(gx)
    scale_ref[0] = gamma_ref[...] * (gx / (mean + 1e-6)) + 1.0


def _apply_body(scale_ref, beta_ref, x_ref, o_ref):
    scale = scale_ref[0].reshape(1, 1, 1, 1, -1)
    o_ref[...] = scale * x_ref[...] + beta_ref[...].reshape(1, 1, 1, 1, -1)


def kernel(x, gamma, beta):
    B, H, W, D, C = x.shape

    sc_partial = pl.kernel(
        _sc_sumsq_body,
        out_type=jax.ShapeDtypeStruct((32, C), jnp.float32),
        mesh=plsc.VectorSubcoreMesh(core_axis_name="c", subcore_axis_name="s"),
        scratch_types=[
            pltpu.VMEM((_SC_WC, D, C), jnp.float32),
            pltpu.VMEM((_SC_WC, D, C), jnp.float32),
            pltpu.VMEM((C,), jnp.float32),
            pltpu.SemaphoreType.DMA,
            pltpu.SemaphoreType.DMA,
        ],
        compiler_params=pltpu.CompilerParams(use_tc_tiling_on_sc=True),
    )(x)

    tc_partial = pl.pallas_call(
        _tc_sumsq_body,
        grid=(B, _H_TC // _BM1),
        in_specs=[
            pl.BlockSpec((1, _BM1, W, D, C), lambda b, i: (b, i, 0, 0, 0))],
        out_specs=pl.BlockSpec((1, 1, C), lambda b, i: (b, 0, 0)),
        out_shape=jax.ShapeDtypeStruct((B, 1, C), jnp.float32),
        compiler_params=pltpu.CompilerParams(
            dimension_semantics=("parallel", "arbitrary")),
    )(x)

    scale = pl.pallas_call(
        _norm_body,
        grid=(B,),
        in_specs=[
            pl.BlockSpec((1, 1, C), lambda b: (b, 0, 0)),
            pl.BlockSpec((16, C), lambda b: (b, 0)),
            pl.BlockSpec((1, C), lambda b: (0, 0)),
        ],
        out_specs=pl.BlockSpec((1, 1, C), lambda b: (b, 0, 0)),
        out_shape=jax.ShapeDtypeStruct((B, 1, C), jnp.float32),
    )(tc_partial, sc_partial, gamma)

    out = pl.pallas_call(
        _apply_body,
        grid=(B, H // _BM2),
        in_specs=[
            pl.BlockSpec((1, 1, C), lambda b, i: (b, 0, 0)),
            pl.BlockSpec((1, C), lambda b, i: (0, 0)),
            pl.BlockSpec((1, _BM2, W, D, C), lambda b, i: (b, i, 0, 0, 0)),
        ],
        out_specs=pl.BlockSpec((1, _BM2, W, D, C), lambda b, i: (b, i, 0, 0, 0)),
        out_shape=jax.ShapeDtypeStruct((B, H, W, D, C), jnp.float32),
        compiler_params=pltpu.CompilerParams(
            dimension_semantics=("parallel", "parallel")),
    )(scale, beta, x)

    return out

# --- scband reference (transcript-rebuilt; emitter-appended) ---
"""Pipeline reference for scband-sparse-grn-47837345743025 (READ-ONLY COPY).

The authoritative reference and input builder live on the scoring server;
editing this copy changes nothing except your own understanding.
"""

import jax, jax.numpy as jnp
import numpy as np


def setup_inputs(seed: int = 0) -> dict:
    key = jax.random.key(seed)
    k1, k2, k3 = jax.random.split(key, 3)
    x = jax.random.normal(k1, (2, 64, 64, 64, 96), dtype=jnp.float32)
    gamma = jax.random.normal(k2, (1, 96), dtype=jnp.float32) * 0.1
    beta = jax.random.normal(k3, (1, 96), dtype=jnp.float32) * 0.1
    return {"x": x, "gamma": gamma, "beta": beta}


def reference(x, gamma, beta):
    # Dense GRN branch (sparse=False): x is 5D [B, H, W, D, C], channels last.
    # Gx: L2 norm over spatial dims (1,2,3), keepdim -> [B,1,1,1,C]
    Gx = jnp.sqrt(jnp.sum(x * x, axis=(1, 2, 3), keepdims=True))
    # Nx: divisive normalization across channel dim
    Nx = Gx / (jnp.mean(Gx, axis=-1, keepdims=True) + 1e-06)
    # gamma/beta are [1, C] and broadcast against trailing channel dim
    return (gamma * Nx + 1.0) * x + beta

if __name__ == "__main__":
    import jax
    _d = setup_inputs()
    print(jax.jit(kernel)(*tuple(_d.values())))

</pallas_src>

<mosaic_0001>
#map = affine_map<(d0, d1) -> (0, 0, 0, 0, 0)>
#map1 = affine_map<(d0, d1) -> (0, 0)>
module attributes {stable_mosaic.version = 14 : i64} {
  func.func @_sc_sumsq_body(%arg0: i32, %arg1: i32, %arg2: memref<2x64x64x64x96xf32, #tpu.memory_space<hbm>>, %arg3: memref<32x96xf32, #tpu.memory_space<hbm>>, %arg4: memref<4x64x96xf32, #tpu.memory_space<vmem>>, %arg5: memref<4x64x96xf32, #tpu.memory_space<vmem>>, %arg6: memref<96xf32, #tpu.memory_space<vmem>>, %arg7: memref<!tpu.dma_semaphore, #tpu.memory_space<semaphore_mem>>, %arg8: memref<!tpu.dma_semaphore, #tpu.memory_space<semaphore_mem>>) attributes {dimension_semantics = [#tpu.dimension_semantics<core_parallel>, #tpu.dimension_semantics<subcore_parallel>], iteration_bounds = array<i64: 2, 16>, scalar_prefetch = 0 : i64, scratch_operands = 5 : i64, tpu.core_type = #tpu.core_type<sc_vector_subcore>, window_params = [{transform_indices = #map}, {transform_indices = #map1}]} {
    %mul3A = arith.constant 2 : i32
    %mul3A_0 = arith.muli %arg1, %mul3A : i32
    %add3A = arith.addi %mul3A_0, %arg0 : i32
    %jit3A = arith.constant 16 : i32
    %div3A = arith.divsi %add3A, %jit3A : i32
    %sign3A = arith.constant 0 : i32
    %sign3A_1 = arith.cmpi sgt, %add3A, %sign3A : i32
    %sign3A_2 = arith.extui %sign3A_1 : i1 to i32
    %sign3A_3 = arith.constant 0 : i32
    %sign3A_4 = arith.cmpi slt, %add3A, %sign3A_3 : i32
    %sign3A_5 = arith.extui %sign3A_4 : i1 to i32
    %sign3A_6 = arith.subi %sign3A_2, %sign3A_5 : i32
    %sign3A_7 = arith.constant 0 : i32
    %sign3A_8 = arith.cmpi sgt, %jit3A, %sign3A_7 : i32
    %sign3A_9 = arith.extui %sign3A_8 : i1 to i32
    %sign3A_10 = arith.constant 0 : i32
    %sign3A_11 = arith.cmpi slt, %jit3A, %sign3A_10 : i32
    %sign3A_12 = arith.extui %sign3A_11 : i1 to i32
    %sign3A_13 = arith.subi %sign3A_9, %sign3A_12 : i32
    %ne3A = arith.cmpi ne, %sign3A_6, %sign3A_13 : i32
    %rem3A = arith.remsi %add3A, %jit3A : i32
    %ne3A_14 = arith.constant 0 : i32
    %ne3A_15 = arith.cmpi ne, %rem3A, %ne3A_14 : i32
    %and3A = arith.andi %ne3A, %ne3A_15 : i1
    %sub3A = arith.constant 1 : i32
    %sub3A_16 = arith.subi %div3A, %sub3A : i32
    %select_n3A = arith.select %and3A, %sub3A_16, %div3A : i32
    %rem3A_17 = arith.constant 16 : i32
    %rem3A_18 = arith.remsi %add3A, %rem3A_17 : i32
    %add3A_19 = arith.constant 48 : i32
    %add3A_20 = arith.addi %add3A_19, %rem3A_18 : i32
    %dma_start3A = arith.constant 0 : i32
    %dma_start3A_21 = arith.constant 0 : i32
    %dma_start3A_22 = arith.constant 0 : i32
    %dma_start3A_23 = tpu.memref_slice %arg2[%select_n3A, %add3A_20, %dma_start3A, %dma_start3A_21, %dma_start3A_22] : memref<2x64x64x64x96xf32, #tpu.memory_space<hbm>> -> memref<1x1x4x64x96xf32, #tpu.memory_space<hbm>>
    %dma_start3A_24 = tpu.memref_squeeze %dma_start3A_23 : memref<1x1x4x64x96xf32, #tpu.memory_space<hbm>> -> memref<4x64x96xf32, #tpu.memory_space<hbm>>
    %dma_start3A_25 = arith.constant 0 : i32
    %dma_start3A_26 = arith.constant 0 : i32
    %dma_start3A_27 = arith.constant 0 : i32
    %dma_start3A_28 = tpu.memref_slice %arg2[%select_n3A, %add3A_20, %dma_start3A_25, %dma_start3A_26, %dma_start3A_27] : memref<2x64x64x64x96xf32, #tpu.memory_space<hbm>> -> memref<1x1x4x64x96xf32, #tpu.memory_space<hbm>>
    %dma_start3A_29 = tpu.memref_squeeze %dma_start3A_28 : memref<1x1x4x64x96xf32, #tpu.memory_space<hbm>> -> memref<4x64x96xf32, #tpu.memory_space<hbm>>
    tpu.enqueue_dma source(%dma_start3A_29 : memref<4x64x96xf32, #tpu.memory_space<hbm>>) target(%arg4 : memref<4x64x96xf32, #tpu.memory_space<vmem>>) target_semaphore(%arg7 : memref<!tpu.dma_semaphore, #tpu.memory_space<semaphore_mem>>)
    %broadcast_in_dim3A = arith.constant 0.000000e+00 : f32
    %broadcast_in_dim3A_30 = vector.broadcast %broadcast_in_dim3A : f32 to vector<16xf32>
    %dma_wait3A = arith.constant 0 : i32
    %dma_wait3A_31 = arith.constant 0 : i32
    %dma_wait3A_32 = arith.constant 0 : i32
    %dma_wait3A_33 = tpu.memref_slice %arg2[%select_n3A, %add3A_20, %dma_wait3A, %dma_wait3A_31, %dma_wait3A_32] : memref<2x64x64x64x96xf32, #tpu.memory_space<hbm>> -> memref<1x1x4x64x96xf32, #tpu.memory_space<hbm>>
    %dma_wait3A_34 = tpu.memref_squeeze %dma_wait3A_33 : memref<1x1x4x64x96xf32, #tpu.memory_space<hbm>> -> memref<4x64x96xf32, #tpu.memory_space<hbm>>
    %dma_wait3A_35 = arith.constant 0 : i32
    %dma_wait3A_36 = arith.constant 0 : i32
    %dma_wait3A_37 = arith.constant 0 : i32
    %dma_wait3A_38 = tpu.memref_slice %arg2[%select_n3A, %add3A_20, %dma_wait3A_35, %dma_wait3A_36, %dma_wait3A_37] : memref<2x64x64x64x96xf32, #tpu.memory_space<hbm>> -> memref<1x1x4x64x96xf32, #tpu.memory_space<hbm>>
    %dma_wait3A_39 = tpu.memref_squeeze %dma_wait3A_38 : memref<1x1x4x64x96xf32, #tpu.memory_space<hbm>> -> memref<4x64x96xf32, #tpu.memory_space<hbm>>
    tpu.wait_dma2 semaphore(%arg7 : memref<!tpu.dma_semaphore, #tpu.memory_space<semaphore_mem>>) src(%dma_wait3A_39 : memref<4x64x96xf32, #tpu.memory_space<hbm>>) dst(%arg4 : memref<4x64x96xf32, #tpu.memory_space<vmem>>)
    %dma_start3A_40 = arith.constant 4 : i32
    %dma_start3A_41 = arith.constant 0 : i32
    %dma_start3A_42 = arith.constant 0 : i32
    %dma_start3A_43 = tpu.memref_slice %arg2[%select_n3A, %add3A_20, %dma_start3A_40, %dma_start3A_41, %dma_start3A_42] : memref<2x64x64x64x96xf32, #tpu.memory_space<hbm>> -> memref<1x1x4x64x96xf32, #tpu.memory_space<hbm>>
    %dma_start3A_44 = tpu.memref_squeeze %dma_start3A_43 : memref<1x1x4x64x96xf32, #tpu.memory_space<hbm>> -> memref<4x64x96xf32, #tpu.memory_space<hbm>>
    %dma_start3A_45 = arith.constant 4 : i32
    %dma_start3A_46 = arith.constant 0 : i32
    %dma_start3A_47 = arith.constant 0 : i32
    %dma_start3A_48 = tpu.memref_slice %arg2[%select_n3A, %add3A_20, %dma_start3A_45, %dma_start3A_46, %dma_start3A_47] : memref<2x64x64x64x96xf32, #tpu.memory_space<hbm>> -> memref<1x1x4x64x96xf32, #tpu.memory_space<hbm>>
    %dma_start3A_49 = tpu.memref_squeeze %dma_start3A_48 : memref<1x1x4x64x96xf32, #tpu.memory_space<hbm>> -> memref<4x64x96xf32, #tpu.memory_space<hbm>>
    tpu.enqueue_dma source(%dma_start3A_49 : memref<4x64x96xf32, #tpu.memory_space<hbm>>) target(%arg5 : memref<4x64x96xf32, #tpu.memory_space<vmem>>) target_semaphore(%arg8 : memref<!tpu.dma_semaphore, #tpu.memory_space<semaphore_mem>>)
    %scan3A = arith.constant 0 : i32
    %scan3A_50 = arith.constant 256 : i32
    %scan3A_51 = arith.addi %scan3A, %scan3A_50 : i32
    %scan3A_52 = arith.constant 1 : i32
    %scan3A_53:6 = scf.for %scan3A_458 = %scan3A to %scan3A_51 step %scan3A_52 iter_args(%scan3A_459 = %broadcast_in_dim3A_30, %scan3A_460 = %broadcast_in_dim3A_30, %scan3A_461 = %broadcast_in_dim3A_30, %scan3A_462 = %broadcast_in_dim3A_30, %scan3A_463 = %broadcast_in_dim3A_30, %scan3A_464 = %broadcast_in_dim3A_30) -> (vector<16xf32>, vector<16xf32>, vector<16xf32>, vector<16xf32>, vector<16xf32>, vector<16xf32>)  : i32 {
      %jit3A_465 = arith.constant 64 : i32
      %div3A_466 = arith.divsi %scan3A_458, %jit3A_465 : i32
      %sign3A_467 = arith.constant 0 : i32
      %sign3A_468 = arith.cmpi sgt, %scan3A_458, %sign3A_467 : i32
      %sign3A_469 = arith.extui %sign3A_468 : i1 to i32
      %sign3A_470 = arith.constant 0 : i32
      %sign3A_471 = arith.cmpi slt, %scan3A_458, %sign3A_470 : i32
      %sign3A_472 = arith.extui %sign3A_471 : i1 to i32
      %sign3A_473 = arith.subi %sign3A_469, %sign3A_472 : i32
      %sign3A_474 = arith.constant 0 : i32
      %sign3A_475 = arith.cmpi sgt, %jit3A_465, %sign3A_474 : i32
      %sign3A_476 = arith.extui %sign3A_475 : i1 to i32
      %sign3A_477 = arith.constant 0 : i32
      %sign3A_478 = arith.cmpi slt, %jit3A_465, %sign3A_477 : i32
      %sign3A_479 = arith.extui %sign3A_478 : i1 to i32
      %sign3A_480 = arith.subi %sign3A_476, %sign3A_479 : i32
      %ne3A_481 = arith.cmpi ne, %sign3A_473, %sign3A_480 : i32
      %rem3A_482 = arith.remsi %scan3A_458, %jit3A_465 : i32
      %ne3A_483 = arith.constant 0 : i32
      %ne3A_484 = arith.cmpi ne, %rem3A_482, %ne3A_483 : i32
      %and3A_485 = arith.andi %ne3A_481, %ne3A_484 : i1
      %sub3A_486 = arith.constant 1 : i32
      %sub3A_487 = arith.subi %div3A_466, %sub3A_486 : i32
      %select_n3A_488 = arith.select %and3A_485, %sub3A_487, %div3A_466 : i32
      %rem3A_489 = arith.constant 64 : i32
      %rem3A_490 = arith.remsi %scan3A_458, %rem3A_489 : i32
      %get3A = arith.index_cast %select_n3A_488 : i32 to index
      %get3A_491 = arith.index_cast %rem3A_490 : i32 to index
      %get3A_492 = arith.constant 0 : index
      %get3A_493 = tpu.vector_load %arg4[%get3A, %get3A_491, %get3A_492] {strides = array<i32>} : memref<4x64x96xf32, #tpu.memory_space<vmem>>, vector<1x1x16xf32>,
      %get3A_494 = vector.shape_cast %get3A_493 : vector<1x1x16xf32> to vector<16xf32>
      %mul3A_495 = arith.mulf %get3A_494, %get3A_494 : vector<16xf32>
      %add3A_496 = arith.addf %scan3A_459, %mul3A_495 : vector<16xf32>
      %get3A_497 = arith.index_cast %select_n3A_488 : i32 to index
      %get3A_498 = arith.index_cast %rem3A_490 : i32 to index
      %get3A_499 = arith.constant 16 : index
      %get3A_500 = tpu.vector_load %arg4[%get3A_497, %get3A_498, %get3A_499] {strides = array<i32>} : memref<4x64x96xf32, #tpu.memory_space<vmem>>, vector<1x1x16xf32>,
      %get3A_501 = vector.shape_cast %get3A_500 : vector<1x1x16xf32> to vector<16xf32>
      %mul3A_502 = arith.mulf %get3A_501, %get3A_501 : vector<16xf32>
      %add3A_503 = arith.addf %scan3A_460, %mul3A_502 : vector<16xf32>
      %get3A_504 = arith.index_cast %select_n3A_488 : i32 to index
      %get3A_505 = arith.index_cast %rem3A_490 : i32 to index
      %get3A_506 = arith.constant 32 : index
      %get3A_507 = tpu.vector_load %arg4[%get3A_504, %get3A_505, %get3A_506] {strides = array<i32>} : memref<4x64x96xf32, #tpu.memory_space<vmem>>, vector<1x1x16xf32>,
      %get3A_508 = vector.shape_cast %get3A_507 : vector<1x1x16xf32> to vector<16xf32>
      %mul3A_509 = arith.mulf %get3A_508, %get3A_508 : vector<16xf32>
      %add3A_510 = arith.addf %scan3A_461, %mul3A_509 : vector<16xf32>
      %get3A_511 = arith.index_cast %select_n3A_488 : i32 to index
      %get3A_512 = arith.index_cast %rem3A_490 : i32 to index
      %get3A_513 = arith.constant 48 : index
      %get3A_514 = tpu.vector_load %arg4[%get3A_511, %get3A_512, %get3A_513] {strides = array<i32>} : memref<4x64x96xf32, #tpu.memory_space<vmem>>, vector<1x1x16xf32>,
      %get3A_515 = vector.shape_cast %get3A_514 : vector<1x1x16xf32> to vector<16xf32>
      %mul3A_516 = arith.mulf %get3A_515, %get3A_515 : vector<16xf32>
      %add3A_517 = arith.addf %scan3A_462, %mul3A_516 : vector<16xf32>
      %get3A_518 = arith.index_cast %select_n3A_488 : i32 to index
      %get3A_519 = arith.index_cast %rem3A_490 : i32 to index
      %get3A_520 = arith.constant 64 : index
      %get3A_521 = tpu.vector_load %arg4[%get3A_518, %get3A_519, %get3A_520] {strides = array<i32>} : memref<4x64x96xf32, #tpu.memory_space<vmem>>, vector<1x1x16xf32>,
      %get3A_522 = vector.shape_cast %get3A_521 : vector<1x1x16xf32> to vector<16xf32>
      %mul3A_523 = arith.mulf %get3A_522, %get3A_522 : vector<16xf32>
      %add3A_524 = arith.addf %scan3A_463, %mul3A_523 : vector<16xf32>
      %get3A_525 = arith.index_cast %select_n3A_488 : i32 to index
      %get3A_526 = arith.index_cast %rem3A_490 : i32 to index
      %get3A_527 = arith.constant 80 : index
      %get3A_528 = tpu.vector_load %arg4[%get3A_525, %get3A_526, %get3A_527] {strides = array<i32>} : memref<4x64x96xf32, #tpu.memory_space<vmem>>, vector<1x1x16xf32>,
      %get3A_529 = vector.shape_cast %get3A_528 : vector<1x1x16xf32> to vector<16xf32>
      %mul3A_530 = arith.mulf %get3A_529, %get3A_529 : vector<16xf32>
      %add3A_531 = arith.addf %scan3A_464, %mul3A_530 : vector<16xf32>
      scf.yield %add3A_496, %add3A_503, %add3A_510, %add3A_517, %add3A_524, %add3A_531 : vector<16xf32>, vector<16xf32>, vector<16xf32>, vector<16xf32>, vector<16xf32>, vector<16xf32>
    }
    %scan3A_54 = arith.constant 256 : i32
    %dma_wait3A_55 = arith.constant 4 : i32
    %dma_wait3A_56 = arith.constant 0 : i32
    %dma_wait3A_57 = arith.constant 0 : i32
    %dma_wait3A_58 = tpu.memref_slice %arg2[%select_n3A, %add3A_20, %dma_wait3A_55, %dma_wait3A_56, %dma_wait3A_57] : memref<2x64x64x64x96xf32, #tpu.memory_space<hbm>> -> memref<1x1x4x64x96xf32, #tpu.memory_space<hbm>>
    %dma_wait3A_59 = tpu.memref_squeeze %dma_wait3A_58 : memref<1x1x4x64x96xf32, #tpu.memory_space<hbm>> -> memref<4x64x96xf32, #tpu.memory_space<hbm>>
    %dma_wait3A_60 = arith.constant 4 : i32
    %dma_wait3A_61 = arith.constant 0 : i32
    %dma_wait3A_62 = arith.constant 0 : i32
    %dma_wait3A_63 = tpu.memref_slice %arg2[%select_n3A, %add3A_20, %dma_wait3A_60, %dma_wait3A_61, %dma_wait3A_62] : memref<2x64x64x64x96xf32, #tpu.memory_space<hbm>> -> memref<1x1x4x64x96xf32, #tpu.memory_space<hbm>>
    %dma_wait3A_64 = tpu.memref_squeeze %dma_wait3A_63 : memref<1x1x4x64x96xf32, #tpu.memory_space<hbm>> -> memref<4x64x96xf32, #tpu.memory_space<hbm>>
    tpu.wait_dma2 semaphore(%arg8 : memref<!tpu.dma_semaphore, #tpu.memory_space<semaphore_mem>>) src(%dma_wait3A_64 : memref<4x64x96xf32, #tpu.memory_space<hbm>>) dst(%arg5 : memref<4x64x96xf32, #tpu.memory_space<vmem>>)
    %dma_start3A_65 = arith.constant 8 : i32
    %dma_start3A_66 = arith.constant 0 : i32
    %dma_start3A_67 = arith.constant 0 : i32
    %dma_start3A_68 = tpu.memref_slice %arg2[%select_n3A, %add3A_20, %dma_start3A_65, %dma_start3A_66, %dma_start3A_67] : memref<2x64x64x64x96xf32, #tpu.memory_space<hbm>> -> memref<1x1x4x64x96xf32, #tpu.memory_space<hbm>>
    %dma_start3A_69 = tpu.memref_squeeze %dma_start3A_68 : memref<1x1x4x64x96xf32, #tpu.memory_space<hbm>> -> memref<4x64x96xf32, #tpu.memory_space<hbm>>
    %dma_start3A_70 = arith.constant 8 : i32
    %dma_start3A_71 = arith.constant 0 : i32
    %dma_start3A_72 = arith.constant 0 : i32
    %dma_start3A_73 = tpu.memref_slice %arg2[%select_n3A, %add3A_20, %dma_start3A_70, %dma_start3A_71, %dma_start3A_72] : memref<2x64x64x64x96xf32, #tpu.memory_space<hbm>> -> memref<1x1x4x64x96xf32, #tpu.memory_space<hbm>>
    %dma_start3A_74 = tpu.memref_squeeze %dma_start3A_73 : memref<1x1x4x64x96xf32, #tpu.memory_space<hbm>> -> memref<4x64x96xf32, #tpu.memory_space<hbm>>
    tpu.enqueue_dma source(%dma_start3A_74 : memref<4x64x96xf32, #tpu.memory_space<hbm>>) target(%arg4 : memref<4x64x96xf32, #tpu.memory_space<vmem>>) target_semaphore(%arg7 : memref<!tpu.dma_semaphore, #tpu.memory_space<semaphore_mem>>)
    %scan3A_75 = arith.constant 0 : i32
    %scan3A_76 = arith.constant 256 : i32
    %scan3A_77 = arith.addi %scan3A_75, %scan3A_76 : i32
    %scan3A_78 = arith.constant 1 : i32
    %scan3A_79:6 = scf.for %scan3A_458 = %scan3A_75 to %scan3A_77 step %scan3A_78 iter_args(%scan3A_459 = %scan3A_53#0, %scan3A_460 = %scan3A_53#1, %scan3A_461 = %scan3A_53#2, %scan3A_462 = %scan3A_53#3, %scan3A_463 = %scan3A_53#4, %scan3A_464 = %scan3A_53#5) -> (vector<16xf32>, vector<16xf32>, vector<16xf32>, vector<16xf32>, vector<16xf32>, vector<16xf32>)  : i32 {
      %jit3A_465 = arith.constant 64 : i32
      %div3A_466 = arith.divsi %scan3A_458, %jit3A_465 : i32
      %sign3A_467 = arith.constant 0 : i32
      %sign3A_468 = arith.cmpi sgt, %scan3A_458, %sign3A_467 : i32
      %sign3A_469 = arith.extui %sign3A_468 : i1 to i32
      %sign3A_470 = arith.constant 0 : i32
      %sign3A_471 = arith.cmpi slt, %scan3A_458, %sign3A_470 : i32
      %sign3A_472 = arith.extui %sign3A_471 : i1 to i32
      %sign3A_473 = arith.subi %sign3A_469, %sign3A_472 : i32
      %sign3A_474 = arith.constant 0 : i32
      %sign3A_475 = arith.cmpi sgt, %jit3A_465, %sign3A_474 : i32
      %sign3A_476 = arith.extui %sign3A_475 : i1 to i32
      %sign3A_477 = arith.constant 0 : i32
      %sign3A_478 = arith.cmpi slt, %jit3A_465, %sign3A_477 : i32
      %sign3A_479 = arith.extui %sign3A_478 : i1 to i32
      %sign3A_480 = arith.subi %sign3A_476, %sign3A_479 : i32
      %ne3A_481 = arith.cmpi ne, %sign3A_473, %sign3A_480 : i32
      %rem3A_482 = arith.remsi %scan3A_458, %jit3A_465 : i32
      %ne3A_483 = arith.constant 0 : i32
      %ne3A_484 = arith.cmpi ne, %rem3A_482, %ne3A_483 : i32
      %and3A_485 = arith.andi %ne3A_481, %ne3A_484 : i1
      %sub3A_486 = arith.constant 1 : i32
      %sub3A_487 = arith.subi %div3A_466, %sub3A_486 : i32
      %select_n3A_488 = arith.select %and3A_485, %sub3A_487, %div3A_466 : i32
      %rem3A_489 = arith.constant 64 : i32
      %rem3A_490 = arith.remsi %scan3A_458, %rem3A_489 : i32
      %get3A = arith.index_cast %select_n3A_488 : i32 to index
      %get3A_491 = arith.index_cast %rem3A_490 : i32 to index
      %get3A_492 = arith.constant 0 : index
      %get3A_493 = tpu.vector_load %arg5[%get3A, %get3A_491, %get3A_492] {strides = array<i32>} : memref<4x64x96xf32, #tpu.memory_space<vmem>>, vector<1x1x16xf32>,
      %get3A_494 = vector.shape_cast %get3A_493 : vector<1x1x16xf32> to vector<16xf32>
      %mul3A_495 = arith.mulf %get3A_494, %get3A_494 : vector<16xf32>
      %add3A_496 = arith.addf %scan3A_459, %mul3A_495 : vector<16xf32>
      %get3A_497 = arith.index_cast %select_n3A_488 : i32 to index
      %get3A_498 = arith.index_cast %rem3A_490 : i32 to index
      %get3A_499 = arith.constant 16 : index
      %get3A_500 = tpu.vector_load %arg5[%get3A_497, %get3A_498, %get3A_499] {strides = array<i32>} : memref<4x64x96xf32, #tpu.memory_space<vmem>>, vector<1x1x16xf32>,
      %get3A_501 = vector.shape_cast %get3A_500 : vector<1x1x16xf32> to vector<16xf32>
      %mul3A_502 = arith.mulf %get3A_501, %get3A_501 : vector<16xf32>
      %add3A_503 = arith.addf %scan3A_460, %mul3A_502 : vector<16xf32>
      %get3A_504 = arith.index_cast %select_n3A_488 : i32 to index
      %get3A_505 = arith.index_cast %rem3A_490 : i32 to index
      %get3A_506 = arith.constant 32 : index
      %get3A_507 = tpu.vector_load %arg5[%get3A_504, %get3A_505, %get3A_506] {strides = array<i32>} : memref<4x64x96xf32, #tpu.memory_space<vmem>>, vector<1x1x16xf32>,
      %get3A_508 = vector.shape_cast %get3A_507 : vector<1x1x16xf32> to vector<16xf32>
      %mul3A_509 = arith.mulf %get3A_508, %get3A_508 : vector<16xf32>
      %add3A_510 = arith.addf %scan3A_461, %mul3A_509 : vector<16xf32>
      %get3A_511 = arith.index_cast %select_n3A_488 : i32 to index
      %get3A_512 = arith.index_cast %rem3A_490 : i32 to index
      %get3A_513 = arith.constant 48 : index
      %get3A_514 = tpu.vector_load %arg5[%get3A_511, %get3A_512, %get3A_513] {strides = array<i32>} : memref<4x64x96xf32, #tpu.memory_space<vmem>>, vector<1x1x16xf32>,
      %get3A_515 = vector.shape_cast %get3A_514 : vector<1x1x16xf32> to vector<16xf32>
      %mul3A_516 = arith.mulf %get3A_515, %get3A_515 : vector<16xf32>
      %add3A_517 = arith.addf %scan3A_462, %mul3A_516 : vector<16xf32>
      %get3A_518 = arith.index_cast %select_n3A_488 : i32 to index
      %get3A_519 = arith.index_cast %rem3A_490 : i32 to index
      %get3A_520 = arith.constant 64 : index
      %get3A_521 = tpu.vector_load %arg5[%get3A_518, %get3A_519, %get3A_520] {strides = array<i32>} : memref<4x64x96xf32, #tpu.memory_space<vmem>>, vector<1x1x16xf32>,
      %get3A_522 = vector.shape_cast %get3A_521 : vector<1x1x16xf32> to vector<16xf32>
      %mul3A_523 = arith.mulf %get3A_522, %get3A_522 : vector<16xf32>
      %add3A_524 = arith.addf %scan3A_463, %mul3A_523 : vector<16xf32>
      %get3A_525 = arith.index_cast %select_n3A_488 : i32 to index
      %get3A_526 = arith.index_cast %rem3A_490 : i32 to index
      %get3A_527 = arith.constant 80 : index
      %get3A_528 = tpu.vector_load %arg5[%get3A_525, %get3A_526, %get3A_527] {strides = array<i32>} : memref<4x64x96xf32, #tpu.memory_space<vmem>>, vector<1x1x16xf32>,
      %get3A_529 = vector.shape_cast %get3A_528 : vector<1x1x16xf32> to vector<16xf32>
      %mul3A_530 = arith.mulf %get3A_529, %get3A_529 : vector<16xf32>
      %add3A_531 = arith.addf %scan3A_464, %mul3A_530 : vector<16xf32>
      scf.yield %add3A_496, %add3A_503, %add3A_510, %add3A_517, %add3A_524, %add3A_531 : vector<16xf32>, vector<16xf32>, vector<16xf32>, vector<16xf32>, vector<16xf32>, vector<16xf32>
    }
    %scan3A_80 = arith.constant 256 : i32
    %dma_wait3A_81 = arith.constant 8 : i32
    %dma_wait3A_82 = arith.constant 0 : i32
    %dma_wait3A_83 = arith.constant 0 : i32
    %dma_wait3A_84 = tpu.memref_slice %arg2[%select_n3A, %add3A_20, %dma_wait3A_81, %dma_wait3A_82, %dma_wait3A_83] : memref<2x64x64x64x96xf32, #tpu.memory_space<hbm>> -> memref<1x1x4x64x96xf32, #tpu.memory_space<hbm>>
    %dma_wait3A_85 = tpu.memref_squeeze %dma_wait3A_84 : memref<1x1x4x64x96xf32, #tpu.memory_space<hbm>> -> memref<4x64x96xf32, #tpu.memory_space<hbm>>
    %dma_wait3A_86 = arith.constant 8 : i32
    %dma_wait3A_87 = arith.constant 0 : i32
    %dma_wait3A_88 = arith.constant 0 : i32
    %dma_wait3A_89 = tpu.memref_slice %arg2[%select_n3A, %add3A_20, %dma_wait3A_86, %dma_wait3A_87, %dma_wait3A_88] : memref<2x64x64x64x96xf32, #tpu.memory_space<hbm>> -> memref<1x1x4x64x96xf32, #tpu.memory_space<hbm>>
    %dma_wait3A_90 = tpu.memref_squeeze %dma_wait3A_89 : memref<1x1x4x64x96xf32, #tpu.memory_space<hbm>> -> memref<4x64x96xf32, #tpu.memory_space<hbm>>
    tpu.wait_dma2 semaphore(%arg7 : memref<!tpu.dma_semaphore, #tpu.memory_space<semaphore_mem>>) src(%dma_wait3A_90 : memref<4x64x96xf32, #tpu.memory_space<hbm>>) dst(%arg4 : memref<4x64x96xf32, #tpu.memory_space<vmem>>)
    %dma_start3A_91 = arith.constant 12 : i32
    %dma_start3A_92 = arith.constant 0 : i32
    %dma_start3A_93 = arith.constant 0 : i32
    %dma_start3A_94 = tpu.memref_slice %arg2[%select_n3A, %add3A_20, %dma_start3A_91, %dma_start3A_92, %dma_start3A_93] : memref<2x64x64x64x96xf32, #tpu.memory_space<hbm>> -> memref<1x1x4x64x96xf32, #tpu.memory_space<hbm>>
    %dma_start3A_95 = tpu.memref_squeeze %dma_start3A_94 : memref<1x1x4x64x96xf32, #tpu.memory_space<hbm>> -> memref<4x64x96xf32, #tpu.memory_space<hbm>>
    %dma_start3A_96 = arith.constant 12 : i32
    %dma_start3A_97 = arith.constant 0 : i32
    %dma_start3A_98 = arith.constant 0 : i32
    %dma_start3A_99 = tpu.memref_slice %arg2[%select_n3A, %add3A_20, %dma_start3A_96, %dma_start3A_97, %dma_start3A_98] : memref<2x64x64x64x96xf32, #tpu.memory_space<hbm>> -> memref<1x1x4x64x96xf32, #tpu.memory_space<hbm>>
    %dma_start3A_100 = tpu.memref_squeeze %dma_start3A_99 : memref<1x1x4x64x96xf32, #tpu.memory_space<hbm>> -> memref<4x64x96xf32, #tpu.memory_space<hbm>>
    tpu.enqueue_dma source(%dma_start3A_100 : memref<4x64x96xf32, #tpu.memory_space<hbm>>) target(%arg5 : memref<4x64x96xf32, #tpu.memory_space<vmem>>) target_semaphore(%arg8 : memref<!tpu.dma_semaphore, #tpu.memory_space<semaphore_mem>>)
    %scan3A_101 = arith.constant 0 : i32
    %scan3A_102 = arith.constant 256 : i32
    %scan3A_103 = arith.addi %scan3A_101, %scan3A_102 : i32
    %scan3A_104 = arith.constant 1 : i32
    %scan3A_105:6 = scf.for %scan3A_458 = %scan3A_101 to %scan3A_103 step %scan3A_104 iter_args(%scan3A_459 = %scan3A_79#0, %scan3A_460 = %scan3A_79#1, %scan3A_461 = %scan3A_79#2, %scan3A_462 = %scan3A_79#3, %scan3A_463 = %scan3A_79#4, %scan3A_464 = %scan3A_79#5) -> (vector<16xf32>, vector<16xf32>, vector<16xf32>, vector<16xf32>, vector<16xf32>, vector<16xf32>)  : i32 {
      %jit3A_465 = arith.constant 64 : i32
      %div3A_466 = arith.divsi %scan3A_458, %jit3A_465 : i32
      %sign3A_467 = arith.constant 0 : i32
      %sign3A_468 = arith.cmpi sgt, %scan3A_458, %sign3A_467 : i32
      %sign3A_469 = arith.extui %sign3A_468 : i1 to i32
      %sign3A_470 = arith.constant 0 : i32
      %sign3A_471 = arith.cmpi slt, %scan3A_458, %sign3A_470 : i32
      %sign3A_472 = arith.extui %sign3A_471 : i1 to i32
      %sign3A_473 = arith.subi %sign3A_469, %sign3A_472 : i32
      %sign3A_474 = arith.constant 0 : i32
      %sign3A_475 = arith.cmpi sgt, %jit3A_465, %sign3A_474 : i32
      %sign3A_476 = arith.extui %sign3A_475 : i1 to i32
      %sign3A_477 = arith.constant 0 : i32
      %sign3A_478 = arith.cmpi slt, %jit3A_465, %sign3A_477 : i32
      %sign3A_479 = arith.extui %sign3A_478 : i1 to i32
      %sign3A_480 = arith.subi %sign3A_476, %sign3A_479 : i32
      %ne3A_481 = arith.cmpi ne, %sign3A_473, %sign3A_480 : i32
      %rem3A_482 = arith.remsi %scan3A_458, %jit3A_465 : i32
      %ne3A_483 = arith.constant 0 : i32
      %ne3A_484 = arith.cmpi ne, %rem3A_482, %ne3A_483 : i32
      %and3A_485 = arith.andi %ne3A_481, %ne3A_484 : i1
      %sub3A_486 = arith.constant 1 : i32
      %sub3A_487 = arith.subi %div3A_466, %sub3A_486 : i32
      %select_n3A_488 = arith.select %and3A_485, %sub3A_487, %div3A_466 : i32
      %rem3A_489 = arith.constant 64 : i32
      %rem3A_490 = arith.remsi %scan3A_458, %rem3A_489 : i32
      %get3A = arith.index_cast %select_n3A_488 : i32 to index
      %get3A_491 = arith.index_cast %rem3A_490 : i32 to index
      %get3A_492 = arith.constant 0 : index
      %get3A_493 = tpu.vector_load %arg4[%get3A, %get3A_491, %get3A_492] {strides = array<i32>} : memref<4x64x96xf32, #tpu.memory_space<vmem>>, vector<1x1x16xf32>,
      %get3A_494 = vector.shape_cast %get3A_493 : vector<1x1x16xf32> to vector<16xf32>
      %mul3A_495 = arith.mulf %get3A_494, %get3A_494 : vector<16xf32>
      %add3A_496 = arith.addf %scan3A_459, %mul3A_495 : vector<16xf32>
      %get3A_497 = arith.index_cast %select_n3A_488 : i32 to index
      %get3A_498 = arith.index_cast %rem3A_490 : i32 to index
      %get3A_499 = arith.constant 16 : index
      %get3A_500 = tpu.vector_load %arg4[%get3A_497, %get3A_498, %get3A_499] {strides = array<i32>} : memref<4x64x96xf32, #tpu.memory_space<vmem>>, vector<1x1x16xf32>,
      %get3A_501 = vector.shape_cast %get3A_500 : vector<1x1x16xf32> to vector<16xf32>
      %mul3A_502 = arith.mulf %get3A_501, %get3A_501 : vector<16xf32>
      %add3A_503 = arith.addf %scan3A_460, %mul3A_502 : vector<16xf32>
      %get3A_504 = arith.index_cast %select_n3A_488 : i32 to index
      %get3A_505 = arith.index_cast %rem3A_490 : i32 to index
      %get3A_506 = arith.constant 32 : index
      %get3A_507 = tpu.vector_load %arg4[%get3A_504, %get3A_505, %get3A_506] {strides = array<i32>} : memref<4x64x96xf32, #tpu.memory_space<vmem>>, vector<1x1x16xf32>,
      %get3A_508 = vector.shape_cast %get3A_507 : vector<1x1x16xf32> to vector<16xf32>
      %mul3A_509 = arith.mulf %get3A_508, %get3A_508 : vector<16xf32>
      %add3A_510 = arith.addf %scan3A_461, %mul3A_509 : vector<16xf32>
      %get3A_511 = arith.index_cast %select_n3A_488 : i32 to index
      %get3A_512 = arith.index_cast %rem3A_490 : i32 to index
      %get3A_513 = arith.constant 48 : index
      %get3A_514 = tpu.vector_load %arg4[%get3A_511, %get3A_512, %get3A_513] {strides = array<i32>} : memref<4x64x96xf32, #tpu.memory_space<vmem>>, vector<1x1x16xf32>,
      %get3A_515 = vector.shape_cast %get3A_514 : vector<1x1x16xf32> to vector<16xf32>
      %mul3A_516 = arith.mulf %get3A_515, %get3A_515 : vector<16xf32>
      %add3A_517 = arith.addf %scan3A_462, %mul3A_516 : vector<16xf32>
      %get3A_518 = arith.index_cast %select_n3A_488 : i32 to index
      %get3A_519 = arith.index_cast %rem3A_490 : i32 to index
      %get3A_520 = arith.constant 64 : index
      %get3A_521 = tpu.vector_load %arg4[%get3A_518, %get3A_519, %get3A_520] {strides = array<i32>} : memref<4x64x96xf32, #tpu.memory_space<vmem>>, vector<1x1x16xf32>,
      %get3A_522 = vector.shape_cast %get3A_521 : vector<1x1x16xf32> to vector<16xf32>
      %mul3A_523 = arith.mulf %get3A_522, %get3A_522 : vector<16xf32>
      %add3A_524 = arith.addf %scan3A_463, %mul3A_523 : vector<16xf32>
      %get3A_525 = arith.index_cast %select_n3A_488 : i32 to index
      %get3A_526 = arith.index_cast %rem3A_490 : i32 to index
      %get3A_527 = arith.constant 80 : index
      %get3A_528 = tpu.vector_load %arg4[%get3A_525, %get3A_526, %get3A_527] {strides = array<i32>} : memref<4x64x96xf32, #tpu.memory_space<vmem>>, vector<1x1x16xf32>,
      %get3A_529 = vector.shape_cast %get3A_528 : vector<1x1x16xf32> to vector<16xf32>
      %mul3A_530 = arith.mulf %get3A_529, %get3A_529 : vector<16xf32>
      %add3A_531 = arith.addf %scan3A_464, %mul3A_530 : vector<16xf32>
      scf.yield %add3A_496, %add3A_503, %add3A_510, %add3A_517, %add3A_524, %add3A_531 : vector<16xf32>, vector<16xf32>, vector<16xf32>, vector<16xf32>, vector<16xf32>, vector<16xf32>
    }
    %scan3A_106 = arith.constant 256 : i32
    %dma_wait3A_107 = arith.constant 12 : i32
    %dma_wait3A_108 = arith.constant 0 : i32
    %dma_wait3A_109 = arith.constant 0 : i32
    %dma_wait3A_110 = tpu.memref_slice %arg2[%select_n3A, %add3A_20, %dma_wait3A_107, %dma_wait3A_108, %dma_wait3A_109] : memref<2x64x64x64x96xf32, #tpu.memory_space<hbm>> -> memref<1x1x4x64x96xf32, #tpu.memory_space<hbm>>
    %dma_wait3A_111 = tpu.memref_squeeze %dma_wait3A_110 : memref<1x1x4x64x96xf32, #tpu.memory_space<hbm>> -> memref<4x64x96xf32, #tpu.memory_space<hbm>>
    %dma_wait3A_112 = arith.constant 12 : i32
    %dma_wait3A_113 = arith.constant 0 : i32
    %dma_wait3A_114 = arith.constant 0 : i32
    %dma_wait3A_115 = tpu.memref_slice %arg2[%select_n3A, %add3A_20, %dma_wait3A_112, %dma_wait3A_113, %dma_wait3A_114] : memref<2x64x64x64x96xf32, #tpu.memory_space<hbm>> -> memref<1x1x4x64x96xf32, #tpu.memory_space<hbm>>
    %dma_wait3A_116 = tpu.memref_squeeze %dma_wait3A_115 : memref<1x1x4x64x96xf32, #tpu.memory_space<hbm>> -> memref<4x64x96xf32, #tpu.memory_space<hbm>>
    tpu.wait_dma2 semaphore(%arg8 : memref<!tpu.dma_semaphore, #tpu.memory_space<semaphore_mem>>) src(%dma_wait3A_116 : memref<4x64x96xf32, #tpu.memory_space<hbm>>) dst(%arg5 : memref<4x64x96xf32, #tpu.memory_space<vmem>>)
    %dma_start3A_117 = arith.constant 16 : i32
    %dma_start3A_118 = arith.constant 0 : i32
    %dma_start3A_119 = arith.constant 0 : i32
    %dma_start3A_120 = tpu.memref_slice %arg2[%select_n3A, %add3A_20, %dma_start3A_117, %dma_start3A_118, %dma_start3A_119] : memref<2x64x64x64x96xf32, #tpu.memory_space<hbm>> -> memref<1x1x4x64x96xf32, #tpu.memory_space<hbm>>
    %dma_start3A_121 = tpu.memref_squeeze %dma_start3A_120 : memref<1x1x4x64x96xf32, #tpu.memory_space<hbm>> -> memref<4x64x96xf32, #tpu.memory_space<hbm>>
    %dma_start3A_122 = arith.constant 16 : i32
    %dma_start3A_123 = arith.constant 0 : i32
    %dma_start3A_124 = arith.constant 0 : i32
    %dma_start3A_125 = tpu.memref_slice %arg2[%select_n3A, %add3A_20, %dma_start3A_122, %dma_start3A_123, %dma_start3A_124] : memref<2x64x64x64x96xf32, #tpu.memory_space<hbm>> -> memref<1x1x4x64x96xf32, #tpu.memory_space<hbm>>
    %dma_start3A_126 = tpu.memref_squeeze %dma_start3A_125 : memref<1x1x4x64x96xf32, #tpu.memory_space<hbm>> -> memref<4x64x96xf32, #tpu.memory_space<hbm>>
    tpu.enqueue_dma source(%dma_start3A_126 : memref<4x64x96xf32, #tpu.memory_space<hbm>>) target(%arg4 : memref<4x64x96xf32, #tpu.memory_space<vmem>>) target_semaphore(%arg7 : memref<!tpu.dma_semaphore, #tpu.memory_space<semaphore_mem>>)
    %scan3A_127 = arith.constant 0 : i32
    %scan3A_128 = arith.constant 256 : i32
    %scan3A_129 = arith.addi %scan3A_127, %scan3A_128 : i32
    %scan3A_130 = arith.constant 1 : i32
    %scan3A_131:6 = scf.for %scan3A_458 = %scan3A_127 to %scan3A_129 step %scan3A_130 iter_args(%scan3A_459 = %scan3A_105#0, %scan3A_460 = %scan3A_105#1, %scan3A_461 = %scan3A_105#2, %scan3A_462 = %scan3A_105#3, %scan3A_463 = %scan3A_105#4, %scan3A_464 = %scan3A_105#5) -> (vector<16xf32>, vector<16xf32>, vector<16xf32>, vector<16xf32>, vector<16xf32>, vector<16xf32>)  : i32 {
      %jit3A_465 = arith.constant 64 : i32
      %div3A_466 = arith.divsi %scan3A_458, %jit3A_465 : i32
      %sign3A_467 = arith.constant 0 : i32
      %sign3A_468 = arith.cmpi sgt, %scan3A_458, %sign3A_467 : i32
      %sign3A_469 = arith.extui %sign3A_468 : i1 to i32
      %sign3A_470 = arith.constant 0 : i32
      %sign3A_471 = arith.cmpi slt, %scan3A_458, %sign3A_470 : i32
      %sign3A_472 = arith.extui %sign3A_471 : i1 to i32
      %sign3A_473 = arith.subi %sign3A_469, %sign3A_472 : i32
      %sign3A_474 = arith.constant 0 : i32
      %sign3A_475 = arith.cmpi sgt, %jit3A_465, %sign3A_474 : i32
      %sign3A_476 = arith.extui %sign3A_475 : i1 to i32
      %sign3A_477 = arith.constant 0 : i32
      %sign3A_478 = arith.cmpi slt, %jit3A_465, %sign3A_477 : i32
      %sign3A_479 = arith.extui %sign3A_478 : i1 to i32
      %sign3A_480 = arith.subi %sign3A_476, %sign3A_479 : i32
      %ne3A_481 = arith.cmpi ne, %sign3A_473, %sign3A_480 : i32
      %rem3A_482 = arith.remsi %scan3A_458, %jit3A_465 : i32
      %ne3A_483 = arith.constant 0 : i32
      %ne3A_484 = arith.cmpi ne, %rem3A_482, %ne3A_483 : i32
      %and3A_485 = arith.andi %ne3A_481, %ne3A_484 : i1
      %sub3A_486 = arith.constant 1 : i32
      %sub3A_487 = arith.subi %div3A_466, %sub3A_486 : i32
      %select_n3A_488 = arith.select %and3A_485, %sub3A_487, %div3A_466 : i32
      %rem3A_489 = arith.constant 64 : i32
      %rem3A_490 = arith.remsi %scan3A_458, %rem3A_489 : i32
      %get3A = arith.index_cast %select_n3A_488 : i32 to index
      %get3A_491 = arith.index_cast %rem3A_490 : i32 to index
      %get3A_492 = arith.constant 0 : index
      %get3A_493 = tpu.vector_load %arg5[%get3A, %get3A_491, %get3A_492] {strides = array<i32>} : memref<4x64x96xf32, #tpu.memory_space<vmem>>, vector<1x1x16xf32>,
      %get3A_494 = vector.shape_cast %get3A_493 : vector<1x1x16xf32> to vector<16xf32>
      %mul3A_495 = arith.mulf %get3A_494, %get3A_494 : vector<16xf32>
      %add3A_496 = arith.addf %scan3A_459, %mul3A_495 : vector<16xf32>
      %get3A_497 = arith.index_cast %select_n3A_488 : i32 to index
      %get3A_498 = arith.index_cast %rem3A_490 : i32 to index
      %get3A_499 = arith.constant 16 : index
      %get3A_500 = tpu.vector_load %arg5[%get3A_497, %get3A_498, %get3A_499] {strides = array<i32>} : memref<4x64x96xf32, #tpu.memory_space<vmem>>, vector<1x1x16xf32>,
      %get3A_501 = vector.shape_cast %get3A_500 : vector<1x1x16xf32> to vector<16xf32>
      %mul3A_502 = arith.mulf %get3A_501, %get3A_501 : vector<16xf32>
      %add3A_503 = arith.addf %scan3A_460, %mul3A_502 : vector<16xf32>
      %get3A_504 = arith.index_cast %select_n3A_488 : i32 to index
      %get3A_505 = arith.index_cast %rem3A_490 : i32 to index
      %get3A_506 = arith.constant 32 : index
      %get3A_507 = tpu.vector_load %arg5[%get3A_504, %get3A_505, %get3A_506] {strides = array<i32>} : memref<4x64x96xf32, #tpu.memory_space<vmem>>, vector<1x1x16xf32>,
      %get3A_508 = vector.shape_cast %get3A_507 : vector<1x1x16xf32> to vector<16xf32>
      %mul3A_509 = arith.mulf %get3A_508, %get3A_508 : vector<16xf32>
      %add3A_510 = arith.addf %scan3A_461, %mul3A_509 : vector<16xf32>
      %get3A_511 = arith.index_cast %select_n3A_488 : i32 to index
      %get3A_512 = arith.index_cast %rem3A_490 : i32 to index
      %get3A_513 = arith.constant 48 : index
      %get3A_514 = tpu.vector_load %arg5[%get3A_511, %get3A_512, %get3A_513] {strides = array<i32>} : memref<4x64x96xf32, #tpu.memory_space<vmem>>, vector<1x1x16xf32>,
      %get3A_515 = vector.shape_cast %get3A_514 : vector<1x1x16xf32> to vector<16xf32>
      %mul3A_516 = arith.mulf %get3A_515, %get3A_515 : vector<16xf32>
      %add3A_517 = arith.addf %scan3A_462, %mul3A_516 : vector<16xf32>
      %get3A_518 = arith.index_cast %select_n3A_488 : i32 to index
      %get3A_519 = arith.index_cast %rem3A_490 : i32 to index
      %get3A_520 = arith.constant 64 : index
      %get3A_521 = tpu.vector_load %arg5[%get3A_518, %get3A_519, %get3A_520] {strides = array<i32>} : memref<4x64x96xf32, #tpu.memory_space<vmem>>, vector<1x1x16xf32>,
      %get3A_522 = vector.shape_cast %get3A_521 : vector<1x1x16xf32> to vector<16xf32>
      %mul3A_523 = arith.mulf %get3A_522, %get3A_522 : vector<16xf32>
      %add3A_524 = arith.addf %scan3A_463, %mul3A_523 : vector<16xf32>
      %get3A_525 = arith.index_cast %select_n3A_488 : i32 to index
      %get3A_526 = arith.index_cast %rem3A_490 : i32 to index
      %get3A_527 = arith.constant 80 : index
      %get3A_528 = tpu.vector_load %arg5[%get3A_525, %get3A_526, %get3A_527] {strides = array<i32>} : memref<4x64x96xf32, #tpu.memory_space<vmem>>, vector<1x1x16xf32>,
      %get3A_529 = vector.shape_cast %get3A_528 : vector<1x1x16xf32> to vector<16xf32>
      %mul3A_530 = arith.mulf %get3A_529, %get3A_529 : vector<16xf32>
      %add3A_531 = arith.addf %scan3A_464, %mul3A_530 : vector<16xf32>
      scf.yield %add3A_496, %add3A_503, %add3A_510, %add3A_517, %add3A_524, %add3A_531 : vector<16xf32>, vector<16xf32>, vector<16xf32>, vector<16xf32>, vector<16xf32>, vector<16xf32>
    }
    %scan3A_132 = arith.constant 256 : i32
    %dma_wait3A_133 = arith.constant 16 : i32
    %dma_wait3A_134 = arith.constant 0 : i32
    %dma_wait3A_135 = arith.constant 0 : i32
    %dma_wait3A_136 = tpu.memref_slice %arg2[%select_n3A, %add3A_20, %dma_wait3A_133, %dma_wait3A_134, %dma_wait3A_135] : memref<2x64x64x64x96xf32, #tpu.memory_space<hbm>> -> memref<1x1x4x64x96xf32, #tpu.memory_space<hbm>>
    %dma_wait3A_137 = tpu.memref_squeeze %dma_wait3A_136 : memref<1x1x4x64x96xf32, #tpu.memory_space<hbm>> -> memref<4x64x96xf32, #tpu.memory_space<hbm>>
    %dma_wait3A_138 = arith.constant 16 : i32
    %dma_wait3A_139 = arith.constant 0 : i32
    %dma_wait3A_140 = arith.constant 0 : i32
    %dma_wait3A_141 = tpu.memref_slice %arg2[%select_n3A, %add3A_20, %dma_wait3A_138, %dma_wait3A_139, %dma_wait3A_140] : memref<2x64x64x64x96xf32, #tpu.memory_space<hbm>> -> memref<1x1x4x64x96xf32, #tpu.memory_space<hbm>>
    %dma_wait3A_142 = tpu.memref_squeeze %dma_wait3A_141 : memref<1x1x4x64x96xf32, #tpu.memory_space<hbm>> -> memref<4x64x96xf32, #tpu.memory_space<hbm>>
    tpu.wait_dma2 semaphore(%arg7 : memref<!tpu.dma_semaphore, #tpu.memory_space<semaphore_mem>>) src(%dma_wait3A_142 : memref<4x64x96xf32, #tpu.memory_space<hbm>>) dst(%arg4 : memref<4x64x96xf32, #tpu.memory_space<vmem>>)
    %dma_start3A_143 = arith.constant 20 : i32
    %dma_start3A_144 = arith.constant 0 : i32
    %dma_start3A_145 = arith.constant 0 : i32
    %dma_start3A_146 = tpu.memref_slice %arg2[%select_n3A, %add3A_20, %dma_start3A_143, %dma_start3A_144, %dma_start3A_145] : memref<2x64x64x64x96xf32, #tpu.memory_space<hbm>> -> memref<1x1x4x64x96xf32, #tpu.memory_space<hbm>>
    %dma_start3A_147 = tpu.memref_squeeze %dma_start3A_146 : memref<1x1x4x64x96xf32, #tpu.memory_space<hbm>> -> memref<4x64x96xf32, #tpu.memory_space<hbm>>
    %dma_start3A_148 = arith.constant 20 : i32
    %dma_start3A_149 = arith.constant 0 : i32
    %dma_start3A_150 = arith.constant 0 : i32
    %dma_start3A_151 = tpu.memref_slice %arg2[%select_n3A, %add3A_20, %dma_start3A_148, %dma_start3A_149, %dma_start3A_150] : memref<2x64x64x64x96xf32, #tpu.memory_space<hbm>> -> memref<1x1x4x64x96xf32, #tpu.memory_space<hbm>>
    %dma_start3A_152 = tpu.memref_squeeze %dma_start3A_151 : memref<1x1x4x64x96xf32, #tpu.memory_space<hbm>> -> memref<4x64x96xf32, #tpu.memory_space<hbm>>
    tpu.enqueue_dma source(%dma_start3A_152 : memref<4x64x96xf32, #tpu.memory_space<hbm>>) target(%arg5 : memref<4x64x96xf32, #tpu.memory_space<vmem>>) target_semaphore(%arg8 : memref<!tpu.dma_semaphore, #tpu.memory_space<semaphore_mem>>)
    %scan3A_153 = arith.constant 0 : i32
    %scan3A_154 = arith.constant 256 : i32
    %scan3A_155 = arith.addi %scan3A_153, %scan3A_154 : i32
    %scan3A_156 = arith.constant 1 : i32
    %scan3A_157:6 = scf.for %scan3A_458 = %scan3A_153 to %scan3A_155 step %scan3A_156 iter_args(%scan3A_459 = %scan3A_131#0, %scan3A_460 = %scan3A_131#1, %scan3A_461 = %scan3A_131#2, %scan3A_462 = %scan3A_131#3, %scan3A_463 = %scan3A_131#4, %scan3A_464 = %scan3A_131#5) -> (vector<16xf32>, vector<16xf32>, vector<16xf32>, vector<16xf32>, vector<16xf32>, vector<16xf32>)  : i32 {
      %jit3A_465 = arith.constant 64 : i32
      %div3A_466 = arith.divsi %scan3A_458, %jit3A_465 : i32
      %sign3A_467 = arith.constant 0 : i32
      %sign3A_468 = arith.cmpi sgt, %scan3A_458, %sign3A_467 : i32
      %sign3A_469 = arith.extui %sign3A_468 : i1 to i32
      %sign3A_470 = arith.constant 0 : i32
      %sign3A_471 = arith.cmpi slt, %scan3A_458, %sign3A_470 : i32
      %sign3A_472 = arith.extui %sign3A_471 : i1 to i32
      %sign3A_473 = arith.subi %sign3A_469, %sign3A_472 : i32
      %sign3A_474 = arith.constant 0 : i32
      %sign3A_475 = arith.cmpi sgt, %jit3A_465, %sign3A_474 : i32
      %sign3A_476 = arith.extui %sign3A_475 : i1 to i32
      %sign3A_477 = arith.constant 0 : i32
      %sign3A_478 = arith.cmpi slt, %jit3A_465, %sign3A_477 : i32
      %sign3A_479 = arith.extui %sign3A_478 : i1 to i32
      %sign3A_480 = arith.subi %sign3A_476, %sign3A_479 : i32
      %ne3A_481 = arith.cmpi ne, %sign3A_473, %sign3A_480 : i32
      %rem3A_482 = arith.remsi %scan3A_458, %jit3A_465 : i32
      %ne3A_483 = arith.constant 0 : i32
      %ne3A_484 = arith.cmpi ne, %rem3A_482, %ne3A_483 : i32
      %and3A_485 = arith.andi %ne3A_481, %ne3A_484 : i1
      %sub3A_486 = arith.constant 1 : i32
      %sub3A_487 = arith.subi %div3A_466, %sub3A_486 : i32
      %select_n3A_488 = arith.select %and3A_485, %sub3A_487, %div3A_466 : i32
      %rem3A_489 = arith.constant 64 : i32
      %rem3A_490 = arith.remsi %scan3A_458, %rem3A_489 : i32
      %get3A = arith.index_cast %select_n3A_488 : i32 to index
      %get3A_491 = arith.index_cast %rem3A_490 : i32 to index
      %get3A_492 = arith.constant 0 : index
      %get3A_493 = tpu.vector_load %arg4[%get3A, %get3A_491, %get3A_492] {strides = array<i32>} : memref<4x64x96xf32, #tpu.memory_space<vmem>>, vector<1x1x16xf32>,
      %get3A_494 = vector.shape_cast %get3A_493 : vector<1x1x16xf32> to vector<16xf32>
      %mul3A_495 = arith.mulf %get3A_494, %get3A_494 : vector<16xf32>
      %add3A_496 = arith.addf %scan3A_459, %mul3A_495 : vector<16xf32>
      %get3A_497 = arith.index_cast %select_n3A_488 : i32 to index
      %get3A_498 = arith.index_cast %rem3A_490 : i32 to index
      %get3A_499 = arith.constant 16 : index
      %get3A_500 = tpu.vector_load %arg4[%get3A_497, %get3A_498, %get3A_499] {strides = array<i32>} : memref<4x64x96xf32, #tpu.memory_space<vmem>>, vector<1x1x16xf32>,
      %get3A_501 = vector.shape_cast %get3A_500 : vector<1x1x16xf32> to vector<16xf32>
      %mul3A_502 = arith.mulf %get3A_501, %get3A_501 : vector<16xf32>
      %add3A_503 = arith.addf %scan3A_460, %mul3A_502 : vector<16xf32>
      %get3A_504 = arith.index_cast %select_n3A_488 : i32 to index
      %get3A_505 = arith.index_cast %rem3A_490 : i32 to index
      %get3A_506 = arith.constant 32 : index
      %get3A_507 = tpu.vector_load %arg4[%get3A_504, %get3A_505, %get3A_506] {strides = array<i32>} : memref<4x64x96xf32, #tpu.memory_space<vmem>>, vector<1x1x16xf32>,
      %get3A_508 = vector.shape_cast %get3A_507 : vector<1x1x16xf32> to vector<16xf32>
      %mul3A_509 = arith.mulf %get3A_508, %get3A_508 : vector<16xf32>
      %add3A_510 = arith.addf %scan3A_461, %mul3A_509 : vector<16xf32>
      %get3A_511 = arith.index_cast %select_n3A_488 : i32 to index
      %get3A_512 = arith.index_cast %rem3A_490 : i32 to index
      %get3A_513 = arith.constant 48 : index
      %get3A_514 = tpu.vector_load %arg4[%get3A_511, %get3A_512, %get3A_513] {strides = array<i32>} : memref<4x64x96xf32, #tpu.memory_space<vmem>>, vector<1x1x16xf32>,
      %get3A_515 = vector.shape_cast %get3A_514 : vector<1x1x16xf32> to vector<16xf32>
      %mul3A_516 = arith.mulf %get3A_515, %get3A_515 : vector<16xf32>
      %add3A_517 = arith.addf %scan3A_462, %mul3A_516 : vector<16xf32>
      %get3A_518 = arith.index_cast %select_n3A_488 : i32 to index
      %get3A_519 = arith.index_cast %rem3A_490 : i32 to index
      %get3A_520 = arith.constant 64 : index
      %get3A_521 = tpu.vector_load %arg4[%get3A_518, %get3A_519, %get3A_520] {strides = array<i32>} : memref<4x64x96xf32, #tpu.memory_space<vmem>>, vector<1x1x16xf32>,
      %get3A_522 = vector.shape_cast %get3A_521 : vector<1x1x16xf32> to vector<16xf32>
      %mul3A_523 = arith.mulf %get3A_522, %get3A_522 : vector<16xf32>
      %add3A_524 = arith.addf %scan3A_463, %mul3A_523 : vector<16xf32>
      %get3A_525 = arith.index_cast %select_n3A_488 : i32 to index
      %get3A_526 = arith.index_cast %rem3A_490 : i32 to index
      %get3A_527 = arith.constant 80 : index
      %get3A_528 = tpu.vector_load %arg4[%get3A_525, %get3A_526, %get3A_527] {strides = array<i32>} : memref<4x64x96xf32, #tpu.memory_space<vmem>>, vector<1x1x16xf32>,
      %get3A_529 = vector.shape_cast %get3A_528 : vector<1x1x16xf32> to vector<16xf32>
      %mul3A_530 = arith.mulf %get3A_529, %get3A_529 : vector<16xf32>
      %add3A_531 = arith.addf %scan3A_464, %mul3A_530 : vector<16xf32>
      scf.yield %add3A_496, %add3A_503, %add3A_510, %add3A_517, %add3A_524, %add3A_531 : vector<16xf32>, vector<16xf32>, vector<16xf32>, vector<16xf32>, vector<16xf32>, vector<16xf32>
    }
    %scan3A_158 = arith.constant 256 : i32
    %dma_wait3A_159 = arith.constant 20 : i32
    %dma_wait3A_160 = arith.constant 0 : i32
    %dma_wait3A_161 = arith.constant 0 : i32
    %dma_wait3A_162 = tpu.memref_slice %arg2[%select_n3A, %add3A_20, %dma_wait3A_159, %dma_wait3A_160, %dma_wait3A_161] : memref<2x64x64x64x96xf32, #tpu.memory_space<hbm>> -> memref<1x1x4x64x96xf32, #tpu.memory_space<hbm>>
    %dma_wait3A_163 = tpu.memref_squeeze %dma_wait3A_162 : memref<1x1x4x64x96xf32, #tpu.memory_space<hbm>> -> memref<4x64x96xf32, #tpu.memory_space<hbm>>
    %dma_wait3A_164 = arith.constant 20 : i32
    %dma_wait3A_165 = arith.constant 0 : i32
    %dma_wait3A_166 = arith.constant 0 : i32
    %dma_wait3A_167 = tpu.memref_slice %arg2[%select_n3A, %add3A_20, %dma_wait3A_164, %dma_wait3A_165, %dma_wait3A_166] : memref<2x64x64x64x96xf32, #tpu.memory_space<hbm>> -> memref<1x1x4x64x96xf32, #tpu.memory_space<hbm>>
    %dma_wait3A_168 = tpu.memref_squeeze %dma_wait3A_167 : memref<1x1x4x64x96xf32, #tpu.memory_space<hbm>> -> memref<4x64x96xf32, #tpu.memory_space<hbm>>
    tpu.wait_dma2 semaphore(%arg8 : memref<!tpu.dma_semaphore, #tpu.memory_space<semaphore_mem>>) src(%dma_wait3A_168 : memref<4x64x96xf32, #tpu.memory_space<hbm>>) dst(%arg5 : memref<4x64x96xf32, #tpu.memory_space<vmem>>)
    %dma_start3A_169 = arith.constant 24 : i32
    %dma_start3A_170 = arith.constant 0 : i32
    %dma_start3A_171 = arith.constant 0 : i32
    %dma_start3A_172 = tpu.memref_slice %arg2[%select_n3A, %add3A_20, %dma_start3A_169, %dma_start3A_170, %dma_start3A_171] : memref<2x64x64x64x96xf32, #tpu.memory_space<hbm>> -> memref<1x1x4x64x96xf32, #tpu.memory_space<hbm>>
    %dma_start3A_173 = tpu.memref_squeeze %dma_start3A_172 : memref<1x1x4x64x96xf32, #tpu.memory_space<hbm>> -> memref<4x64x96xf32, #tpu.memory_space<hbm>>
    %dma_start3A_174 = arith.constant 24 : i32
    %dma_start3A_175 = arith.constant 0 : i32
    %dma_start3A_176 = arith.constant 0 : i32
    %dma_start3A_177 = tpu.memref_slice %arg2[%select_n3A, %add3A_20, %dma_start3A_174, %dma_start3A_175, %dma_start3A_176] : memref<2x64x64x64x96xf32, #tpu.memory_space<hbm>> -> memref<1x1x4x64x96xf32, #tpu.memory_space<hbm>>
    %dma_start3A_178 = tpu.memref_squeeze %dma_start3A_177 : memref<1x1x4x64x96xf32, #tpu.memory_space<hbm>> -> memref<4x64x96xf32, #tpu.memory_space<hbm>>
    tpu.enqueue_dma source(%dma_start3A_178 : memref<4x64x96xf32, #tpu.memory_space<hbm>>) target(%arg4 : memref<4x64x96xf32, #tpu.memory_space<vmem>>) target_semaphore(%arg7 : memref<!tpu.dma_semaphore, #tpu.memory_space<semaphore_mem>>)
    %scan3A_179 = arith.constant 0 : i32
    %scan3A_180 = arith.constant 256 : i32
    %scan3A_181 = arith.addi %scan3A_179, %scan3A_180 : i32
    %scan3A_182 = arith.constant 1 : i32
    %scan3A_183:6 = scf.for %scan3A_458 = %scan3A_179 to %scan3A_181 step %scan3A_182 iter_args(%scan3A_459 = %scan3A_157#0, %scan3A_460 = %scan3A_157#1, %scan3A_461 = %scan3A_157#2, %scan3A_462 = %scan3A_157#3, %scan3A_463 = %scan3A_157#4, %scan3A_464 = %scan3A_157#5) -> (vector<16xf32>, vector<16xf32>, vector<16xf32>, vector<16xf32>, vector<16xf32>, vector<16xf32>)  : i32 {
      %jit3A_465 = arith.constant 64 : i32
      %div3A_466 = arith.divsi %scan3A_458, %jit3A_465 : i32
      %sign3A_467 = arith.constant 0 : i32
      %sign3A_468 = arith.cmpi sgt, %scan3A_458, %sign3A_467 : i32
      %sign3A_469 = arith.extui %sign3A_468 : i1 to i32
      %sign3A_470 = arith.constant 0 : i32
      %sign3A_471 = arith.cmpi slt, %scan3A_458, %sign3A_470 : i32
      %sign3A_472 = arith.extui %sign3A_471 : i1 to i32
      %sign3A_473 = arith.subi %sign3A_469, %sign3A_472 : i32
      %sign3A_474 = arith.constant 0 : i32
      %sign3A_475 = arith.cmpi sgt, %jit3A_465, %sign3A_474 : i32
      %sign3A_476 = arith.extui %sign3A_475 : i1 to i32
      %sign3A_477 = arith.constant 0 : i32
      %sign3A_478 = arith.cmpi slt, %jit3A_465, %sign3A_477 : i32
      %sign3A_479 = arith.extui %sign3A_478 : i1 to i32
      %sign3A_480 = arith.subi %sign3A_476, %sign3A_479 : i32
      %ne3A_481 = arith.cmpi ne, %sign3A_473, %sign3A_480 : i32
      %rem3A_482 = arith.remsi %scan3A_458, %jit3A_465 : i32
      %ne3A_483 = arith.constant 0 : i32
      %ne3A_484 = arith.cmpi ne, %rem3A_482, %ne3A_483 : i32
      %and3A_485 = arith.andi %ne3A_481, %ne3A_484 : i1
      %sub3A_486 = arith.constant 1 : i32
      %sub3A_487 = arith.subi %div3A_466, %sub3A_486 : i32
      %select_n3A_488 = arith.select %and3A_485, %sub3A_487, %div3A_466 : i32
      %rem3A_489 = arith.constant 64 : i32
      %rem3A_490 = arith.remsi %scan3A_458, %rem3A_489 : i32
      %get3A = arith.index_cast %select_n3A_488 : i32 to index
      %get3A_491 = arith.index_cast %rem3A_490 : i32 to index
      %get3A_492 = arith.constant 0 : index
      %get3A_493 = tpu.vector_load %arg5[%get3A, %get3A_491, %get3A_492] {strides = array<i32>} : memref<4x64x96xf32, #tpu.memory_space<vmem>>, vector<1x1x16xf32>,
      %get3A_494 = vector.shape_cast %get3A_493 : vector<1x1x16xf32> to vector<16xf32>
      %mul3A_495 = arith.mulf %get3A_494, %get3A_494 : vector<16xf32>
      %add3A_496 = arith.addf %scan3A_459, %mul3A_495 : vector<16xf32>
      %get3A_497 = arith.index_cast %select_n3A_488 : i32 to index
      %get3A_498 = arith.index_cast %rem3A_490 : i32 to index
      %get3A_499 = arith.constant 16 : index
      %get3A_500 = tpu.vector_load %arg5[%get3A_497, %get3A_498, %get3A_499] {strides = array<i32>} : memref<4x64x96xf32, #tpu.memory_space<vmem>>, vector<1x1x16xf32>,
      %get3A_501 = vector.shape_cast %get3A_500 : vector<1x1x16xf32> to vector<16xf32>
      %mul3A_502 = arith.mulf %get3A_501, %get3A_501 : vector<16xf32>
      %add3A_503 = arith.addf %scan3A_460, %mul3A_502 : vector<16xf32>
      %get3A_504 = arith.index_cast %select_n3A_488 : i32 to index
      %get3A_505 = arith.index_cast %rem3A_490 : i32 to index
      %get3A_506 = arith.constant 32 : index
      %get3A_507 = tpu.vector_load %arg5[%get3A_504, %get3A_505, %get3A_506] {strides = array<i32>} : memref<4x64x96xf32, #tpu.memory_space<vmem>>, vector<1x1x16xf32>,
      %get3A_508 = vector.shape_cast %get3A_507 : vector<1x1x16xf32> to vector<16xf32>
      %mul3A_509 = arith.mulf %get3A_508, %get3A_508 : vector<16xf32>
      %add3A_510 = arith.addf %scan3A_461, %mul3A_509 : vector<16xf32>
      %get3A_511 = arith.index_cast %select_n3A_488 : i32 to index
      %get3A_512 = arith.index_cast %rem3A_490 : i32 to index
      %get3A_513 = arith.constant 48 : index
      %get3A_514 = tpu.vector_load %arg5[%get3A_511, %get3A_512, %get3A_513] {strides = array<i32>} : memref<4x64x96xf32, #tpu.memory_space<vmem>>, vector<1x1x16xf32>,
      %get3A_515 = vector.shape_cast %get3A_514 : vector<1x1x16xf32> to vector<16xf32>
      %mul3A_516 = arith.mulf %get3A_515, %get3A_515 : vector<16xf32>
      %add3A_517 = arith.addf %scan3A_462, %mul3A_516 : vector<16xf32>
      %get3A_518 = arith.index_cast %select_n3A_488 : i32 to index
      %get3A_519 = arith.index_cast %rem3A_490 : i32 to index
      %get3A_520 = arith.constant 64 : index
      %get3A_521 = tpu.vector_load %arg5[%get3A_518, %get3A_519, %get3A_520] {strides = array<i32>} : memref<4x64x96xf32, #tpu.memory_space<vmem>>, vector<1x1x16xf32>,
      %get3A_522 = vector.shape_cast %get3A_521 : vector<1x1x16xf32> to vector<16xf32>
      %mul3A_523 = arith.mulf %get3A_522, %get3A_522 : vector<16xf32>
      %add3A_524 = arith.addf %scan3A_463, %mul3A_523 : vector<16xf32>
      %get3A_525 = arith.index_cast %select_n3A_488 : i32 to index
      %get3A_526 = arith.index_cast %rem3A_490 : i32 to index
      %get3A_527 = arith.constant 80 : index
      %get3A_528 = tpu.vector_load %arg5[%get3A_525, %get3A_526, %get3A_527] {strides = array<i32>} : memref<4x64x96xf32, #tpu.memory_space<vmem>>, vector<1x1x16xf32>,
      %get3A_529 = vector.shape_cast %get3A_528 : vector<1x1x16xf32> to vector<16xf32>
      %mul3A_530 = arith.mulf %get3A_529, %get3A_529 : vector<16xf32>
      %add3A_531 = arith.addf %scan3A_464, %mul3A_530 : vector<16xf32>
      scf.yield %add3A_496, %add3A_503, %add3A_510, %add3A_517, %add3A_524, %add3A_531 : vector<16xf32>, vector<16xf32>, vector<16xf32>, vector<16xf32>, vector<16xf32>, vector<16xf32>
    }
    %scan3A_184 = arith.constant 256 : i32
    %dma_wait3A_185 = arith.constant 24 : i32
    %dma_wait3A_186 = arith.constant 0 : i32
    %dma_wait3A_187 = arith.constant 0 : i32
    %dma_wait3A_188 = tpu.memref_slice %arg2[%select_n3A, %add3A_20, %dma_wait3A_185, %dma_wait3A_186, %dma_wait3A_187] : memref<2x64x64x64x96xf32, #tpu.memory_space<hbm>> -> memref<1x1x4x64x96xf32, #tpu.memory_space<hbm>>
    %dma_wait3A_189 = tpu.memref_squeeze %dma_wait3A_188 : memref<1x1x4x64x96xf32, #tpu.memory_space<hbm>> -> memref<4x64x96xf32, #tpu.memory_space<hbm>>
    %dma_wait3A_190 = arith.constant 24 : i32
    %dma_wait3A_191 = arith.constant 0 : i32
    %dma_wait3A_192 = arith.constant 0 : i32
    %dma_wait3A_193 = tpu.memref_slice %arg2[%select_n3A, %add3A_20, %dma_wait3A_190, %dma_wait3A_191, %dma_wait3A_192] : memref<2x64x64x64x96xf32, #tpu.memory_space<hbm>> -> memref<1x1x4x64x96xf32, #tpu.memory_space<hbm>>
    %dma_wait3A_194 = tpu.memref_squeeze %dma_wait3A_193 : memref<1x1x4x64x96xf32, #tpu.memory_space<hbm>> -> memref<4x64x96xf32, #tpu.memory_space<hbm>>
    tpu.wait_dma2 semaphore(%arg7 : memref<!tpu.dma_semaphore, #tpu.memory_space<semaphore_mem>>) src(%dma_wait3A_194 : memref<4x64x96xf32, #tpu.memory_space<hbm>>) dst(%arg4 : memref<4x64x96xf32, #tpu.memory_space<vmem>>)
    %dma_start3A_195 = arith.constant 28 : i32
    %dma_start3A_196 = arith.constant 0 : i32
    %dma_start3A_197 = arith.constant 0 : i32
    %dma_start3A_198 = tpu.memref_slice %arg2[%select_n3A, %add3A_20, %dma_start3A_195, %dma_start3A_196, %dma_start3A_197] : memref<2x64x64x64x96xf32, #tpu.memory_space<hbm>> -> memref<1x1x4x64x96xf32, #tpu.memory_space<hbm>>
    %dma_start3A_199 = tpu.memref_squeeze %dma_start3A_198 : memref<1x1x4x64x96xf32, #tpu.memory_space<hbm>> -> memref<4x64x96xf32, #tpu.memory_space<hbm>>
    %dma_start3A_200 = arith.constant 28 : i32
    %dma_start3A_201 = arith.constant 0 : i32
    %dma_start3A_202 = arith.constant 0 : i32
    %dma_start3A_203 = tpu.memref_slice %arg2[%select_n3A, %add3A_20, %dma_start3A_200, %dma_start3A_201, %dma_start3A_202] : memref<2x64x64x64x96xf32, #tpu.memory_space<hbm>> -> memref<1x1x4x64x96xf32, #tpu.memory_space<hbm>>
    %dma_start3A_204 = tpu.memref_squeeze %dma_start3A_203 : memref<1x1x4x64x96xf32, #tpu.memory_space<hbm>> -> memref<4x64x96xf32, #tpu.memory_space<hbm>>
    tpu.enqueue_dma source(%dma_start3A_204 : memref<4x64x96xf32, #tpu.memory_space<hbm>>) target(%arg5 : memref<4x64x96xf32, #tpu.memory_space<vmem>>) target_semaphore(%arg8 : memref<!tpu.dma_semaphore, #tpu.memory_space<semaphore_mem>>)
    %scan3A_205 = arith.constant 0 : i32
    %scan3A_206 = arith.constant 256 : i32
    %scan3A_207 = arith.addi %scan3A_205, %scan3A_206 : i32
    %scan3A_208 = arith.constant 1 : i32
    %scan3A_209:6 = scf.for %scan3A_458 = %scan3A_205 to %scan3A_207 step %scan3A_208 iter_args(%scan3A_459 = %scan3A_183#0, %scan3A_460 = %scan3A_183#1, %scan3A_461 = %scan3A_183#2, %scan3A_462 = %scan3A_183#3, %scan3A_463 = %scan3A_183#4, %scan3A_464 = %scan3A_183#5) -> (vector<16xf32>, vector<16xf32>, vector<16xf32>, vector<16xf32>, vector<16xf32>, vector<16xf32>)  : i32 {
      %jit3A_465 = arith.constant 64 : i32
      %div3A_466 = arith.divsi %scan3A_458, %jit3A_465 : i32
      %sign3A_467 = arith.constant 0 : i32
      %sign3A_468 = arith.cmpi sgt, %scan3A_458, %sign3A_467 : i32
      %sign3A_469 = arith.extui %sign3A_468 : i1 to i32
      %sign3A_470 = arith.constant 0 : i32
      %sign3A_471 = arith.cmpi slt, %scan3A_458, %sign3A_470 : i32
      %sign3A_472 = arith.extui %sign3A_471 : i1 to i32
      %sign3A_473 = arith.subi %sign3A_469, %sign3A_472 : i32
      %sign3A_474 = arith.constant 0 : i32
      %sign3A_475 = arith.cmpi sgt, %jit3A_465, %sign3A_474 : i32
      %sign3A_476 = arith.extui %sign3A_475 : i1 to i32
      %sign3A_477 = arith.constant 0 : i32
      %sign3A_478 = arith.cmpi slt, %jit3A_465, %sign3A_477 : i32
      %sign3A_479 = arith.extui %sign3A_478 : i1 to i32
      %sign3A_480 = arith.subi %sign3A_476, %sign3A_479 : i32
      %ne3A_481 = arith.cmpi ne, %sign3A_473, %sign3A_480 : i32
      %rem3A_482 = arith.remsi %scan3A_458, %jit3A_465 : i32
      %ne3A_483 = arith.constant 0 : i32
      %ne3A_484 = arith.cmpi ne, %rem3A_482, %ne3A_483 : i32
      %and3A_485 = arith.andi %ne3A_481, %ne3A_484 : i1
      %sub3A_486 = arith.constant 1 : i32
      %sub3A_487 = arith.subi %div3A_466, %sub3A_486 : i32
      %select_n3A_488 = arith.select %and3A_485, %sub3A_487, %div3A_466 : i32
      %rem3A_489 = arith.constant 64 : i32
      %rem3A_490 = arith.remsi %scan3A_458, %rem3A_489 : i32
      %get3A = arith.index_cast %select_n3A_488 : i32 to index
      %get3A_491 = arith.index_cast %rem3A_490 : i32 to index
      %get3A_492 = arith.constant 0 : index
      %get3A_493 = tpu.vector_load %arg4[%get3A, %get3A_491, %get3A_492] {strides = array<i32>} : memref<4x64x96xf32, #tpu.memory_space<vmem>>, vector<1x1x16xf32>,
      %get3A_494 = vector.shape_cast %get3A_493 : vector<1x1x16xf32> to vector<16xf32>
      %mul3A_495 = arith.mulf %get3A_494, %get3A_494 : vector<16xf32>
      %add3A_496 = arith.addf %scan3A_459, %mul3A_495 : vector<16xf32>
      %get3A_497 = arith.index_cast %select_n3A_488 : i32 to index
      %get3A_498 = arith.index_cast %rem3A_490 : i32 to index
      %get3A_499 = arith.constant 16 : index
      %get3A_500 = tpu.vector_load %arg4[%get3A_497, %get3A_498, %get3A_499] {strides = array<i32>} : memref<4x64x96xf32, #tpu.memory_space<vmem>>, vector<1x1x16xf32>,
      %get3A_501 = vector.shape_cast %get3A_500 : vector<1x1x16xf32> to vector<16xf32>
      %mul3A_502 = arith.mulf %get3A_501, %get3A_501 : vector<16xf32>
      %add3A_503 = arith.addf %scan3A_460, %mul3A_502 : vector<16xf32>
      %get3A_504 = arith.index_cast %select_n3A_488 : i32 to index
      %get3A_505 = arith.index_cast %rem3A_490 : i32 to index
      %get3A_506 = arith.constant 32 : index
      %get3A_507 = tpu.vector_load %arg4[%get3A_504, %get3A_505, %get3A_506] {strides = array<i32>} : memref<4x64x96xf32, #tpu.memory_space<vmem>>, vector<1x1x16xf32>,
      %get3A_508 = vector.shape_cast %get3A_507 : vector<1x1x16xf32> to vector<16xf32>
      %mul3A_509 = arith.mulf %get3A_508, %get3A_508 : vector<16xf32>
      %add3A_510 = arith.addf %scan3A_461, %mul3A_509 : vector<16xf32>
      %get3A_511 = arith.index_cast %select_n3A_488 : i32 to index
      %get3A_512 = arith.index_cast %rem3A_490 : i32 to index
      %get3A_513 = arith.constant 48 : index
      %get3A_514 = tpu.vector_load %arg4[%get3A_511, %get3A_512, %get3A_513] {strides = array<i32>} : memref<4x64x96xf32, #tpu.memory_space<vmem>>, vector<1x1x16xf32>,
      %get3A_515 = vector.shape_cast %get3A_514 : vector<1x1x16xf32> to vector<16xf32>
      %mul3A_516 = arith.mulf %get3A_515, %get3A_515 : vector<16xf32>
      %add3A_517 = arith.addf %scan3A_462, %mul3A_516 : vector<16xf32>
      %get3A_518 = arith.index_cast %select_n3A_488 : i32 to index
      %get3A_519 = arith.index_cast %rem3A_490 : i32 to index
      %get3A_520 = arith.constant 64 : index
      %get3A_521 = tpu.vector_load %arg4[%get3A_518, %get3A_519, %get3A_520] {strides = array<i32>} : memref<4x64x96xf32, #tpu.memory_space<vmem>>, vector<1x1x16xf32>,
      %get3A_522 = vector.shape_cast %get3A_521 : vector<1x1x16xf32> to vector<16xf32>
      %mul3A_523 = arith.mulf %get3A_522, %get3A_522 : vector<16xf32>
      %add3A_524 = arith.addf %scan3A_463, %mul3A_523 : vector<16xf32>
      %get3A_525 = arith.index_cast %select_n3A_488 : i32 to index
      %get3A_526 = arith.index_cast %rem3A_490 : i32 to index
      %get3A_527 = arith.constant 80 : index
      %get3A_528 = tpu.vector_load %arg4[%get3A_525, %get3A_526, %get3A_527] {strides = array<i32>} : memref<4x64x96xf32, #tpu.memory_space<vmem>>, vector<1x1x16xf32>,
      %get3A_529 = vector.shape_cast %get3A_528 : vector<1x1x16xf32> to vector<16xf32>
      %mul3A_530 = arith.mulf %get3A_529, %get3A_529 : vector<16xf32>
      %add3A_531 = arith.addf %scan3A_464, %mul3A_530 : vector<16xf32>
      scf.yield %add3A_496, %add3A_503, %add3A_510, %add3A_517, %add3A_524, %add3A_531 : vector<16xf32>, vector<16xf32>, vector<16xf32>, vector<16xf32>, vector<16xf32>, vector<16xf32>
    }
    %scan3A_210 = arith.constant 256 : i32
    %dma_wait3A_211 = arith.constant 28 : i32
    %dma_wait3A_212 = arith.constant 0 : i32
    %dma_wait3A_213 = arith.constant 0 : i32
    %dma_wait3A_214 = tpu.memref_slice %arg2[%select_n3A, %add3A_20, %dma_wait3A_211, %dma_wait3A_212, %dma_wait3A_213] : memref<2x64x64x64x96xf32, #tpu.memory_space<hbm>> -> memref<1x1x4x64x96xf32, #tpu.memory_space<hbm>>
    %dma_wait3A_215 = tpu.memref_squeeze %dma_wait3A_214 : memref<1x1x4x64x96xf32, #tpu.memory_space<hbm>> -> memref<4x64x96xf32, #tpu.memory_space<hbm>>
    %dma_wait3A_216 = arith.constant 28 : i32
    %dma_wait3A_217 = arith.constant 0 : i32
    %dma_wait3A_218 = arith.constant 0 : i32
    %dma_wait3A_219 = tpu.memref_slice %arg2[%select_n3A, %add3A_20, %dma_wait3A_216, %dma_wait3A_217, %dma_wait3A_218] : memref<2x64x64x64x96xf32, #tpu.memory_space<hbm>> -> memref<1x1x4x64x96xf32, #tpu.memory_space<hbm>>
    %dma_wait3A_220 = tpu.memref_squeeze %dma_wait3A_219 : memref<1x1x4x64x96xf32, #tpu.memory_space<hbm>> -> memref<4x64x96xf32, #tpu.memory_space<hbm>>
    tpu.wait_dma2 semaphore(%arg8 : memref<!tpu.dma_semaphore, #tpu.memory_space<semaphore_mem>>) src(%dma_wait3A_220 : memref<4x64x96xf32, #tpu.memory_space<hbm>>) dst(%arg5 : memref<4x64x96xf32, #tpu.memory_space<vmem>>)
    %dma_start3A_221 = arith.constant 32 : i32
    %dma_start3A_222 = arith.constant 0 : i32
    %dma_start3A_223 = arith.constant 0 : i32
    %dma_start3A_224 = tpu.memref_slice %arg2[%select_n3A, %add3A_20, %dma_start3A_221, %dma_start3A_222, %dma_start3A_223] : memref<2x64x64x64x96xf32, #tpu.memory_space<hbm>> -> memref<1x1x4x64x96xf32, #tpu.memory_space<hbm>>
    %dma_start3A_225 = tpu.memref_squeeze %dma_start3A_224 : memref<1x1x4x64x96xf32, #tpu.memory_space<hbm>> -> memref<4x64x96xf32, #tpu.memory_space<hbm>>
    %dma_start3A_226 = arith.constant 32 : i32
    %dma_start3A_227 = arith.constant 0 : i32
    %dma_start3A_228 = arith.constant 0 : i32
    %dma_start3A_229 = tpu.memref_slice %arg2[%select_n3A, %add3A_20, %dma_start3A_226, %dma_start3A_227, %dma_start3A_228] : memref<2x64x64x64x96xf32, #tpu.memory_space<hbm>> -> memref<1x1x4x64x96xf32, #tpu.memory_space<hbm>>
    %dma_start3A_230 = tpu.memref_squeeze %dma_start3A_229 : memref<1x1x4x64x96xf32, #tpu.memory_space<hbm>> -> memref<4x64x96xf32, #tpu.memory_space<hbm>>
    tpu.enqueue_dma source(%dma_start3A_230 : memref<4x64x96xf32, #tpu.memory_space<hbm>>) target(%arg4 : memref<4x64x96xf32, #tpu.memory_space<vmem>>) target_semaphore(%arg7 : memref<!tpu.dma_semaphore, #tpu.memory_space<semaphore_mem>>)
    %scan3A_231 = arith.constant 0 : i32
    %scan3A_232 = arith.constant 256 : i32
    %scan3A_233 = arith.addi %scan3A_231, %scan3A_232 : i32
    %scan3A_234 = arith.constant 1 : i32
    %scan3A_235:6 = scf.for %scan3A_458 = %scan3A_231 to %scan3A_233 step %scan3A_234 iter_args(%scan3A_459 = %scan3A_209#0, %scan3A_460 = %scan3A_209#1, %scan3A_461 = %scan3A_209#2, %scan3A_462 = %scan3A_209#3, %scan3A_463 = %scan3A_209#4, %scan3A_464 = %scan3A_209#5) -> (vector<16xf32>, vector<16xf32>, vector<16xf32>, vector<16xf32>, vector<16xf32>, vector<16xf32>)  : i32 {
      %jit3A_465 = arith.constant 64 : i32
      %div3A_466 = arith.divsi %scan3A_458, %jit3A_465 : i32
      %sign3A_467 = arith.constant 0 : i32
      %sign3A_468 = arith.cmpi sgt, %scan3A_458, %sign3A_467 : i32
      %sign3A_469 = arith.extui %sign3A_468 : i1 to i32
      %sign3A_470 = arith.constant 0 : i32
      %sign3A_471 = arith.cmpi slt, %scan3A_458, %sign3A_470 : i32
      %sign3A_472 = arith.extui %sign3A_471 : i1 to i32
      %sign3A_473 = arith.subi %sign3A_469, %sign3A_472 : i32
      %sign3A_474 = arith.constant 0 : i32
      %sign3A_475 = arith.cmpi sgt, %jit3A_465, %sign3A_474 : i32
      %sign3A_476 = arith.extui %sign3A_475 : i1 to i32
      %sign3A_477 = arith.constant 0 : i32
      %sign3A_478 = arith.cmpi slt, %jit3A_465, %sign3A_477 : i32
      %sign3A_479 = arith.extui %sign3A_478 : i1 to i32
      %sign3A_480 = arith.subi %sign3A_476, %sign3A_479 : i32
      %ne3A_481 = arith.cmpi ne, %sign3A_473, %sign3A_480 : i32
      %rem3A_482 = arith.remsi %scan3A_458, %jit3A_465 : i32
      %ne3A_483 = arith.constant 0 : i32
      %ne3A_484 = arith.cmpi ne, %rem3A_482, %ne3A_483 : i32
      %and3A_485 = arith.andi %ne3A_481, %ne3A_484 : i1
      %sub3A_486 = arith.constant 1 : i32
      %sub3A_487 = arith.subi %div3A_466, %sub3A_486 : i32
      %select_n3A_488 = arith.select %and3A_485, %sub3A_487, %div3A_466 : i32
      %rem3A_489 = arith.constant 64 : i32
      %rem3A_490 = arith.remsi %scan3A_458, %rem3A_489 : i32
      %get3A = arith.index_cast %select_n3A_488 : i32 to index
      %get3A_491 = arith.index_cast %rem3A_490 : i32 to index
      %get3A_492 = arith.constant 0 : index
      %get3A_493 = tpu.vector_load %arg5[%get3A, %get3A_491, %get3A_492] {strides = array<i32>} : memref<4x64x96xf32, #tpu.memory_space<vmem>>, vector<1x1x16xf32>,
      %get3A_494 = vector.shape_cast %get3A_493 : vector<1x1x16xf32> to vector<16xf32>
      %mul3A_495 = arith.mulf %get3A_494, %get3A_494 : vector<16xf32>
      %add3A_496 = arith.addf %scan3A_459, %mul3A_495 : vector<16xf32>
      %get3A_497 = arith.index_cast %select_n3A_488 : i32 to index
      %get3A_498 = arith.index_cast %rem3A_490 : i32 to index
      %get3A_499 = arith.constant 16 : index
      %get3A_500 = tpu.vector_load %arg5[%get3A_497, %get3A_498, %get3A_499] {strides = array<i32>} : memref<4x64x96xf32, #tpu.memory_space<vmem>>, vector<1x1x16xf32>,
      %get3A_501 = vector.shape_cast %get3A_500 : vector<1x1x16xf32> to vector<16xf32>
      %mul3A_502 = arith.mulf %get3A_501, %get3A_501 : vector<16xf32>
      %add3A_503 = arith.addf %scan3A_460, %mul3A_502 : vector<16xf32>
      %get3A_504 = arith.index_cast %select_n3A_488 : i32 to index
      %get3A_505 = arith.index_cast %rem3A_490 : i32 to index
      %get3A_506 = arith.constant 32 : index
      %get3A_507 = tpu.vector_load %arg5[%get3A_504, %get3A_505, %get3A_506] {strides = array<i32>} : memref<4x64x96xf32, #tpu.memory_space<vmem>>, vector<1x1x16xf32>,
      %get3A_508 = vector.shape_cast %get3A_507 : vector<1x1x16xf32> to vector<16xf32>
      %mul3A_509 = arith.mulf %get3A_508, %get3A_508 : vector<16xf32>
      %add3A_510 = arith.addf %scan3A_461, %mul3A_509 : vector<16xf32>
      %get3A_511 = arith.index_cast %select_n3A_488 : i32 to index
      %get3A_512 = arith.index_cast %rem3A_490 : i32 to index
      %get3A_513 = arith.constant 48 : index
      %get3A_514 = tpu.vector_load %arg5[%get3A_511, %get3A_512, %get3A_513] {strides = array<i32>} : memref<4x64x96xf32, #tpu.memory_space<vmem>>, vector<1x1x16xf32>,
      %get3A_515 = vector.shape_cast %get3A_514 : vector<1x1x16xf32> to vector<16xf32>
      %mul3A_516 = arith.mulf %get3A_515, %get3A_515 : vector<16xf32>
      %add3A_517 = arith.addf %scan3A_462, %mul3A_516 : vector<16xf32>
      %get3A_518 = arith.index_cast %select_n3A_488 : i32 to index
      %get3A_519 = arith.index_cast %rem3A_490 : i32 to index
      %get3A_520 = arith.constant 64 : index
      %get3A_521 = tpu.vector_load %arg5[%get3A_518, %get3A_519, %get3A_520] {strides = array<i32>} : memref<4x64x96xf32, #tpu.memory_space<vmem>>, vector<1x1x16xf32>,
      %get3A_522 = vector.shape_cast %get3A_521 : vector<1x1x16xf32> to vector<16xf32>
      %mul3A_523 = arith.mulf %get3A_522, %get3A_522 : vector<16xf32>
      %add3A_524 = arith.addf %scan3A_463, %mul3A_523 : vector<16xf32>
      %get3A_525 = arith.index_cast %select_n3A_488 : i32 to index
      %get3A_526 = arith.index_cast %rem3A_490 : i32 to index
      %get3A_527 = arith.constant 80 : index
      %get3A_528 = tpu.vector_load %arg5[%get3A_525, %get3A_526, %get3A_527] {strides = array<i32>} : memref<4x64x96xf32, #tpu.memory_space<vmem>>, vector<1x1x16xf32>,
      %get3A_529 = vector.shape_cast %get3A_528 : vector<1x1x16xf32> to vector<16xf32>
      %mul3A_530 = arith.mulf %get3A_529, %get3A_529 : vector<16xf32>
      %add3A_531 = arith.addf %scan3A_464, %mul3A_530 : vector<16xf32>
      scf.yield %add3A_496, %add3A_503, %add3A_510, %add3A_517, %add3A_524, %add3A_531 : vector<16xf32>, vector<16xf32>, vector<16xf32>, vector<16xf32>, vector<16xf32>, vector<16xf32>
    }
    %scan3A_236 = arith.constant 256 : i32
    %dma_wait3A_237 = arith.constant 32 : i32
    %dma_wait3A_238 = arith.constant 0 : i32
    %dma_wait3A_239 = arith.constant 0 : i32
    %dma_wait3A_240 = tpu.memref_slice %arg2[%select_n3A, %add3A_20, %dma_wait3A_237, %dma_wait3A_238, %dma_wait3A_239] : memref<2x64x64x64x96xf32, #tpu.memory_space<hbm>> -> memref<1x1x4x64x96xf32, #tpu.memory_space<hbm>>
    %dma_wait3A_241 = tpu.memref_squeeze %dma_wait3A_240 : memref<1x1x4x64x96xf32, #tpu.memory_space<hbm>> -> memref<4x64x96xf32, #tpu.memory_space<hbm>>
    %dma_wait3A_242 = arith.constant 32 : i32
    %dma_wait3A_243 = arith.constant 0 : i32
    %dma_wait3A_244 = arith.constant 0 : i32
    %dma_wait3A_245 = tpu.memref_slice %arg2[%select_n3A, %add3A_20, %dma_wait3A_242, %dma_wait3A_243, %dma_wait3A_244] : memref<2x64x64x64x96xf32, #tpu.memory_space<hbm>> -> memref<1x1x4x64x96xf32, #tpu.memory_space<hbm>>
    %dma_wait3A_246 = tpu.memref_squeeze %dma_wait3A_245 : memref<1x1x4x64x96xf32, #tpu.memory_space<hbm>> -> memref<4x64x96xf32, #tpu.memory_space<hbm>>
    tpu.wait_dma2 semaphore(%arg7 : memref<!tpu.dma_semaphore, #tpu.memory_space<semaphore_mem>>) src(%dma_wait3A_246 : memref<4x64x96xf32, #tpu.memory_space<hbm>>) dst(%arg4 : memref<4x64x96xf32, #tpu.memory_space<vmem>>)
    %dma_start3A_247 = arith.constant 36 : i32
    %dma_start3A_248 = arith.constant 0 : i32
    %dma_start3A_249 = arith.constant 0 : i32
    %dma_start3A_250 = tpu.memref_slice %arg2[%select_n3A, %add3A_20, %dma_start3A_247, %dma_start3A_248, %dma_start3A_249] : memref<2x64x64x64x96xf32, #tpu.memory_space<hbm>> -> memref<1x1x4x64x96xf32, #tpu.memory_space<hbm>>
    %dma_start3A_251 = tpu.memref_squeeze %dma_start3A_250 : memref<1x1x4x64x96xf32, #tpu.memory_space<hbm>> -> memref<4x64x96xf32, #tpu.memory_space<hbm>>
    %dma_start3A_252 = arith.constant 36 : i32
    %dma_start3A_253 = arith.constant 0 : i32
    %dma_start3A_254 = arith.constant 0 : i32
    %dma_start3A_255 = tpu.memref_slice %arg2[%select_n3A, %add3A_20, %dma_start3A_252, %dma_start3A_253, %dma_start3A_254] : memref<2x64x64x64x96xf32, #tpu.memory_space<hbm>> -> memref<1x1x4x64x96xf32, #tpu.memory_space<hbm>>
    %dma_start3A_256 = tpu.memref_squeeze %dma_start3A_255 : memref<1x1x4x64x96xf32, #tpu.memory_space<hbm>> -> memref<4x64x96xf32, #tpu.memory_space<hbm>>
    tpu.enqueue_dma source(%dma_start3A_256 : memref<4x64x96xf32, #tpu.memory_space<hbm>>) target(%arg5 : memref<4x64x96xf32, #tpu.memory_space<vmem>>) target_semaphore(%arg8 : memref<!tpu.dma_semaphore, #tpu.memory_space<semaphore_mem>>)
    %scan3A_257 = arith.constant 0 : i32
    %scan3A_258 = arith.constant 256 : i32
    %scan3A_259 = arith.addi %scan3A_257, %scan3A_258 : i32
    %scan3A_260 = arith.constant 1 : i32
    %scan3A_261:6 = scf.for %scan3A_458 = %scan3A_257 to %scan3A_259 step %scan3A_260 iter_args(%scan3A_459 = %scan3A_235#0, %scan3A_460 = %scan3A_235#1, %scan3A_461 = %scan3A_235#2, %scan3A_462 = %scan3A_235#3, %scan3A_463 = %scan3A_235#4, %scan3A_464 = %scan3A_235#5) -> (vector<16xf32>, vector<16xf32>, vector<16xf32>, vector<16xf32>, vector<16xf32>, vector<16xf32>)  : i32 {
      %jit3A_465 = arith.constant 64 : i32
      %div3A_466 = arith.divsi %scan3A_458, %jit3A_465 : i32
      %sign3A_467 = arith.constant 0 : i32
      %sign3A_468 = arith.cmpi sgt, %scan3A_458, %sign3A_467 : i32
      %sign3A_469 = arith.extui %sign3A_468 : i1 to i32
      %sign3A_470 = arith.constant 0 : i32
      %sign3A_471 = arith.cmpi slt, %scan3A_458, %sign3A_470 : i32
      %sign3A_472 = arith.extui %sign3A_471 : i1 to i32
      %sign3A_473 = arith.subi %sign3A_469, %sign3A_472 : i32
      %sign3A_474 = arith.constant 0 : i32
      %sign3A_475 = arith.cmpi sgt, %jit3A_465, %sign3A_474 : i32
      %sign3A_476 = arith.extui %sign3A_475 : i1 to i32
      %sign3A_477 = arith.constant 0 : i32
      %sign3A_478 = arith.cmpi slt, %jit3A_465, %sign3A_477 : i32
      %sign3A_479 = arith.extui %sign3A_478 : i1 to i32
      %sign3A_480 = arith.subi %sign3A_476, %sign3A_479 : i32
      %ne3A_481 = arith.cmpi ne, %sign3A_473, %sign3A_480 : i32
      %rem3A_482 = arith.remsi %scan3A_458, %jit3A_465 : i32
      %ne3A_483 = arith.constant 0 : i32
      %ne3A_484 = arith.cmpi ne, %rem3A_482, %ne3A_483 : i32
      %and3A_485 = arith.andi %ne3A_481, %ne3A_484 : i1
      %sub3A_486 = arith.constant 1 : i32
      %sub3A_487 = arith.subi %div3A_466, %sub3A_486 : i32
      %select_n3A_488 = arith.select %and3A_485, %sub3A_487, %div3A_466 : i32
      %rem3A_489 = arith.constant 64 : i32
      %rem3A_490 = arith.remsi %scan3A_458, %rem3A_489 : i32
      %get3A = arith.index_cast %select_n3A_488 : i32 to index
      %get3A_491 = arith.index_cast %rem3A_490 : i32 to index
      %get3A_492 = arith.constant 0 : index
      %get3A_493 = tpu.vector_load %arg4[%get3A, %get3A_491, %get3A_492] {strides = array<i32>} : memref<4x64x96xf32, #tpu.memory_space<vmem>>, vector<1x1x16xf32>,
      %get3A_494 = vector.shape_cast %get3A_493 : vector<1x1x16xf32> to vector<16xf32>
      %mul3A_495 = arith.mulf %get3A_494, %get3A_494 : vector<16xf32>
      %add3A_496 = arith.addf %scan3A_459, %mul3A_495 : vector<16xf32>
      %get3A_497 = arith.index_cast %select_n3A_488 : i32 to index
      %get3A_498 = arith.index_cast %rem3A_490 : i32 to index
      %get3A_499 = arith.constant 16 : index
      %get3A_500 = tpu.vector_load %arg4[%get3A_497, %get3A_498, %get3A_499] {strides = array<i32>} : memref<4x64x96xf32, #tpu.memory_space<vmem>>, vector<1x1x16xf32>,
      %get3A_501 = vector.shape_cast %get3A_500 : vector<1x1x16xf32> to vector<16xf32>
      %mul3A_502 = arith.mulf %get3A_501, %get3A_501 : vector<16xf32>
      %add3A_503 = arith.addf %scan3A_460, %mul3A_502 : vector<16xf32>
      %get3A_504 = arith.index_cast %select_n3A_488 : i32 to index
      %get3A_505 = arith.index_cast %rem3A_490 : i32 to index
      %get3A_506 = arith.constant 32 : index
      %get3A_507 = tpu.vector_load %arg4[%get3A_504, %get3A_505, %get3A_506] {strides = array<i32>} : memref<4x64x96xf32, #tpu.memory_space<vmem>>, vector<1x1x16xf32>,
      %get3A_508 = vector.shape_cast %get3A_507 : vector<1x1x16xf32> to vector<16xf32>
      %mul3A_509 = arith.mulf %get3A_508, %get3A_508 : vector<16xf32>
      %add3A_510 = arith.addf %scan3A_461, %mul3A_509 : vector<16xf32>
      %get3A_511 = arith.index_cast %select_n3A_488 : i32 to index
      %get3A_512 = arith.index_cast %rem3A_490 : i32 to index
      %get3A_513 = arith.constant 48 : index
      %get3A_514 = tpu.vector_load %arg4[%get3A_511, %get3A_512, %get3A_513] {strides = array<i32>} : memref<4x64x96xf32, #tpu.memory_space<vmem>>, vector<1x1x16xf32>,
      %get3A_515 = vector.shape_cast %get3A_514 : vector<1x1x16xf32> to vector<16xf32>
      %mul3A_516 = arith.mulf %get3A_515, %get3A_515 : vector<16xf32>
      %add3A_517 = arith.addf %scan3A_462, %mul3A_516 : vector<16xf32>
      %get3A_518 = arith.index_cast %select_n3A_488 : i32 to index
      %get3A_519 = arith.index_cast %rem3A_490 : i32 to index
      %get3A_520 = arith.constant 64 : index
      %get3A_521 = tpu.vector_load %arg4[%get3A_518, %get3A_519, %get3A_520] {strides = array<i32>} : memref<4x64x96xf32, #tpu.memory_space<vmem>>, vector<1x1x16xf32>,
      %get3A_522 = vector.shape_cast %get3A_521 : vector<1x1x16xf32> to vector<16xf32>
      %mul3A_523 = arith.mulf %get3A_522, %get3A_522 : vector<16xf32>
      %add3A_524 = arith.addf %scan3A_463, %mul3A_523 : vector<16xf32>
      %get3A_525 = arith.index_cast %select_n3A_488 : i32 to index
      %get3A_526 = arith.index_cast %rem3A_490 : i32 to index
      %get3A_527 = arith.constant 80 : index
      %get3A_528 = tpu.vector_load %arg4[%get3A_525, %get3A_526, %get3A_527] {strides = array<i32>} : memref<4x64x96xf32, #tpu.memory_space<vmem>>, vector<1x1x16xf32>,
      %get3A_529 = vector.shape_cast %get3A_528 : vector<1x1x16xf32> to vector<16xf32>
      %mul3A_530 = arith.mulf %get3A_529, %get3A_529 : vector<16xf32>
      %add3A_531 = arith.addf %scan3A_464, %mul3A_530 : vector<16xf32>
      scf.yield %add3A_496, %add3A_503, %add3A_510, %add3A_517, %add3A_524, %add3A_531 : vector<16xf32>, vector<16xf32>, vector<16xf32>, vector<16xf32>, vector<16xf32>, vector<16xf32>
    }
    %scan3A_262 = arith.constant 256 : i32
    %dma_wait3A_263 = arith.constant 36 : i32
    %dma_wait3A_264 = arith.constant 0 : i32
    %dma_wait3A_265 = arith.constant 0 : i32
    %dma_wait3A_266 = tpu.memref_slice %arg2[%select_n3A, %add3A_20, %dma_wait3A_263, %dma_wait3A_264, %dma_wait3A_265] : memref<2x64x64x64x96xf32, #tpu.memory_space<hbm>> -> memref<1x1x4x64x96xf32, #tpu.memory_space<hbm>>
    %dma_wait3A_267 = tpu.memref_squeeze %dma_wait3A_266 : memref<1x1x4x64x96xf32, #tpu.memory_space<hbm>> -> memref<4x64x96xf32, #tpu.memory_space<hbm>>
    %dma_wait3A_268 = arith.constant 36 : i32
    %dma_wait3A_269 = arith.constant 0 : i32
    %dma_wait3A_270 = arith.constant 0 : i32
    %dma_wait3A_271 = tpu.memref_slice %arg2[%select_n3A, %add3A_20, %dma_wait3A_268, %dma_wait3A_269, %dma_wait3A_270] : memref<2x64x64x64x96xf32, #tpu.memory_space<hbm>> -> memref<1x1x4x64x96xf32, #tpu.memory_space<hbm>>
    %dma_wait3A_272 = tpu.memref_squeeze %dma_wait3A_271 : memref<1x1x4x64x96xf32, #tpu.memory_space<hbm>> -> memref<4x64x96xf32, #tpu.memory_space<hbm>>
    tpu.wait_dma2 semaphore(%arg8 : memref<!tpu.dma_semaphore, #tpu.memory_space<semaphore_mem>>) src(%dma_wait3A_272 : memref<4x64x96xf32, #tpu.memory_space<hbm>>) dst(%arg5 : memref<4x64x96xf32, #tpu.memory_space<vmem>>)
    %dma_start3A_273 = arith.constant 40 : i32
    %dma_start3A_274 = arith.constant 0 : i32
    %dma_start3A_275 = arith.constant 0 : i32
    %dma_start3A_276 = tpu.memref_slice %arg2[%select_n3A, %add3A_20, %dma_start3A_273, %dma_start3A_274, %dma_start3A_275] : memref<2x64x64x64x96xf32, #tpu.memory_space<hbm>> -> memref<1x1x4x64x96xf32, #tpu.memory_space<hbm>>
    %dma_start3A_277 = tpu.memref_squeeze %dma_start3A_276 : memref<1x1x4x64x96xf32, #tpu.memory_space<hbm>> -> memref<4x64x96xf32, #tpu.memory_space<hbm>>
    %dma_start3A_278 = arith.constant 40 : i32
    %dma_start3A_279 = arith.constant 0 : i32
    %dma_start3A_280 = arith.constant 0 : i32
    %dma_start3A_281 = tpu.memref_slice %arg2[%select_n3A, %add3A_20, %dma_start3A_278, %dma_start3A_279, %dma_start3A_280] : memref<2x64x64x64x96xf32, #tpu.memory_space<hbm>> -> memref<1x1x4x64x96xf32, #tpu.memory_space<hbm>>
    %dma_start3A_282 = tpu.memref_squeeze %dma_start3A_281 : memref<1x1x4x64x96xf32, #tpu.memory_space<hbm>> -> memref<4x64x96xf32, #tpu.memory_space<hbm>>
    tpu.enqueue_dma source(%dma_start3A_282 : memref<4x64x96xf32, #tpu.memory_space<hbm>>) target(%arg4 : memref<4x64x96xf32, #tpu.memory_space<vmem>>) target_semaphore(%arg7 : memref<!tpu.dma_semaphore, #tpu.memory_space<semaphore_mem>>)
    %scan3A_283 = arith.constant 0 : i32
    %scan3A_284 = arith.constant 256 : i32
    %scan3A_285 = arith.addi %scan3A_283, %scan3A_284 : i32
    %scan3A_286 = arith.constant 1 : i32
    %scan3A_287:6 = scf.for %scan3A_458 = %scan3A_283 to %scan3A_285 step %scan3A_286 iter_args(%scan3A_459 = %scan3A_261#0, %scan3A_460 = %scan3A_261#1, %scan3A_461 = %scan3A_261#2, %scan3A_462 = %scan3A_261#3, %scan3A_463 = %scan3A_261#4, %scan3A_464 = %scan3A_261#5) -> (vector<16xf32>, vector<16xf32>, vector<16xf32>, vector<16xf32>, vector<16xf32>, vector<16xf32>)  : i32 {
      %jit3A_465 = arith.constant 64 : i32
      %div3A_466 = arith.divsi %scan3A_458, %jit3A_465 : i32
      %sign3A_467 = arith.constant 0 : i32
      %sign3A_468 = arith.cmpi sgt, %scan3A_458, %sign3A_467 : i32
      %sign3A_469 = arith.extui %sign3A_468 : i1 to i32
      %sign3A_470 = arith.constant 0 : i32
      %sign3A_471 = arith.cmpi slt, %scan3A_458, %sign3A_470 : i32
      %sign3A_472 = arith.extui %sign3A_471 : i1 to i32
      %sign3A_473 = arith.subi %sign3A_469, %sign3A_472 : i32
      %sign3A_474 = arith.constant 0 : i32
      %sign3A_475 = arith.cmpi sgt, %jit3A_465, %sign3A_474 : i32
      %sign3A_476 = arith.extui %sign3A_475 : i1 to i32
      %sign3A_477 = arith.constant 0 : i32
      %sign3A_478 = arith.cmpi slt, %jit3A_465, %sign3A_477 : i32
      %sign3A_479 = arith.extui %sign3A_478 : i1 to i32
      %sign3A_480 = arith.subi %sign3A_476, %sign3A_479 : i32
      %ne3A_481 = arith.cmpi ne, %sign3A_473, %sign3A_480 : i32
      %rem3A_482 = arith.remsi %scan3A_458, %jit3A_465 : i32
      %ne3A_483 = arith.constant 0 : i32
      %ne3A_484 = arith.cmpi ne, %rem3A_482, %ne3A_483 : i32
      %and3A_485 = arith.andi %ne3A_481, %ne3A_484 : i1
      %sub3A_486 = arith.constant 1 : i32
      %sub3A_487 = arith.subi %div3A_466, %sub3A_486 : i32
      %select_n3A_488 = arith.select %and3A_485, %sub3A_487, %div3A_466 : i32
      %rem3A_489 = arith.constant 64 : i32
      %rem3A_490 = arith.remsi %scan3A_458, %rem3A_489 : i32
      %get3A = arith.index_cast %select_n3A_488 : i32 to index
      %get3A_491 = arith.index_cast %rem3A_490 : i32 to index
      %get3A_492 = arith.constant 0 : index
      %get3A_493 = tpu.vector_load %arg5[%get3A, %get3A_491, %get3A_492] {strides = array<i32>} : memref<4x64x96xf32, #tpu.memory_space<vmem>>, vector<1x1x16xf32>,
      %get3A_494 = vector.shape_cast %get3A_493 : vector<1x1x16xf32> to vector<16xf32>
      %mul3A_495 = arith.mulf %get3A_494, %get3A_494 : vector<16xf32>
      %add3A_496 = arith.addf %scan3A_459, %mul3A_495 : vector<16xf32>
      %get3A_497 = arith.index_cast %select_n3A_488 : i32 to index
      %get3A_498 = arith.index_cast %rem3A_490 : i32 to index
      %get3A_499 = arith.constant 16 : index
      %get3A_500 = tpu.vector_load %arg5[%get3A_497, %get3A_498, %get3A_499] {strides = array<i32>} : memref<4x64x96xf32, #tpu.memory_space<vmem>>, vector<1x1x16xf32>,
      %get3A_501 = vector.shape_cast %get3A_500 : vector<1x1x16xf32> to vector<16xf32>
      %mul3A_502 = arith.mulf %get3A_501, %get3A_501 : vector<16xf32>
      %add3A_503 = arith.addf %scan3A_460, %mul3A_502 : vector<16xf32>
      %get3A_504 = arith.index_cast %select_n3A_488 : i32 to index
      %get3A_505 = arith.index_cast %rem3A_490 : i32 to index
      %get3A_506 = arith.constant 32 : index
      %get3A_507 = tpu.vector_load %arg5[%get3A_504, %get3A_505, %get3A_506] {strides = array<i32>} : memref<4x64x96xf32, #tpu.memory_space<vmem>>, vector<1x1x16xf32>,
      %get3A_508 = vector.shape_cast %get3A_507 : vector<1x1x16xf32> to vector<16xf32>
      %mul3A_509 = arith.mulf %get3A_508, %get3A_508 : vector<16xf32>
      %add3A_510 = arith.addf %scan3A_461, %mul3A_509 : vector<16xf32>
      %get3A_511 = arith.index_cast %select_n3A_488 : i32 to index
      %get3A_512 = arith.index_cast %rem3A_490 : i32 to index
      %get3A_513 = arith.constant 48 : index
      %get3A_514 = tpu.vector_load %arg5[%get3A_511, %get3A_512, %get3A_513] {strides = array<i32>} : memref<4x64x96xf32, #tpu.memory_space<vmem>>, vector<1x1x16xf32>,
      %get3A_515 = vector.shape_cast %get3A_514 : vector<1x1x16xf32> to vector<16xf32>
      %mul3A_516 = arith.mulf %get3A_515, %get3A_515 : vector<16xf32>
      %add3A_517 = arith.addf %scan3A_462, %mul3A_516 : vector<16xf32>
      %get3A_518 = arith.index_cast %select_n3A_488 : i32 to index
      %get3A_519 = arith.index_cast %rem3A_490 : i32 to index
      %get3A_520 = arith.constant 64 : index
      %get3A_521 = tpu.vector_load %arg5[%get3A_518, %get3A_519, %get3A_520] {strides = array<i32>} : memref<4x64x96xf32, #tpu.memory_space<vmem>>, vector<1x1x16xf32>,
      %get3A_522 = vector.shape_cast %get3A_521 : vector<1x1x16xf32> to vector<16xf32>
      %mul3A_523 = arith.mulf %get3A_522, %get3A_522 : vector<16xf32>
      %add3A_524 = arith.addf %scan3A_463, %mul3A_523 : vector<16xf32>
      %get3A_525 = arith.index_cast %select_n3A_488 : i32 to index
      %get3A_526 = arith.index_cast %rem3A_490 : i32 to index
      %get3A_527 = arith.constant 80 : index
      %get3A_528 = tpu.vector_load %arg5[%get3A_525, %get3A_526, %get3A_527] {strides = array<i32>} : memref<4x64x96xf32, #tpu.memory_space<vmem>>, vector<1x1x16xf32>,
      %get3A_529 = vector.shape_cast %get3A_528 : vector<1x1x16xf32> to vector<16xf32>
      %mul3A_530 = arith.mulf %get3A_529, %get3A_529 : vector<16xf32>
      %add3A_531 = arith.addf %scan3A_464, %mul3A_530 : vector<16xf32>
      scf.yield %add3A_496, %add3A_503, %add3A_510, %add3A_517, %add3A_524, %add3A_531 : vector<16xf32>, vector<16xf32>, vector<16xf32>, vector<16xf32>, vector<16xf32>, vector<16xf32>
    }
    %scan3A_288 = arith.constant 256 : i32
    %dma_wait3A_289 = arith.constant 40 : i32
    %dma_wait3A_290 = arith.constant 0 : i32
    %dma_wait3A_291 = arith.constant 0 : i32
    %dma_wait3A_292 = tpu.memref_slice %arg2[%select_n3A, %add3A_20, %dma_wait3A_289, %dma_wait3A_290, %dma_wait3A_291] : memref<2x64x64x64x96xf32, #tpu.memory_space<hbm>> -> memref<1x1x4x64x96xf32, #tpu.memory_space<hbm>>
    %dma_wait3A_293 = tpu.memref_squeeze %dma_wait3A_292 : memref<1x1x4x64x96xf32, #tpu.memory_space<hbm>> -> memref<4x64x96xf32, #tpu.memory_space<hbm>>
    %dma_wait3A_294 = arith.constant 40 : i32
    %dma_wait3A_295 = arith.constant 0 : i32
    %dma_wait3A_296 = arith.constant 0 : i32
    %dma_wait3A_297 = tpu.memref_slice %arg2[%select_n3A, %add3A_20, %dma_wait3A_294, %dma_wait3A_295, %dma_wait3A_296] : memref<2x64x64x64x96xf32, #tpu.memory_space<hbm>> -> memref<1x1x4x64x96xf32, #tpu.memory_space<hbm>>
    %dma_wait3A_298 = tpu.memref_squeeze %dma_wait3A_297 : memref<1x1x4x64x96xf32, #tpu.memory_space<hbm>> -> memref<4x64x96xf32, #tpu.memory_space<hbm>>
    tpu.wait_dma2 semaphore(%arg7 : memref<!tpu.dma_semaphore, #tpu.memory_space<semaphore_mem>>) src(%dma_wait3A_298 : memref<4x64x96xf32, #tpu.memory_space<hbm>>) dst(%arg4 : memref<4x64x96xf32, #tpu.memory_space<vmem>>)
    %dma_start3A_299 = arith.constant 44 : i32
    %dma_start3A_300 = arith.constant 0 : i32
    %dma_start3A_301 = arith.constant 0 : i32
    %dma_start3A_302 = tpu.memref_slice %arg2[%select_n3A, %add3A_20, %dma_start3A_299, %dma_start3A_300, %dma_start3A_301] : memref<2x64x64x64x96xf32, #tpu.memory_space<hbm>> -> memref<1x1x4x64x96xf32, #tpu.memory_space<hbm>>
    %dma_start3A_303 = tpu.memref_squeeze %dma_start3A_302 : memref<1x1x4x64x96xf32, #tpu.memory_space<hbm>> -> memref<4x64x96xf32, #tpu.memory_space<hbm>>
    %dma_start3A_304 = arith.constant 44 : i32
    %dma_start3A_305 = arith.constant 0 : i32
    %dma_start3A_306 = arith.constant 0 : i32
    %dma_start3A_307 = tpu.memref_slice %arg2[%select_n3A, %add3A_20, %dma_start3A_304, %dma_start3A_305, %dma_start3A_306] : memref<2x64x64x64x96xf32, #tpu.memory_space<hbm>> -> memref<1x1x4x64x96xf32, #tpu.memory_space<hbm>>
    %dma_start3A_308 = tpu.memref_squeeze %dma_start3A_307 : memref<1x1x4x64x96xf32, #tpu.memory_space<hbm>> -> memref<4x64x96xf32, #tpu.memory_space<hbm>>
    tpu.enqueue_dma source(%dma_start3A_308 : memref<4x64x96xf32, #tpu.memory_space<hbm>>) target(%arg5 : memref<4x64x96xf32, #tpu.memory_space<vmem>>) target_semaphore(%arg8 : memref<!tpu.dma_semaphore, #tpu.memory_space<semaphore_mem>>)
    %scan3A_309 = arith.constant 0 : i32
    %scan3A_310 = arith.constant 256 : i32
    %scan3A_311 = arith.addi %scan3A_309, %scan3A_310 : i32
    %scan3A_312 = arith.constant 1 : i32
    %scan3A_313:6 = scf.for %scan3A_458 = %scan3A_309 to %scan3A_311 step %scan3A_312 iter_args(%scan3A_459 = %scan3A_287#0, %scan3A_460 = %scan3A_287#1, %scan3A_461 = %scan3A_287#2, %scan3A_462 = %scan3A_287#3, %scan3A_463 = %scan3A_287#4, %scan3A_464 = %scan3A_287#5) -> (vector<16xf32>, vector<16xf32>, vector<16xf32>, vector<16xf32>, vector<16xf32>, vector<16xf32>)  : i32 {
      %jit3A_465 = arith.constant 64 : i32
      %div3A_466 = arith.divsi %scan3A_458, %jit3A_465 : i32
      %sign3A_467 = arith.constant 0 : i32
      %sign3A_468 = arith.cmpi sgt, %scan3A_458, %sign3A_467 : i32
      %sign3A_469 = arith.extui %sign3A_468 : i1 to i32
      %sign3A_470 = arith.constant 0 : i32
      %sign3A_471 = arith.cmpi slt, %scan3A_458, %sign3A_470 : i32
      %sign3A_472 = arith.extui %sign3A_471 : i1 to i32
      %sign3A_473 = arith.subi %sign3A_469, %sign3A_472 : i32
      %sign3A_474 = arith.constant 0 : i32
      %sign3A_475 = arith.cmpi sgt, %jit3A_465, %sign3A_474 : i32
      %sign3A_476 = arith.extui %sign3A_475 : i1 to i32
      %sign3A_477 = arith.constant 0 : i32
      %sign3A_478 = arith.cmpi slt, %jit3A_465, %sign3A_477 : i32
      %sign3A_479 = arith.extui %sign3A_478 : i1 to i32
      %sign3A_480 = arith.subi %sign3A_476, %sign3A_479 : i32
      %ne3A_481 = arith.cmpi ne, %sign3A_473, %sign3A_480 : i32
      %rem3A_482 = arith.remsi %scan3A_458, %jit3A_465 : i32
      %ne3A_483 = arith.constant 0 : i32
      %ne3A_484 = arith.cmpi ne, %rem3A_482, %ne3A_483 : i32
      %and3A_485 = arith.andi %ne3A_481, %ne3A_484 : i1
      %sub3A_486 = arith.constant 1 : i32
      %sub3A_487 = arith.subi %div3A_466, %sub3A_486 : i32
      %select_n3A_488 = arith.select %and3A_485, %sub3A_487, %div3A_466 : i32
      %rem3A_489 = arith.constant 64 : i32
      %rem3A_490 = arith.remsi %scan3A_458, %rem3A_489 : i32
      %get3A = arith.index_cast %select_n3A_488 : i32 to index
      %get3A_491 = arith.index_cast %rem3A_490 : i32 to index
      %get3A_492 = arith.constant 0 : index
      %get3A_493 = tpu.vector_load %arg4[%get3A, %get3A_491, %get3A_492] {strides = array<i32>} : memref<4x64x96xf32, #tpu.memory_space<vmem>>, vector<1x1x16xf32>,
      %get3A_494 = vector.shape_cast %get3A_493 : vector<1x1x16xf32> to vector<16xf32>
      %mul3A_495 = arith.mulf %get3A_494, %get3A_494 : vector<16xf32>
      %add3A_496 = arith.addf %scan3A_459, %mul3A_495 : vector<16xf32>
      %get3A_497 = arith.index_cast %select_n3A_488 : i32 to index
      %get3A_498 = arith.index_cast %rem3A_490 : i32 to index
      %get3A_499 = arith.constant 16 : index
      %get3A_500 = tpu.vector_load %arg4[%get3A_497, %get3A_498, %get3A_499] {strides = array<i32>} : memref<4x64x96xf32, #tpu.memory_space<vmem>>, vector<1x1x16xf32>,
      %get3A_501 = vector.shape_cast %get3A_500 : vector<1x1x16xf32> to vector<16xf32>
      %mul3A_502 = arith.mulf %get3A_501, %get3A_501 : vector<16xf32>
      %add3A_503 = arith.addf %scan3A_460, %mul3A_502 : vector<16xf32>
      %get3A_504 = arith.index_cast %select_n3A_488 : i32 to index
      %get3A_505 = arith.index_cast %rem3A_490 : i32 to index
      %get3A_506 = arith.constant 32 : index
      %get3A_507 = tpu.vector_load %arg4[%get3A_504, %get3A_505, %get3A_506] {strides = array<i32>} : memref<4x64x96xf32, #tpu.memory_space<vmem>>, vector<1x1x16xf32>,
      %get3A_508 = vector.shape_cast %get3A_507 : vector<1x1x16xf32> to vector<16xf32>
      %mul3A_509 = arith.mulf %get3A_508, %get3A_508 : vector<16xf32>
      %add3A_510 = arith.addf %scan3A_461, %mul3A_509 : vector<16xf32>
      %get3A_511 = arith.index_cast %select_n3A_488 : i32 to index
      %get3A_512 = arith.index_cast %rem3A_490 : i32 to index
      %get3A_513 = arith.constant 48 : index
      %get3A_514 = tpu.vector_load %arg4[%get3A_511, %get3A_512, %get3A_513] {strides = array<i32>} : memref<4x64x96xf32, #tpu.memory_space<vmem>>, vector<1x1x16xf32>,
      %get3A_515 = vector.shape_cast %get3A_514 : vector<1x1x16xf32> to vector<16xf32>
      %mul3A_516 = arith.mulf %get3A_515, %get3A_515 : vector<16xf32>
      %add3A_517 = arith.addf %scan3A_462, %mul3A_516 : vector<16xf32>
      %get3A_518 = arith.index_cast %select_n3A_488 : i32 to index
      %get3A_519 = arith.index_cast %rem3A_490 : i32 to index
      %get3A_520 = arith.constant 64 : index
      %get3A_521 = tpu.vector_load %arg4[%get3A_518, %get3A_519, %get3A_520] {strides = array<i32>} : memref<4x64x96xf32, #tpu.memory_space<vmem>>, vector<1x1x16xf32>,
      %get3A_522 = vector.shape_cast %get3A_521 : vector<1x1x16xf32> to vector<16xf32>
      %mul3A_523 = arith.mulf %get3A_522, %get3A_522 : vector<16xf32>
      %add3A_524 = arith.addf %scan3A_463, %mul3A_523 : vector<16xf32>
      %get3A_525 = arith.index_cast %select_n3A_488 : i32 to index
      %get3A_526 = arith.index_cast %rem3A_490 : i32 to index
      %get3A_527 = arith.constant 80 : index
      %get3A_528 = tpu.vector_load %arg4[%get3A_525, %get3A_526, %get3A_527] {strides = array<i32>} : memref<4x64x96xf32, #tpu.memory_space<vmem>>, vector<1x1x16xf32>,
      %get3A_529 = vector.shape_cast %get3A_528 : vector<1x1x16xf32> to vector<16xf32>
      %mul3A_530 = arith.mulf %get3A_529, %get3A_529 : vector<16xf32>
      %add3A_531 = arith.addf %scan3A_464, %mul3A_530 : vector<16xf32>
      scf.yield %add3A_496, %add3A_503, %add3A_510, %add3A_517, %add3A_524, %add3A_531 : vector<16xf32>, vector<16xf32>, vector<16xf32>, vector<16xf32>, vector<16xf32>, vector<16xf32>
    }
    %scan3A_314 = arith.constant 256 : i32
    %dma_wait3A_315 = arith.constant 44 : i32
    %dma_wait3A_316 = arith.constant 0 : i32
    %dma_wait3A_317 = arith.constant 0 : i32
    %dma_wait3A_318 = tpu.memref_slice %arg2[%select_n3A, %add3A_20, %dma_wait3A_315, %dma_wait3A_316, %dma_wait3A_317] : memref<2x64x64x64x96xf32, #tpu.memory_space<hbm>> -> memref<1x1x4x64x96xf32, #tpu.memory_space<hbm>>
    %dma_wait3A_319 = tpu.memref_squeeze %dma_wait3A_318 : memref<1x1x4x64x96xf32, #tpu.memory_space<hbm>> -> memref<4x64x96xf32, #tpu.memory_space<hbm>>
    %dma_wait3A_320 = arith.constant 44 : i32
    %dma_wait3A_321 = arith.constant 0 : i32
    %dma_wait3A_322 = arith.constant 0 : i32
    %dma_wait3A_323 = tpu.memref_slice %arg2[%select_n3A, %add3A_20, %dma_wait3A_320, %dma_wait3A_321, %dma_wait3A_322] : memref<2x64x64x64x96xf32, #tpu.memory_space<hbm>> -> memref<1x1x4x64x96xf32, #tpu.memory_space<hbm>>
    %dma_wait3A_324 = tpu.memref_squeeze %dma_wait3A_323 : memref<1x1x4x64x96xf32, #tpu.memory_space<hbm>> -> memref<4x64x96xf32, #tpu.memory_space<hbm>>
    tpu.wait_dma2 semaphore(%arg8 : memref<!tpu.dma_semaphore, #tpu.memory_space<semaphore_mem>>) src(%dma_wait3A_324 : memref<4x64x96xf32, #tpu.memory_space<hbm>>) dst(%arg5 : memref<4x64x96xf32, #tpu.memory_space<vmem>>)
    %dma_start3A_325 = arith.constant 48 : i32
    %dma_start3A_326 = arith.constant 0 : i32
    %dma_start3A_327 = arith.constant 0 : i32
    %dma_start3A_328 = tpu.memref_slice %arg2[%select_n3A, %add3A_20, %dma_start3A_325, %dma_start3A_326, %dma_start3A_327] : memref<2x64x64x64x96xf32, #tpu.memory_space<hbm>> -> memref<1x1x4x64x96xf32, #tpu.memory_space<hbm>>
    %dma_start3A_329 = tpu.memref_squeeze %dma_start3A_328 : memref<1x1x4x64x96xf32, #tpu.memory_space<hbm>> -> memref<4x64x96xf32, #tpu.memory_space<hbm>>
    %dma_start3A_330 = arith.constant 48 : i32
    %dma_start3A_331 = arith.constant 0 : i32
    %dma_start3A_332 = arith.constant 0 : i32
    %dma_start3A_333 = tpu.memref_slice %arg2[%select_n3A, %add3A_20, %dma_start3A_330, %dma_start3A_331, %dma_start3A_332] : memref<2x64x64x64x96xf32, #tpu.memory_space<hbm>> -> memref<1x1x4x64x96xf32, #tpu.memory_space<hbm>>
    %dma_start3A_334 = tpu.memref_squeeze %dma_start3A_333 : memref<1x1x4x64x96xf32, #tpu.memory_space<hbm>> -> memref<4x64x96xf32, #tpu.memory_space<hbm>>
    tpu.enqueue_dma source(%dma_start3A_334 : memref<4x64x96xf32, #tpu.memory_space<hbm>>) target(%arg4 : memref<4x64x96xf32, #tpu.memory_space<vmem>>) target_semaphore(%arg7 : memref<!tpu.dma_semaphore, #tpu.memory_space<semaphore_mem>>)
    %scan3A_335 = arith.constant 0 : i32
    %scan3A_336 = arith.constant 256 : i32
    %scan3A_337 = arith.addi %scan3A_335, %scan3A_336 : i32
    %scan3A_338 = arith.constant 1 : i32
    %scan3A_339:6 = scf.for %scan3A_458 = %scan3A_335 to %scan3A_337 step %scan3A_338 iter_args(%scan3A_459 = %scan3A_313#0, %scan3A_460 = %scan3A_313#1, %scan3A_461 = %scan3A_313#2, %scan3A_462 = %scan3A_313#3, %scan3A_463 = %scan3A_313#4, %scan3A_464 = %scan3A_313#5) -> (vector<16xf32>, vector<16xf32>, vector<16xf32>, vector<16xf32>, vector<16xf32>, vector<16xf32>)  : i32 {
      %jit3A_465 = arith.constant 64 : i32
      %div3A_466 = arith.divsi %scan3A_458, %jit3A_465 : i32
      %sign3A_467 = arith.constant 0 : i32
      %sign3A_468 = arith.cmpi sgt, %scan3A_458, %sign3A_467 : i32
      %sign3A_469 = arith.extui %sign3A_468 : i1 to i32
      %sign3A_470 = arith.constant 0 : i32
      %sign3A_471 = arith.cmpi slt, %scan3A_458, %sign3A_470 : i32
      %sign3A_472 = arith.extui %sign3A_471 : i1 to i32
      %sign3A_473 = arith.subi %sign3A_469, %sign3A_472 : i32
      %sign3A_474 = arith.constant 0 : i32
      %sign3A_475 = arith.cmpi sgt, %jit3A_465, %sign3A_474 : i32
      %sign3A_476 = arith.extui %sign3A_475 : i1 to i32
      %sign3A_477 = arith.constant 0 : i32
      %sign3A_478 = arith.cmpi slt, %jit3A_465, %sign3A_477 : i32
      %sign3A_479 = arith.extui %sign3A_478 : i1 to i32
      %sign3A_480 = arith.subi %sign3A_476, %sign3A_479 : i32
      %ne3A_481 = arith.cmpi ne, %sign3A_473, %sign3A_480 : i32
      %rem3A_482 = arith.remsi %scan3A_458, %jit3A_465 : i32
      %ne3A_483 = arith.constant 0 : i32
      %ne3A_484 = arith.cmpi ne, %rem3A_482, %ne3A_483 : i32
      %and3A_485 = arith.andi %ne3A_481, %ne3A_484 : i1
      %sub3A_486 = arith.constant 1 : i32
      %sub3A_487 = arith.subi %div3A_466, %sub3A_486 : i32
      %select_n3A_488 = arith.select %and3A_485, %sub3A_487, %div3A_466 : i32
      %rem3A_489 = arith.constant 64 : i32
      %rem3A_490 = arith.remsi %scan3A_458, %rem3A_489 : i32
      %get3A = arith.index_cast %select_n3A_488 : i32 to index
      %get3A_491 = arith.index_cast %rem3A_490 : i32 to index
      %get3A_492 = arith.constant 0 : index
      %get3A_493 = tpu.vector_load %arg5[%get3A, %get3A_491, %get3A_492] {strides = array<i32>} : memref<4x64x96xf32, #tpu.memory_space<vmem>>, vector<1x1x16xf32>,
      %get3A_494 = vector.shape_cast %get3A_493 : vector<1x1x16xf32> to vector<16xf32>
      %mul3A_495 = arith.mulf %get3A_494, %get3A_494 : vector<16xf32>
      %add3A_496 = arith.addf %scan3A_459, %mul3A_495 : vector<16xf32>
      %get3A_497 = arith.index_cast %select_n3A_488 : i32 to index
      %get3A_498 = arith.index_cast %rem3A_490 : i32 to index
      %get3A_499 = arith.constant 16 : index
      %get3A_500 = tpu.vector_load %arg5[%get3A_497, %get3A_498, %get3A_499] {strides = array<i32>} : memref<4x64x96xf32, #tpu.memory_space<vmem>>, vector<1x1x16xf32>,
      %get3A_501 = vector.shape_cast %get3A_500 : vector<1x1x16xf32> to vector<16xf32>
      %mul3A_502 = arith.mulf %get3A_501, %get3A_501 : vector<16xf32>
      %add3A_503 = arith.addf %scan3A_460, %mul3A_502 : vector<16xf32>
      %get3A_504 = arith.index_cast %select_n3A_488 : i32 to index
      %get3A_505 = arith.index_cast %rem3A_490 : i32 to index
      %get3A_506 = arith.constant 32 : index
      %get3A_507 = tpu.vector_load %arg5[%get3A_504, %get3A_505, %get3A_506] {strides = array<i32>} : memref<4x64x96xf32, #tpu.memory_space<vmem>>, vector<1x1x16xf32>,
      %get3A_508 = vector.shape_cast %get3A_507 : vector<1x1x16xf32> to vector<16xf32>
      %mul3A_509 = arith.mulf %get3A_508, %get3A_508 : vector<16xf32>
      %add3A_510 = arith.addf %scan3A_461, %mul3A_509 : vector<16xf32>
      %get3A_511 = arith.index_cast %select_n3A_488 : i32 to index
      %get3A_512 = arith.index_cast %rem3A_490 : i32 to index
      %get3A_513 = arith.constant 48 : index
      %get3A_514 = tpu.vector_load %arg5[%get3A_511, %get3A_512, %get3A_513] {strides = array<i32>} : memref<4x64x96xf32, #tpu.memory_space<vmem>>, vector<1x1x16xf32>,
      %get3A_515 = vector.shape_cast %get3A_514 : vector<1x1x16xf32> to vector<16xf32>
      %mul3A_516 = arith.mulf %get3A_515, %get3A_515 : vector<16xf32>
      %add3A_517 = arith.addf %scan3A_462, %mul3A_516 : vector<16xf32>
      %get3A_518 = arith.index_cast %select_n3A_488 : i32 to index
      %get3A_519 = arith.index_cast %rem3A_490 : i32 to index
      %get3A_520 = arith.constant 64 : index
      %get3A_521 = tpu.vector_load %arg5[%get3A_518, %get3A_519, %get3A_520] {strides = array<i32>} : memref<4x64x96xf32, #tpu.memory_space<vmem>>, vector<1x1x16xf32>,
      %get3A_522 = vector.shape_cast %get3A_521 : vector<1x1x16xf32> to vector<16xf32>
      %mul3A_523 = arith.mulf %get3A_522, %get3A_522 : vector<16xf32>
      %add3A_524 = arith.addf %scan3A_463, %mul3A_523 : vector<16xf32>
      %get3A_525 = arith.index_cast %select_n3A_488 : i32 to index
      %get3A_526 = arith.index_cast %rem3A_490 : i32 to index
      %get3A_527 = arith.constant 80 : index
      %get3A_528 = tpu.vector_load %arg5[%get3A_525, %get3A_526, %get3A_527] {strides = array<i32>} : memref<4x64x96xf32, #tpu.memory_space<vmem>>, vector<1x1x16xf32>,
      %get3A_529 = vector.shape_cast %get3A_528 : vector<1x1x16xf32> to vector<16xf32>
      %mul3A_530 = arith.mulf %get3A_529, %get3A_529 : vector<16xf32>
      %add3A_531 = arith.addf %scan3A_464, %mul3A_530 : vector<16xf32>
      scf.yield %add3A_496, %add3A_503, %add3A_510, %add3A_517, %add3A_524, %add3A_531 : vector<16xf32>, vector<16xf32>, vector<16xf32>, vector<16xf32>, vector<16xf32>, vector<16xf32>
    }
    %scan3A_340 = arith.constant 256 : i32
    %dma_wait3A_341 = arith.constant 48 : i32
    %dma_wait3A_342 = arith.constant 0 : i32
    %dma_wait3A_343 = arith.constant 0 : i32
    %dma_wait3A_344 = tpu.memref_slice %arg2[%select_n3A, %add3A_20, %dma_wait3A_341, %dma_wait3A_342, %dma_wait3A_343] : memref<2x64x64x64x96xf32, #tpu.memory_space<hbm>> -> memref<1x1x4x64x96xf32, #tpu.memory_space<hbm>>
    %dma_wait3A_345 = tpu.memref_squeeze %dma_wait3A_344 : memref<1x1x4x64x96xf32, #tpu.memory_space<hbm>> -> memref<4x64x96xf32, #tpu.memory_space<hbm>>
    %dma_wait3A_346 = arith.constant 48 : i32
    %dma_wait3A_347 = arith.constant 0 : i32
    %dma_wait3A_348 = arith.constant 0 : i32
    %dma_wait3A_349 = tpu.memref_slice %arg2[%select_n3A, %add3A_20, %dma_wait3A_346, %dma_wait3A_347, %dma_wait3A_348] : memref<2x64x64x64x96xf32, #tpu.memory_space<hbm>> -> memref<1x1x4x64x96xf32, #tpu.memory_space<hbm>>
    %dma_wait3A_350 = tpu.memref_squeeze %dma_wait3A_349 : memref<1x1x4x64x96xf32, #tpu.memory_space<hbm>> -> memref<4x64x96xf32, #tpu.memory_space<hbm>>
    tpu.wait_dma2 semaphore(%arg7 : memref<!tpu.dma_semaphore, #tpu.memory_space<semaphore_mem>>) src(%dma_wait3A_350 : memref<4x64x96xf32, #tpu.memory_space<hbm>>) dst(%arg4 : memref<4x64x96xf32, #tpu.memory_space<vmem>>)
    %dma_start3A_351 = arith.constant 52 : i32
    %dma_start3A_352 = arith.constant 0 : i32
    %dma_start3A_353 = arith.constant 0 : i32
    %dma_start3A_354 = tpu.memref_slice %arg2[%select_n3A, %add3A_20, %dma_start3A_351, %dma_start3A_352, %dma_start3A_353] : memref<2x64x64x64x96xf32, #tpu.memory_space<hbm>> -> memref<1x1x4x64x96xf32, #tpu.memory_space<hbm>>
    %dma_start3A_355 = tpu.memref_squeeze %dma_start3A_354 : memref<1x1x4x64x96xf32, #tpu.memory_space<hbm>> -> memref<4x64x96xf32, #tpu.memory_space<hbm>>
    %dma_start3A_356 = arith.constant 52 : i32
    %dma_start3A_357 = arith.constant 0 : i32
    %dma_start3A_358 = arith.constant 0 : i32
    %dma_start3A_359 = tpu.memref_slice %arg2[%select_n3A, %add3A_20, %dma_start3A_356, %dma_start3A_357, %dma_start3A_358] : memref<2x64x64x64x96xf32, #tpu.memory_space<hbm>> -> memref<1x1x4x64x96xf32, #tpu.memory_space<hbm>>
    %dma_start3A_360 = tpu.memref_squeeze %dma_start3A_359 : memref<1x1x4x64x96xf32, #tpu.memory_space<hbm>> -> memref<4x64x96xf32, #tpu.memory_space<hbm>>
    tpu.enqueue_dma source(%dma_start3A_360 : memref<4x64x96xf32, #tpu.memory_space<hbm>>) target(%arg5 : memref<4x64x96xf32, #tpu.memory_space<vmem>>) target_semaphore(%arg8 : memref<!tpu.dma_semaphore, #tpu.memory_space<semaphore_mem>>)
    %scan3A_361 = arith.constant 0 : i32
    %scan3A_362 = arith.constant 256 : i32
    %scan3A_363 = arith.addi %scan3A_361, %scan3A_362 : i32
    %scan3A_364 = arith.constant 1 : i32
    %scan3A_365:6 = scf.for %scan3A_458 = %scan3A_361 to %scan3A_363 step %scan3A_364 iter_args(%scan3A_459 = %scan3A_339#0, %scan3A_460 = %scan3A_339#1, %scan3A_461 = %scan3A_339#2, %scan3A_462 = %scan3A_339#3, %scan3A_463 = %scan3A_339#4, %scan3A_464 = %scan3A_339#5) -> (vector<16xf32>, vector<16xf32>, vector<16xf32>, vector<16xf32>, vector<16xf32>, vector<16xf32>)  : i32 {
      %jit3A_465 = arith.constant 64 : i32
      %div3A_466 = arith.divsi %scan3A_458, %jit3A_465 : i32
      %sign3A_467 = arith.constant 0 : i32
      %sign3A_468 = arith.cmpi sgt, %scan3A_458, %sign3A_467 : i32
      %sign3A_469 = arith.extui %sign3A_468 : i1 to i32
      %sign3A_470 = arith.constant 0 : i32
      %sign3A_471 = arith.cmpi slt, %scan3A_458, %sign3A_470 : i32
      %sign3A_472 = arith.extui %sign3A_471 : i1 to i32
      %sign3A_473 = arith.subi %sign3A_469, %sign3A_472 : i32
      %sign3A_474 = arith.constant 0 : i32
      %sign3A_475 = arith.cmpi sgt, %jit3A_465, %sign3A_474 : i32
      %sign3A_476 = arith.extui %sign3A_475 : i1 to i32
      %sign3A_477 = arith.constant 0 : i32
      %sign3A_478 = arith.cmpi slt, %jit3A_465, %sign3A_477 : i32
      %sign3A_479 = arith.extui %sign3A_478 : i1 to i32
      %sign3A_480 = arith.subi %sign3A_476, %sign3A_479 : i32
      %ne3A_481 = arith.cmpi ne, %sign3A_473, %sign3A_480 : i32
      %rem3A_482 = arith.remsi %scan3A_458, %jit3A_465 : i32
      %ne3A_483 = arith.constant 0 : i32
      %ne3A_484 = arith.cmpi ne, %rem3A_482, %ne3A_483 : i32
      %and3A_485 = arith.andi %ne3A_481, %ne3A_484 : i1
      %sub3A_486 = arith.constant 1 : i32
      %sub3A_487 = arith.subi %div3A_466, %sub3A_486 : i32
      %select_n3A_488 = arith.select %and3A_485, %sub3A_487, %div3A_466 : i32
      %rem3A_489 = arith.constant 64 : i32
      %rem3A_490 = arith.remsi %scan3A_458, %rem3A_489 : i32
      %get3A = arith.index_cast %select_n3A_488 : i32 to index
      %get3A_491 = arith.index_cast %rem3A_490 : i32 to index
      %get3A_492 = arith.constant 0 : index
      %get3A_493 = tpu.vector_load %arg4[%get3A, %get3A_491, %get3A_492] {strides = array<i32>} : memref<4x64x96xf32, #tpu.memory_space<vmem>>, vector<1x1x16xf32>,
      %get3A_494 = vector.shape_cast %get3A_493 : vector<1x1x16xf32> to vector<16xf32>
      %mul3A_495 = arith.mulf %get3A_494, %get3A_494 : vector<16xf32>
      %add3A_496 = arith.addf %scan3A_459, %mul3A_495 : vector<16xf32>
      %get3A_497 = arith.index_cast %select_n3A_488 : i32 to index
      %get3A_498 = arith.index_cast %rem3A_490 : i32 to index
      %get3A_499 = arith.constant 16 : index
      %get3A_500 = tpu.vector_load %arg4[%get3A_497, %get3A_498, %get3A_499] {strides = array<i32>} : memref<4x64x96xf32, #tpu.memory_space<vmem>>, vector<1x1x16xf32>,
      %get3A_501 = vector.shape_cast %get3A_500 : vector<1x1x16xf32> to vector<16xf32>
      %mul3A_502 = arith.mulf %get3A_501, %get3A_501 : vector<16xf32>
      %add3A_503 = arith.addf %scan3A_460, %mul3A_502 : vector<16xf32>
      %get3A_504 = arith.index_cast %select_n3A_488 : i32 to index
      %get3A_505 = arith.index_cast %rem3A_490 : i32 to index
      %get3A_506 = arith.constant 32 : index
      %get3A_507 = tpu.vector_load %arg4[%get3A_504, %get3A_505, %get3A_506] {strides = array<i32>} : memref<4x64x96xf32, #tpu.memory_space<vmem>>, vector<1x1x16xf32>,
      %get3A_508 = vector.shape_cast %get3A_507 : vector<1x1x16xf32> to vector<16xf32>
      %mul3A_509 = arith.mulf %get3A_508, %get3A_508 : vector<16xf32>
      %add3A_510 = arith.addf %scan3A_461, %mul3A_509 : vector<16xf32>
      %get3A_511 = arith.index_cast %select_n3A_488 : i32 to index
      %get3A_512 = arith.index_cast %rem3A_490 : i32 to index
      %get3A_513 = arith.constant 48 : index
      %get3A_514 = tpu.vector_load %arg4[%get3A_511, %get3A_512, %get3A_513] {strides = array<i32>} : memref<4x64x96xf32, #tpu.memory_space<vmem>>, vector<1x1x16xf32>,
      %get3A_515 = vector.shape_cast %get3A_514 : vector<1x1x16xf32> to vector<16xf32>
      %mul3A_516 = arith.mulf %get3A_515, %get3A_515 : vector<16xf32>
      %add3A_517 = arith.addf %scan3A_462, %mul3A_516 : vector<16xf32>
      %get3A_518 = arith.index_cast %select_n3A_488 : i32 to index
      %get3A_519 = arith.index_cast %rem3A_490 : i32 to index
      %get3A_520 = arith.constant 64 : index
      %get3A_521 = tpu.vector_load %arg4[%get3A_518, %get3A_519, %get3A_520] {strides = array<i32>} : memref<4x64x96xf32, #tpu.memory_space<vmem>>, vector<1x1x16xf32>,
      %get3A_522 = vector.shape_cast %get3A_521 : vector<1x1x16xf32> to vector<16xf32>
      %mul3A_523 = arith.mulf %get3A_522, %get3A_522 : vector<16xf32>
      %add3A_524 = arith.addf %scan3A_463, %mul3A_523 : vector<16xf32>
      %get3A_525 = arith.index_cast %select_n3A_488 : i32 to index
      %get3A_526 = arith.index_cast %rem3A_490 : i32 to index
      %get3A_527 = arith.constant 80 : index
      %get3A_528 = tpu.vector_load %arg4[%get3A_525, %get3A_526, %get3A_527] {strides = array<i32>} : memref<4x64x96xf32, #tpu.memory_space<vmem>>, vector<1x1x16xf32>,
      %get3A_529 = vector.shape_cast %get3A_528 : vector<1x1x16xf32> to vector<16xf32>
      %mul3A_530 = arith.mulf %get3A_529, %get3A_529 : vector<16xf32>
      %add3A_531 = arith.addf %scan3A_464, %mul3A_530 : vector<16xf32>
      scf.yield %add3A_496, %add3A_503, %add3A_510, %add3A_517, %add3A_524, %add3A_531 : vector<16xf32>, vector<16xf32>, vector<16xf32>, vector<16xf32>, vector<16xf32>, vector<16xf32>
    }
    %scan3A_366 = arith.constant 256 : i32
    %dma_wait3A_367 = arith.constant 52 : i32
    %dma_wait3A_368 = arith.constant 0 : i32
    %dma_wait3A_369 = arith.constant 0 : i32
    %dma_wait3A_370 = tpu.memref_slice %arg2[%select_n3A, %add3A_20, %dma_wait3A_367, %dma_wait3A_368, %dma_wait3A_369] : memref<2x64x64x64x96xf32, #tpu.memory_space<hbm>> -> memref<1x1x4x64x96xf32, #tpu.memory_space<hbm>>
    %dma_wait3A_371 = tpu.memref_squeeze %dma_wait3A_370 : memref<1x1x4x64x96xf32, #tpu.memory_space<hbm>> -> memref<4x64x96xf32, #tpu.memory_space<hbm>>
    %dma_wait3A_372 = arith.constant 52 : i32
    %dma_wait3A_373 = arith.constant 0 : i32
    %dma_wait3A_374 = arith.constant 0 : i32
    %dma_wait3A_375 = tpu.memref_slice %arg2[%select_n3A, %add3A_20, %dma_wait3A_372, %dma_wait3A_373, %dma_wait3A_374] : memref<2x64x64x64x96xf32, #tpu.memory_space<hbm>> -> memref<1x1x4x64x96xf32, #tpu.memory_space<hbm>>
    %dma_wait3A_376 = tpu.memref_squeeze %dma_wait3A_375 : memref<1x1x4x64x96xf32, #tpu.memory_space<hbm>> -> memref<4x64x96xf32, #tpu.memory_space<hbm>>
    tpu.wait_dma2 semaphore(%arg8 : memref<!tpu.dma_semaphore, #tpu.memory_space<semaphore_mem>>) src(%dma_wait3A_376 : memref<4x64x96xf32, #tpu.memory_space<hbm>>) dst(%arg5 : memref<4x64x96xf32, #tpu.memory_space<vmem>>)
    %dma_start3A_377 = arith.constant 56 : i32
    %dma_start3A_378 = arith.constant 0 : i32
    %dma_start3A_379 = arith.constant 0 : i32
    %dma_start3A_380 = tpu.memref_slice %arg2[%select_n3A, %add3A_20, %dma_start3A_377, %dma_start3A_378, %dma_start3A_379] : memref<2x64x64x64x96xf32, #tpu.memory_space<hbm>> -> memref<1x1x4x64x96xf32, #tpu.memory_space<hbm>>
    %dma_start3A_381 = tpu.memref_squeeze %dma_start3A_380 : memref<1x1x4x64x96xf32, #tpu.memory_space<hbm>> -> memref<4x64x96xf32, #tpu.memory_space<hbm>>
    %dma_start3A_382 = arith.constant 56 : i32
    %dma_start3A_383 = arith.constant 0 : i32
    %dma_start3A_384 = arith.constant 0 : i32
    %dma_start3A_385 = tpu.memref_slice %arg2[%select_n3A, %add3A_20, %dma_start3A_382, %dma_start3A_383, %dma_start3A_384] : memref<2x64x64x64x96xf32, #tpu.memory_space<hbm>> -> memref<1x1x4x64x96xf32, #tpu.memory_space<hbm>>
    %dma_start3A_386 = tpu.memref_squeeze %dma_start3A_385 : memref<1x1x4x64x96xf32, #tpu.memory_space<hbm>> -> memref<4x64x96xf32, #tpu.memory_space<hbm>>
    tpu.enqueue_dma source(%dma_start3A_386 : memref<4x64x96xf32, #tpu.memory_space<hbm>>) target(%arg4 : memref<4x64x96xf32, #tpu.memory_space<vmem>>) target_semaphore(%arg7 : memref<!tpu.dma_semaphore, #tpu.memory_space<semaphore_mem>>)
    %scan3A_387 = arith.constant 0 : i32
    %scan3A_388 = arith.constant 256 : i32
    %scan3A_389 = arith.addi %scan3A_387, %scan3A_388 : i32
    %scan3A_390 = arith.constant 1 : i32
    %scan3A_391:6 = scf.for %scan3A_458 = %scan3A_387 to %scan3A_389 step %scan3A_390 iter_args(%scan3A_459 = %scan3A_365#0, %scan3A_460 = %scan3A_365#1, %scan3A_461 = %scan3A_365#2, %scan3A_462 = %scan3A_365#3, %scan3A_463 = %scan3A_365#4, %scan3A_464 = %scan3A_365#5) -> (vector<16xf32>, vector<16xf32>, vector<16xf32>, vector<16xf32>, vector<16xf32>, vector<16xf32>)  : i32 {
      %jit3A_465 = arith.constant 64 : i32
      %div3A_466 = arith.divsi %scan3A_458, %jit3A_465 : i32
      %sign3A_467 = arith.constant 0 : i32
      %sign3A_468 = arith.cmpi sgt, %scan3A_458, %sign3A_467 : i32
      %sign3A_469 = arith.extui %sign3A_468 : i1 to i32
      %sign3A_470 = arith.constant 0 : i32
      %sign3A_471 = arith.cmpi slt, %scan3A_458, %sign3A_470 : i32
      %sign3A_472 = arith.extui %sign3A_471 : i1 to i32
      %sign3A_473 = arith.subi %sign3A_469, %sign3A_472 : i32
      %sign3A_474 = arith.constant 0 : i32
      %sign3A_475 = arith.cmpi sgt, %jit3A_465, %sign3A_474 : i32
      %sign3A_476 = arith.extui %sign3A_475 : i1 to i32
      %sign3A_477 = arith.constant 0 : i32
      %sign3A_478 = arith.cmpi slt, %jit3A_465, %sign3A_477 : i32
      %sign3A_479 = arith.extui %sign3A_478 : i1 to i32
      %sign3A_480 = arith.subi %sign3A_476, %sign3A_479 : i32
      %ne3A_481 = arith.cmpi ne, %sign3A_473, %sign3A_480 : i32
      %rem3A_482 = arith.remsi %scan3A_458, %jit3A_465 : i32
      %ne3A_483 = arith.constant 0 : i32
      %ne3A_484 = arith.cmpi ne, %rem3A_482, %ne3A_483 : i32
      %and3A_485 = arith.andi %ne3A_481, %ne3A_484 : i1
      %sub3A_486 = arith.constant 1 : i32
      %sub3A_487 = arith.subi %div3A_466, %sub3A_486 : i32
      %select_n3A_488 = arith.select %and3A_485, %sub3A_487, %div3A_466 : i32
      %rem3A_489 = arith.constant 64 : i32
      %rem3A_490 = arith.remsi %scan3A_458, %rem3A_489 : i32
      %get3A = arith.index_cast %select_n3A_488 : i32 to index
      %get3A_491 = arith.index_cast %rem3A_490 : i32 to index
      %get3A_492 = arith.constant 0 : index
      %get3A_493 = tpu.vector_load %arg5[%get3A, %get3A_491, %get3A_492] {strides = array<i32>} : memref<4x64x96xf32, #tpu.memory_space<vmem>>, vector<1x1x16xf32>,
      %get3A_494 = vector.shape_cast %get3A_493 : vector<1x1x16xf32> to vector<16xf32>
      %mul3A_495 = arith.mulf %get3A_494, %get3A_494 : vector<16xf32>
      %add3A_496 = arith.addf %scan3A_459, %mul3A_495 : vector<16xf32>
      %get3A_497 = arith.index_cast %select_n3A_488 : i32 to index
      %get3A_498 = arith.index_cast %rem3A_490 : i32 to index
      %get3A_499 = arith.constant 16 : index
      %get3A_500 = tpu.vector_load %arg5[%get3A_497, %get3A_498, %get3A_499] {strides = array<i32>} : memref<4x64x96xf32, #tpu.memory_space<vmem>>, vector<1x1x16xf32>,
      %get3A_501 = vector.shape_cast %get3A_500 : vector<1x1x16xf32> to vector<16xf32>
      %mul3A_502 = arith.mulf %get3A_501, %get3A_501 : vector<16xf32>
      %add3A_503 = arith.addf %scan3A_460, %mul3A_502 : vector<16xf32>
      %get3A_504 = arith.index_cast %select_n3A_488 : i32 to index
      %get3A_505 = arith.index_cast %rem3A_490 : i32 to index
      %get3A_506 = arith.constant 32 : index
      %get3A_507 = tpu.vector_load %arg5[%get3A_504, %get3A_505, %get3A_506] {strides = array<i32>} : memref<4x64x96xf32, #tpu.memory_space<vmem>>, vector<1x1x16xf32>,
      %get3A_508 = vector.shape_cast %get3A_507 : vector<1x1x16xf32> to vector<16xf32>
      %mul3A_509 = arith.mulf %get3A_508, %get3A_508 : vector<16xf32>
      %add3A_510 = arith.addf %scan3A_461, %mul3A_509 : vector<16xf32>
      %get3A_511 = arith.index_cast %select_n3A_488 : i32 to index
      %get3A_512 = arith.index_cast %rem3A_490 : i32 to index
      %get3A_513 = arith.constant 48 : index
      %get3A_514 = tpu.vector_load %arg5[%get3A_511, %get3A_512, %get3A_513] {strides = array<i32>} : memref<4x64x96xf32, #tpu.memory_space<vmem>>, vector<1x1x16xf32>,
      %get3A_515 = vector.shape_cast %get3A_514 : vector<1x1x16xf32> to vector<16xf32>
      %mul3A_516 = arith.mulf %get3A_515, %get3A_515 : vector<16xf32>
      %add3A_517 = arith.addf %scan3A_462, %mul3A_516 : vector<16xf32>
      %get3A_518 = arith.index_cast %select_n3A_488 : i32 to index
      %get3A_519 = arith.index_cast %rem3A_490 : i32 to index
      %get3A_520 = arith.constant 64 : index
      %get3A_521 = tpu.vector_load %arg5[%get3A_518, %get3A_519, %get3A_520] {strides = array<i32>} : memref<4x64x96xf32, #tpu.memory_space<vmem>>, vector<1x1x16xf32>,
      %get3A_522 = vector.shape_cast %get3A_521 : vector<1x1x16xf32> to vector<16xf32>
      %mul3A_523 = arith.mulf %get3A_522, %get3A_522 : vector<16xf32>
      %add3A_524 = arith.addf %scan3A_463, %mul3A_523 : vector<16xf32>
      %get3A_525 = arith.index_cast %select_n3A_488 : i32 to index
      %get3A_526 = arith.index_cast %rem3A_490 : i32 to index
      %get3A_527 = arith.constant 80 : index
      %get3A_528 = tpu.vector_load %arg5[%get3A_525, %get3A_526, %get3A_527] {strides = array<i32>} : memref<4x64x96xf32, #tpu.memory_space<vmem>>, vector<1x1x16xf32>,
      %get3A_529 = vector.shape_cast %get3A_528 : vector<1x1x16xf32> to vector<16xf32>
      %mul3A_530 = arith.mulf %get3A_529, %get3A_529 : vector<16xf32>
      %add3A_531 = arith.addf %scan3A_464, %mul3A_530 : vector<16xf32>
      scf.yield %add3A_496, %add3A_503, %add3A_510, %add3A_517, %add3A_524, %add3A_531 : vector<16xf32>, vector<16xf32>, vector<16xf32>, vector<16xf32>, vector<16xf32>, vector<16xf32>
    }
    %scan3A_392 = arith.constant 256 : i32
    %dma_wait3A_393 = arith.constant 56 : i32
    %dma_wait3A_394 = arith.constant 0 : i32
    %dma_wait3A_395 = arith.constant 0 : i32
    %dma_wait3A_396 = tpu.memref_slice %arg2[%select_n3A, %add3A_20, %dma_wait3A_393, %dma_wait3A_394, %dma_wait3A_395] : memref<2x64x64x64x96xf32, #tpu.memory_space<hbm>> -> memref<1x1x4x64x96xf32, #tpu.memory_space<hbm>>
    %dma_wait3A_397 = tpu.memref_squeeze %dma_wait3A_396 : memref<1x1x4x64x96xf32, #tpu.memory_space<hbm>> -> memref<4x64x96xf32, #tpu.memory_space<hbm>>
    %dma_wait3A_398 = arith.constant 56 : i32
    %dma_wait3A_399 = arith.constant 0 : i32
    %dma_wait3A_400 = arith.constant 0 : i32
    %dma_wait3A_401 = tpu.memref_slice %arg2[%select_n3A, %add3A_20, %dma_wait3A_398, %dma_wait3A_399, %dma_wait3A_400] : memref<2x64x64x64x96xf32, #tpu.memory_space<hbm>> -> memref<1x1x4x64x96xf32, #tpu.memory_space<hbm>>
    %dma_wait3A_402 = tpu.memref_squeeze %dma_wait3A_401 : memref<1x1x4x64x96xf32, #tpu.memory_space<hbm>> -> memref<4x64x96xf32, #tpu.memory_space<hbm>>
    tpu.wait_dma2 semaphore(%arg7 : memref<!tpu.dma_semaphore, #tpu.memory_space<semaphore_mem>>) src(%dma_wait3A_402 : memref<4x64x96xf32, #tpu.memory_space<hbm>>) dst(%arg4 : memref<4x64x96xf32, #tpu.memory_space<vmem>>)
    %dma_start3A_403 = arith.constant 60 : i32
    %dma_start3A_404 = arith.constant 0 : i32
    %dma_start3A_405 = arith.constant 0 : i32
    %dma_start3A_406 = tpu.memref_slice %arg2[%select_n3A, %add3A_20, %dma_start3A_403, %dma_start3A_404, %dma_start3A_405] : memref<2x64x64x64x96xf32, #tpu.memory_space<hbm>> -> memref<1x1x4x64x96xf32, #tpu.memory_space<hbm>>
    %dma_start3A_407 = tpu.memref_squeeze %dma_start3A_406 : memref<1x1x4x64x96xf32, #tpu.memory_space<hbm>> -> memref<4x64x96xf32, #tpu.memory_space<hbm>>
    %dma_start3A_408 = arith.constant 60 : i32
    %dma_start3A_409 = arith.constant 0 : i32
    %dma_start3A_410 = arith.constant 0 : i32
    %dma_start3A_411 = tpu.memref_slice %arg2[%select_n3A, %add3A_20, %dma_start3A_408, %dma_start3A_409, %dma_start3A_410] : memref<2x64x64x64x96xf32, #tpu.memory_space<hbm>> -> memref<1x1x4x64x96xf32, #tpu.memory_space<hbm>>
    %dma_start3A_412 = tpu.memref_squeeze %dma_start3A_411 : memref<1x1x4x64x96xf32, #tpu.memory_space<hbm>> -> memref<4x64x96xf32, #tpu.memory_space<hbm>>
    tpu.enqueue_dma source(%dma_start3A_412 : memref<4x64x96xf32, #tpu.memory_space<hbm>>) target(%arg5 : memref<4x64x96xf32, #tpu.memory_space<vmem>>) target_semaphore(%arg8 : memref<!tpu.dma_semaphore, #tpu.memory_space<semaphore_mem>>)
    %scan3A_413 = arith.constant 0 : i32
    %scan3A_414 = arith.constant 256 : i32
    %scan3A_415 = arith.addi %scan3A_413, %scan3A_414 : i32
    %scan3A_416 = arith.constant 1 : i32
    %scan3A_417:6 = scf.for %scan3A_458 = %scan3A_413 to %scan3A_415 step %scan3A_416 iter_args(%scan3A_459 = %scan3A_391#0, %scan3A_460 = %scan3A_391#1, %scan3A_461 = %scan3A_391#2, %scan3A_462 = %scan3A_391#3, %scan3A_463 = %scan3A_391#4, %scan3A_464 = %scan3A_391#5) -> (vector<16xf32>, vector<16xf32>, vector<16xf32>, vector<16xf32>, vector<16xf32>, vector<16xf32>)  : i32 {
      %jit3A_465 = arith.constant 64 : i32
      %div3A_466 = arith.divsi %scan3A_458, %jit3A_465 : i32
      %sign3A_467 = arith.constant 0 : i32
      %sign3A_468 = arith.cmpi sgt, %scan3A_458, %sign3A_467 : i32
      %sign3A_469 = arith.extui %sign3A_468 : i1 to i32
      %sign3A_470 = arith.constant 0 : i32
      %sign3A_471 = arith.cmpi slt, %scan3A_458, %sign3A_470 : i32
      %sign3A_472 = arith.extui %sign3A_471 : i1 to i32
      %sign3A_473 = arith.subi %sign3A_469, %sign3A_472 : i32
      %sign3A_474 = arith.constant 0 : i32
      %sign3A_475 = arith.cmpi sgt, %jit3A_465, %sign3A_474 : i32
      %sign3A_476 = arith.extui %sign3A_475 : i1 to i32
      %sign3A_477 = arith.constant 0 : i32
      %sign3A_478 = arith.cmpi slt, %jit3A_465, %sign3A_477 : i32
      %sign3A_479 = arith.extui %sign3A_478 : i1 to i32
      %sign3A_480 = arith.subi %sign3A_476, %sign3A_479 : i32
      %ne3A_481 = arith.cmpi ne, %sign3A_473, %sign3A_480 : i32
      %rem3A_482 = arith.remsi %scan3A_458, %jit3A_465 : i32
      %ne3A_483 = arith.constant 0 : i32
      %ne3A_484 = arith.cmpi ne, %rem3A_482, %ne3A_483 : i32
      %and3A_485 = arith.andi %ne3A_481, %ne3A_484 : i1
      %sub3A_486 = arith.constant 1 : i32
      %sub3A_487 = arith.subi %div3A_466, %sub3A_486 : i32
      %select_n3A_488 = arith.select %and3A_485, %sub3A_487, %div3A_466 : i32
      %rem3A_489 = arith.constant 64 : i32
      %rem3A_490 = arith.remsi %scan3A_458, %rem3A_489 : i32
      %get3A = arith.index_cast %select_n3A_488 : i32 to index
      %get3A_491 = arith.index_cast %rem3A_490 : i32 to index
      %get3A_492 = arith.constant 0 : index
      %get3A_493 = tpu.vector_load %arg4[%get3A, %get3A_491, %get3A_492] {strides = array<i32>} : memref<4x64x96xf32, #tpu.memory_space<vmem>>, vector<1x1x16xf32>,
      %get3A_494 = vector.shape_cast %get3A_493 : vector<1x1x16xf32> to vector<16xf32>
      %mul3A_495 = arith.mulf %get3A_494, %get3A_494 : vector<16xf32>
      %add3A_496 = arith.addf %scan3A_459, %mul3A_495 : vector<16xf32>
      %get3A_497 = arith.index_cast %select_n3A_488 : i32 to index
      %get3A_498 = arith.index_cast %rem3A_490 : i32 to index
      %get3A_499 = arith.constant 16 : index
      %get3A_500 = tpu.vector_load %arg4[%get3A_497, %get3A_498, %get3A_499] {strides = array<i32>} : memref<4x64x96xf32, #tpu.memory_space<vmem>>, vector<1x1x16xf32>,
      %get3A_501 = vector.shape_cast %get3A_500 : vector<1x1x16xf32> to vector<16xf32>
      %mul3A_502 = arith.mulf %get3A_501, %get3A_501 : vector<16xf32>
      %add3A_503 = arith.addf %scan3A_460, %mul3A_502 : vector<16xf32>
      %get3A_504 = arith.index_cast %select_n3A_488 : i32 to index
      %get3A_505 = arith.index_cast %rem3A_490 : i32 to index
      %get3A_506 = arith.constant 32 : index
      %get3A_507 = tpu.vector_load %arg4[%get3A_504, %get3A_505, %get3A_506] {strides = array<i32>} : memref<4x64x96xf32, #tpu.memory_space<vmem>>, vector<1x1x16xf32>,
      %get3A_508 = vector.shape_cast %get3A_507 : vector<1x1x16xf32> to vector<16xf32>
      %mul3A_509 = arith.mulf %get3A_508, %get3A_508 : vector<16xf32>
      %add3A_510 = arith.addf %scan3A_461, %mul3A_509 : vector<16xf32>
      %get3A_511 = arith.index_cast %select_n3A_488 : i32 to index
      %get3A_512 = arith.index_cast %rem3A_490 : i32 to index
      %get3A_513 = arith.constant 48 : index
      %get3A_514 = tpu.vector_load %arg4[%get3A_511, %get3A_512, %get3A_513] {strides = array<i32>} : memref<4x64x96xf32, #tpu.memory_space<vmem>>, vector<1x1x16xf32>,
      %get3A_515 = vector.shape_cast %get3A_514 : vector<1x1x16xf32> to vector<16xf32>
      %mul3A_516 = arith.mulf %get3A_515, %get3A_515 : vector<16xf32>
      %add3A_517 = arith.addf %scan3A_462, %mul3A_516 : vector<16xf32>
      %get3A_518 = arith.index_cast %select_n3A_488 : i32 to index
      %get3A_519 = arith.index_cast %rem3A_490 : i32 to index
      %get3A_520 = arith.constant 64 : index
      %get3A_521 = tpu.vector_load %arg4[%get3A_518, %get3A_519, %get3A_520] {strides = array<i32>} : memref<4x64x96xf32, #tpu.memory_space<vmem>>, vector<1x1x16xf32>,
      %get3A_522 = vector.shape_cast %get3A_521 : vector<1x1x16xf32> to vector<16xf32>
      %mul3A_523 = arith.mulf %get3A_522, %get3A_522 : vector<16xf32>
      %add3A_524 = arith.addf %scan3A_463, %mul3A_523 : vector<16xf32>
      %get3A_525 = arith.index_cast %select_n3A_488 : i32 to index
      %get3A_526 = arith.index_cast %rem3A_490 : i32 to index
      %get3A_527 = arith.constant 80 : index
      %get3A_528 = tpu.vector_load %arg4[%get3A_525, %get3A_526, %get3A_527] {strides = array<i32>} : memref<4x64x96xf32, #tpu.memory_space<vmem>>, vector<1x1x16xf32>,
      %get3A_529 = vector.shape_cast %get3A_528 : vector<1x1x16xf32> to vector<16xf32>
      %mul3A_530 = arith.mulf %get3A_529, %get3A_529 : vector<16xf32>
      %add3A_531 = arith.addf %scan3A_464, %mul3A_530 : vector<16xf32>
      scf.yield %add3A_496, %add3A_503, %add3A_510, %add3A_517, %add3A_524, %add3A_531 : vector<16xf32>, vector<16xf32>, vector<16xf32>, vector<16xf32>, vector<16xf32>, vector<16xf32>
    }
    %scan3A_418 = arith.constant 256 : i32
    %dma_wait3A_419 = arith.constant 60 : i32
    %dma_wait3A_420 = arith.constant 0 : i32
    %dma_wait3A_421 = arith.constant 0 : i32
    %dma_wait3A_422 = tpu.memref_slice %arg2[%select_n3A, %add3A_20, %dma_wait3A_419, %dma_wait3A_420, %dma_wait3A_421] : memref<2x64x64x64x96xf32, #tpu.memory_space<hbm>> -> memref<1x1x4x64x96xf32, #tpu.memory_space<hbm>>
    %dma_wait3A_423 = tpu.memref_squeeze %dma_wait3A_422 : memref<1x1x4x64x96xf32, #tpu.memory_space<hbm>> -> memref<4x64x96xf32, #tpu.memory_space<hbm>>
    %dma_wait3A_424 = arith.constant 60 : i32
    %dma_wait3A_425 = arith.constant 0 : i32
    %dma_wait3A_426 = arith.constant 0 : i32
    %dma_wait3A_427 = tpu.memref_slice %arg2[%select_n3A, %add3A_20, %dma_wait3A_424, %dma_wait3A_425, %dma_wait3A_426] : memref<2x64x64x64x96xf32, #tpu.memory_space<hbm>> -> memref<1x1x4x64x96xf32, #tpu.memory_space<hbm>>
    %dma_wait3A_428 = tpu.memref_squeeze %dma_wait3A_427 : memref<1x1x4x64x96xf32, #tpu.memory_space<hbm>> -> memref<4x64x96xf32, #tpu.memory_space<hbm>>
    tpu.wait_dma2 semaphore(%arg8 : memref<!tpu.dma_semaphore, #tpu.memory_space<semaphore_mem>>) src(%dma_wait3A_428 : memref<4x64x96xf32, #tpu.memory_space<hbm>>) dst(%arg5 : memref<4x64x96xf32, #tpu.memory_space<vmem>>)
    %scan3A_429 = arith.constant 0 : i32
    %scan3A_430 = arith.constant 256 : i32
    %scan3A_431 = arith.addi %scan3A_429, %scan3A_430 : i32
    %scan3A_432 = arith.constant 1 : i32
    %scan3A_433:6 = scf.for %scan3A_458 = %scan3A_429 to %scan3A_431 step %scan3A_432 iter_args(%scan3A_459 = %scan3A_417#0, %scan3A_460 = %scan3A_417#1, %scan3A_461 = %scan3A_417#2, %scan3A_462 = %scan3A_417#3, %scan3A_463 = %scan3A_417#4, %scan3A_464 = %scan3A_417#5) -> (vector<16xf32>, vector<16xf32>, vector<16xf32>, vector<16xf32>, vector<16xf32>, vector<16xf32>)  : i32 {
      %jit3A_465 = arith.constant 64 : i32
      %div3A_466 = arith.divsi %scan3A_458, %jit3A_465 : i32
      %sign3A_467 = arith.constant 0 : i32
      %sign3A_468 = arith.cmpi sgt, %scan3A_458, %sign3A_467 : i32
      %sign3A_469 = arith.extui %sign3A_468 : i1 to i32
      %sign3A_470 = arith.constant 0 : i32
      %sign3A_471 = arith.cmpi slt, %scan3A_458, %sign3A_470 : i32
      %sign3A_472 = arith.extui %sign3A_471 : i1 to i32
      %sign3A_473 = arith.subi %sign3A_469, %sign3A_472 : i32
      %sign3A_474 = arith.constant 0 : i32
      %sign3A_475 = arith.cmpi sgt, %jit3A_465, %sign3A_474 : i32
      %sign3A_476 = arith.extui %sign3A_475 : i1 to i32
      %sign3A_477 = arith.constant 0 : i32
      %sign3A_478 = arith.cmpi slt, %jit3A_465, %sign3A_477 : i32
      %sign3A_479 = arith.extui %sign3A_478 : i1 to i32
      %sign3A_480 = arith.subi %sign3A_476, %sign3A_479 : i32
      %ne3A_481 = arith.cmpi ne, %sign3A_473, %sign3A_480 : i32
      %rem3A_482 = arith.remsi %scan3A_458, %jit3A_465 : i32
      %ne3A_483 = arith.constant 0 : i32
      %ne3A_484 = arith.cmpi ne, %rem3A_482, %ne3A_483 : i32
      %and3A_485 = arith.andi %ne3A_481, %ne3A_484 : i1
      %sub3A_486 = arith.constant 1 : i32
      %sub3A_487 = arith.subi %div3A_466, %sub3A_486 : i32
      %select_n3A_488 = arith.select %and3A_485, %sub3A_487, %div3A_466 : i32
      %rem3A_489 = arith.constant 64 : i32
      %rem3A_490 = arith.remsi %scan3A_458, %rem3A_489 : i32
      %get3A = arith.index_cast %select_n3A_488 : i32 to index
      %get3A_491 = arith.index_cast %rem3A_490 : i32 to index
      %get3A_492 = arith.constant 0 : index
      %get3A_493 = tpu.vector_load %arg5[%get3A, %get3A_491, %get3A_492] {strides = array<i32>} : memref<4x64x96xf32, #tpu.memory_space<vmem>>, vector<1x1x16xf32>,
      %get3A_494 = vector.shape_cast %get3A_493 : vector<1x1x16xf32> to vector<16xf32>
      %mul3A_495 = arith.mulf %get3A_494, %get3A_494 : vector<16xf32>
      %add3A_496 = arith.addf %scan3A_459, %mul3A_495 : vector<16xf32>
      %get3A_497 = arith.index_cast %select_n3A_488 : i32 to index
      %get3A_498 = arith.index_cast %rem3A_490 : i32 to index
      %get3A_499 = arith.constant 16 : index
      %get3A_500 = tpu.vector_load %arg5[%get3A_497, %get3A_498, %get3A_499] {strides = array<i32>} : memref<4x64x96xf32, #tpu.memory_space<vmem>>, vector<1x1x16xf32>,
      %get3A_501 = vector.shape_cast %get3A_500 : vector<1x1x16xf32> to vector<16xf32>
      %mul3A_502 = arith.mulf %get3A_501, %get3A_501 : vector<16xf32>
      %add3A_503 = arith.addf %scan3A_460, %mul3A_502 : vector<16xf32>
      %get3A_504 = arith.index_cast %select_n3A_488 : i32 to index
      %get3A_505 = arith.index_cast %rem3A_490 : i32 to index
      %get3A_506 = arith.constant 32 : index
      %get3A_507 = tpu.vector_load %arg5[%get3A_504, %get3A_505, %get3A_506] {strides = array<i32>} : memref<4x64x96xf32, #tpu.memory_space<vmem>>, vector<1x1x16xf32>,
      %get3A_508 = vector.shape_cast %get3A_507 : vector<1x1x16xf32> to vector<16xf32>
      %mul3A_509 = arith.mulf %get3A_508, %get3A_508 : vector<16xf32>
      %add3A_510 = arith.addf %scan3A_461, %mul3A_509 : vector<16xf32>
      %get3A_511 = arith.index_cast %select_n3A_488 : i32 to index
      %get3A_512 = arith.index_cast %rem3A_490 : i32 to index
      %get3A_513 = arith.constant 48 : index
      %get3A_514 = tpu.vector_load %arg5[%get3A_511, %get3A_512, %get3A_513] {strides = array<i32>} : memref<4x64x96xf32, #tpu.memory_space<vmem>>, vector<1x1x16xf32>,
      %get3A_515 = vector.shape_cast %get3A_514 : vector<1x1x16xf32> to vector<16xf32>
      %mul3A_516 = arith.mulf %get3A_515, %get3A_515 : vector<16xf32>
      %add3A_517 = arith.addf %scan3A_462, %mul3A_516 : vector<16xf32>
      %get3A_518 = arith.index_cast %select_n3A_488 : i32 to index
      %get3A_519 = arith.index_cast %rem3A_490 : i32 to index
      %get3A_520 = arith.constant 64 : index
      %get3A_521 = tpu.vector_load %arg5[%get3A_518, %get3A_519, %get3A_520] {strides = array<i32>} : memref<4x64x96xf32, #tpu.memory_space<vmem>>, vector<1x1x16xf32>,
      %get3A_522 = vector.shape_cast %get3A_521 : vector<1x1x16xf32> to vector<16xf32>
      %mul3A_523 = arith.mulf %get3A_522, %get3A_522 : vector<16xf32>
      %add3A_524 = arith.addf %scan3A_463, %mul3A_523 : vector<16xf32>
      %get3A_525 = arith.index_cast %select_n3A_488 : i32 to index
      %get3A_526 = arith.index_cast %rem3A_490 : i32 to index
      %get3A_527 = arith.constant 80 : index
      %get3A_528 = tpu.vector_load %arg5[%get3A_525, %get3A_526, %get3A_527] {strides = array<i32>} : memref<4x64x96xf32, #tpu.memory_space<vmem>>, vector<1x1x16xf32>,
      %get3A_529 = vector.shape_cast %get3A_528 : vector<1x1x16xf32> to vector<16xf32>
      %mul3A_530 = arith.mulf %get3A_529, %get3A_529 : vector<16xf32>
      %add3A_531 = arith.addf %scan3A_464, %mul3A_530 : vector<16xf32>
      scf.yield %add3A_496, %add3A_503, %add3A_510, %add3A_517, %add3A_524, %add3A_531 : vector<16xf32>, vector<16xf32>, vector<16xf32>, vector<16xf32>, vector<16xf32>, vector<16xf32>
    }
    %scan3A_434 = arith.constant 256 : i32
    %swap3A = arith.constant 0 : index
    %swap3A_435 = tpu.vector_load %arg6[%swap3A] {strides = array<i32>} : memref<96xf32, #tpu.memory_space<vmem>>, vector<16xf32>,
    %swap3A_436 = vector.shape_cast %swap3A_435 : vector<16xf32> to vector<16xf32>
    %swap3A_437 = vector.shape_cast %scan3A_433#0 : vector<16xf32> to vector<16xf32>
    tpu.vector_store %arg6[%swap3A], %swap3A_437 {strides = array<i32>} : memref<96xf32, #tpu.memory_space<vmem>>, vector<16xf32>,
    %swap3A_438 = arith.constant 16 : index
    %swap3A_439 = tpu.vector_load %arg6[%swap3A_438] {strides = array<i32>} : memref<96xf32, #tpu.memory_space<vmem>>, vector<16xf32>,
    %swap3A_440 = vector.shape_cast %swap3A_439 : vector<16xf32> to vector<16xf32>
    %swap3A_441 = vector.shape_cast %scan3A_433#1 : vector<16xf32> to vector<16xf32>
    tpu.vector_store %arg6[%swap3A_438], %swap3A_441 {strides = array<i32>} : memref<96xf32, #tpu.memory_space<vmem>>, vector<16xf32>,
    %swap3A_442 = arith.constant 32 : index
    %swap3A_443 = tpu.vector_load %arg6[%swap3A_442] {strides = array<i32>} : memref<96xf32, #tpu.memory_space<vmem>>, vector<16xf32>,
    %swap3A_444 = vector.shape_cast %swap3A_443 : vector<16xf32> to vector<16xf32>
    %swap3A_445 = vector.shape_cast %scan3A_433#2 : vector<16xf32> to vector<16xf32>
    tpu.vector_store %arg6[%swap3A_442], %swap3A_445 {strides = array<i32>} : memref<96xf32, #tpu.memory_space<vmem>>, vector<16xf32>,
    %swap3A_446 = arith.constant 48 : index
    %swap3A_447 = tpu.vector_load %arg6[%swap3A_446] {strides = array<i32>} : memref<96xf32, #tpu.memory_space<vmem>>, vector<16xf32>,
    %swap3A_448 = vector.shape_cast %swap3A_447 : vector<16xf32> to vector<16xf32>
    %swap3A_449 = vector.shape_cast %scan3A_433#3 : vector<16xf32> to vector<16xf32>
    tpu.vector_store %arg6[%swap3A_446], %swap3A_449 {strides = array<i32>} : memref<96xf32, #tpu.memory_space<vmem>>, vector<16xf32>,
    %swap3A_450 = arith.constant 64 : index
    %swap3A_451 = tpu.vector_load %arg6[%swap3A_450] {strides = array<i32>} : memref<96xf32, #tpu.memory_space<vmem>>, vector<16xf32>,
    %swap3A_452 = vector.shape_cast %swap3A_451 : vector<16xf32> to vector<16xf32>
    %swap3A_453 = vector.shape_cast %scan3A_433#4 : vector<16xf32> to vector<16xf32>
    tpu.vector_store %arg6[%swap3A_450], %swap3A_453 {strides = array<i32>} : memref<96xf32, #tpu.memory_space<vmem>>, vector<16xf32>,
    %swap3A_454 = arith.constant 80 : index
    %swap3A_455 = tpu.vector_load %arg6[%swap3A_454] {strides = array<i32>} : memref<96xf32, #tpu.memory_space<vmem>>, vector<16xf32>,
    %swap3A_456 = vector.shape_cast %swap3A_455 : vector<16xf32> to vector<16xf32>
    %swap3A_457 = vector.shape_cast %scan3A_433#5 : vector<16xf32> to vector<16xf32>
    tpu.vector_store %arg6[%swap3A_454], %swap3A_457 {strides = array<i32>} : memref<96xf32, #tpu.memory_space<vmem>>, vector<16xf32>,
    "tpu.region"() ({
      %run_scoped3A = tpu.sem_alloc : memref<!tpu.dma_semaphore, #tpu.memory_space<semaphore_mem>>
      %dma_start3A_458 = arith.constant 0 : i32
      %dma_start3A_459 = tpu.memref_slice %arg3[%add3A, %dma_start3A_458] : memref<32x96xf32, #tpu.memory_space<hbm>> -> memref<1x96xf32, #tpu.memory_space<hbm>>
      %dma_start3A_460 = tpu.memref_squeeze %dma_start3A_459 : memref<1x96xf32, #tpu.memory_space<hbm>> -> memref<96xf32, #tpu.memory_space<hbm>>
      %dma_start3A_461 = arith.constant 0 : i32
      %dma_start3A_462 = tpu.memref_slice %arg3[%add3A, %dma_start3A_461] : memref<32x96xf32, #tpu.memory_space<hbm>> -> memref<1x96xf32, #tpu.memory_space<hbm>>
      %dma_start3A_463 = tpu.memref_squeeze %dma_start3A_462 : memref<1x96xf32, #tpu.memory_space<hbm>> -> memref<96xf32, #tpu.memory_space<hbm>>
      tpu.enqueue_dma source(%arg6 : memref<96xf32, #tpu.memory_space<vmem>>) target(%dma_start3A_463 : memref<96xf32, #tpu.memory_space<hbm>>) target_semaphore(%run_scoped3A : memref<!tpu.dma_semaphore, #tpu.memory_space<semaphore_mem>>)
      %dma_wait3A_464 = arith.constant 0 : i32
      %dma_wait3A_465 = tpu.memref_slice %arg3[%add3A, %dma_wait3A_464] : memref<32x96xf32, #tpu.memory_space<hbm>> -> memref<1x96xf32, #tpu.memory_space<hbm>>
      %dma_wait3A_466 = tpu.memref_squeeze %dma_wait3A_465 : memref<1x96xf32, #tpu.memory_space<hbm>> -> memref<96xf32, #tpu.memory_space<hbm>>
      %dma_wait3A_467 = arith.constant 0 : i32
      %dma_wait3A_468 = tpu.memref_slice %arg3[%add3A, %dma_wait3A_467] : memref<32x96xf32, #tpu.memory_space<hbm>> -> memref<1x96xf32, #tpu.memory_space<hbm>>
      %dma_wait3A_469 = tpu.memref_squeeze %dma_wait3A_468 : memref<1x96xf32, #tpu.memory_space<hbm>> -> memref<96xf32, #tpu.memory_space<hbm>>
      tpu.wait_dma2 semaphore(%run_scoped3A : memref<!tpu.dma_semaphore, #tpu.memory_space<semaphore_mem>>) src(%arg6 : memref<96xf32, #tpu.memory_space<vmem>>) dst(%dma_wait3A_469 : memref<96xf32, #tpu.memory_space<hbm>>)
      tpu.yield
    }) : () -> ()
    return
  }
}

module attributes {stable_mosaic.version = 14 : i64} {
  func.func @_norm_body(%arg0: i32, %arg1: memref<1x1x96xf32, #tpu.memory_space<vmem>>, %arg2: memref<16x96xf32, #tpu.memory_space<vmem>>, %arg3: memref<1x96xf32, #tpu.memory_space<vmem>>, %arg4: memref<1x1x96xf32, #tpu.memory_space<vmem>>) attributes {dimension_semantics = [#tpu.dimension_semantics<arbitrary>], iteration_bounds = array<i64: 2>, scalar_prefetch = 0 : i64, scratch_operands = 0 : i64, tpu.core_type = #tpu.core_type<tc>, window_params = [{transform_indices = @transform_0, window_bounds = array<i64: 1, 1, 96>}, {transform_indices = @transform_1, window_bounds = array<i64: 16, 96>}, {pipeline_mode = #tpu.pipeline_mode<synchronous>, transform_indices = @transform_2, window_bounds = array<i64: 1, 96>}, {transform_indices = @transform_3, window_bounds = array<i64: 1, 1, 96>}]} {
    %get3A = arith.constant 0 : index
    %get3A_0 = arith.constant 0 : index
    %get3A_1 = arith.constant 0 : index
    %get3A_2 = vector.load %arg1[%get3A, %get3A_0, %get3A_1] : memref<1x1x96xf32, #tpu.memory_space<vmem>>, vector<1x1x96xf32>
    %get3A_3 = vector.shape_cast %get3A_2 : vector<1x1x96xf32> to vector<1x96xf32>
    %get3A_4 = arith.constant 0 : index
    %get3A_5 = arith.constant 0 : index
    %get3A_6 = vector.load %arg2[%get3A_4, %get3A_5] : memref<16x96xf32, #tpu.memory_space<vmem>>, vector<16x96xf32>
    %reduce_sum3A = arith.constant dense<0.000000e+00> : vector<96xf32>
    %reduce_sum3A_7 = vector.multi_reduction <add>, %get3A_6, %reduce_sum3A [0] : vector<16x96xf32> to vector<96xf32>
    %broadcast_in_dim3A = vector.shape_cast %reduce_sum3A_7 : vector<96xf32> to vector<1x96xf32>
    %add3A = arith.addf %get3A_3, %broadcast_in_dim3A : vector<1x96xf32>
    %sqrt3A = math.sqrt %add3A : vector<1x96xf32>
    %reduce_sum3A_8 = vector.shape_cast %sqrt3A : vector<1x96xf32> to vector<1x1x96xf32>
    %reduce_sum3A_9 = arith.constant dense<0.000000e+00> : vector<1xf32>
    %reduce_sum3A_10 = vector.multi_reduction <add>, %reduce_sum3A_8, %reduce_sum3A_9 [1, 2] : vector<1x1x96xf32> to vector<1xf32>
    %reduce_sum3A_11 = vector.shape_cast %reduce_sum3A_10 : vector<1xf32> to vector<1x1x1xf32>
    %reduce_sum3A_12 = vector.extract %reduce_sum3A_11[0, 0, 0] : f32 from vector<1x1x1xf32>
    %div3A = arith.constant 9.600000e+01 : f32
    %div3A_13 = arith.divf %reduce_sum3A_12, %div3A : f32
    %get3A_14 = arith.constant 0 : index
    %get3A_15 = arith.constant 0 : index
    %get3A_16 = vector.load %arg3[%get3A_14, %get3A_15] : memref<1x96xf32, #tpu.memory_space<vmem>>, vector<1x96xf32>
    %add3A_17 = arith.constant 9.99999997E-7 : f32
    %add3A_18 = arith.addf %div3A_13, %add3A_17 : f32
    %div3A_19 = vector.broadcast %add3A_18 : f32 to vector<1x96xf32>
    %div3A_20 = arith.divf %sqrt3A, %div3A_19 : vector<1x96xf32>
    %mul3A = arith.mulf %get3A_16, %div3A_20 : vector<1x96xf32>
    %add3A_21 = arith.constant 1.000000e+00 : f32
    %add3A_22 = vector.broadcast %add3A_21 : f32 to vector<1x96xf32>
    %add3A_23 = arith.addf %mul3A, %add3A_22 : vector<1x96xf32>
    %swap3A = arith.constant 0 : index
    %swap3A_24 = arith.constant 0 : index
    %swap3A_25 = arith.constant 0 : index
    %swap3A_26 = vector.load %arg4[%swap3A, %swap3A_24, %swap3A_25] : memref<1x1x96xf32, #tpu.memory_space<vmem>>, vector<1x1x96xf32>
    %swap3A_27 = vector.shape_cast %swap3A_26 : vector<1x1x96xf32> to vector<1x96xf32>
    %swap3A_28 = vector.shape_cast %add3A_23 : vector<1x96xf32> to vector<1x1x96xf32>
    tpu.vector_store %arg4[%swap3A, %swap3A_24, %swap3A_25], %swap3A_28 {strides = array<i32>} : memref<1x1x96xf32, #tpu.memory_space<vmem>>, vector<1x1x96xf32>,
    return
  }
  func.func @transform_0(%arg0: i32) -> (i32, i32, i32) {
    %c0_i32 = arith.constant 0 : i32
    %c0_i32_0 = arith.constant 0 : i32
    %c0_i32_1 = arith.constant 0 : i32
    return %arg0, %c0_i32, %c0_i32_0 : i32, i32, i32
  }
  func.func @transform_1(%arg0: i32) -> (i32, i32) {
    %c0_i32 = arith.constant 0 : i32
    %c0_i32_0 = arith.constant 0 : i32
    return %arg0, %c0_i32 : i32, i32
  }
  func.func @transform_2(%arg0: i32) -> (i32, i32) {
    %c0_i32 = arith.constant 0 : i32
    %c0_i32_0 = arith.constant 0 : i32
    %c0_i32_1 = arith.constant 0 : i32
    return %c0_i32, %c0_i32_0 : i32, i32
  }
  func.func @transform_3(%arg0: i32) -> (i32, i32, i32) {
    %c0_i32 = arith.constant 0 : i32
    %c0_i32_0 = arith.constant 0 : i32
    %c0_i32_1 = arith.constant 0 : i32
    return %arg0, %c0_i32, %c0_i32_0 : i32, i32, i32
  }
}

module attributes {stable_mosaic.version = 14 : i64} {
  func.func @_apply_body(%arg0: i32, %arg1: i32, %arg2: memref<1x1x96xf32, #tpu.memory_space<vmem>>, %arg3: memref<1x96xf32, #tpu.memory_space<vmem>>, %arg4: memref<1x4x64x64x96xf32, #tpu.memory_space<vmem>>, %arg5: memref<1x4x64x64x96xf32, #tpu.memory_space<vmem>>) attributes {dimension_semantics = [#tpu.dimension_semantics<parallel>, #tpu.dimension_semantics<parallel>], iteration_bounds = array<i64: 2, 16>, scalar_prefetch = 0 : i64, scratch_operands = 0 : i64, tpu.core_type = #tpu.core_type<tc>, window_params = [{transform_indices = @transform_0, window_bounds = array<i64: 1, 1, 96>}, {pipeline_mode = #tpu.pipeline_mode<synchronous>, transform_indices = @transform_1, window_bounds = array<i64: 1, 96>}, {transform_indices = @transform_2, window_bounds = array<i64: 1, 4, 64, 64, 96>}, {transform_indices = @transform_3, window_bounds = array<i64: 1, 4, 64, 64, 96>}]} {
    %get3A = arith.constant 0 : index
    %get3A_0 = arith.constant 0 : index
    %get3A_1 = arith.constant 0 : index
    %get3A_2 = vector.load %arg2[%get3A, %get3A_0, %get3A_1] : memref<1x1x96xf32, #tpu.memory_space<vmem>>, vector<1x1x96xf32>
    %get3A_3 = vector.shape_cast %get3A_2 : vector<1x1x96xf32> to vector<1x96xf32>
    %reshape3A = vector.shape_cast %get3A_3 : vector<1x96xf32> to vector<1x1x1x1x96xf32>
    %get3A_4 = arith.constant 0 : index
    %get3A_5 = arith.constant 0 : index
    %get3A_6 = arith.constant 0 : index
    %get3A_7 = arith.constant 0 : index
    %get3A_8 = arith.constant 0 : index
    %get3A_9 = vector.load %arg4[%get3A_4, %get3A_5, %get3A_6, %get3A_7, %get3A_8] : memref<1x4x64x64x96xf32, #tpu.memory_space<vmem>>, vector<1x4x64x64x96xf32>
    %mul3A = vector.broadcast %reshape3A : vector<1x1x1x1x96xf32> to vector<1x4x64x64x96xf32>
    %mul3A_10 = arith.mulf %mul3A, %get3A_9 : vector<1x4x64x64x96xf32>
    %get3A_11 = arith.constant 0 : index
    %get3A_12 = arith.constant 0 : index
    %get3A_13 = vector.load %arg3[%get3A_11, %get3A_12] : memref<1x96xf32, #tpu.memory_space<vmem>>, vector<1x96xf32>
    %reshape3A_14 = vector.shape_cast %get3A_13 : vector<1x96xf32> to vector<1x1x1x1x96xf32>
    %add3A = vector.broadcast %reshape3A_14 : vector<1x1x1x1x96xf32> to vector<1x4x64x64x96xf32>
    %add3A_15 = arith.addf %mul3A_10, %add3A : vector<1x4x64x64x96xf32>
    %swap3A = arith.constant 0 : index
    %swap3A_16 = arith.constant 0 : index
    %swap3A_17 = arith.constant 0 : index
    %swap3A_18 = arith.constant 0 : index
    %swap3A_19 = arith.constant 0 : index
    %swap3A_20 = vector.load %arg5[%swap3A, %swap3A_16, %swap3A_17, %swap3A_18, %swap3A_19] : memref<1x4x64x64x96xf32, #tpu.memory_space<vmem>>, vector<1x4x64x64x96xf32>
    tpu.vector_store %arg5[%swap3A, %swap3A_16, %swap3A_17, %swap3A_18, %swap3A_19], %add3A_15 {strides = array<i32>} : memref<1x4x64x64x96xf32, #tpu.memory_space<vmem>>, vector<1x4x64x64x96xf32>,
    return
  }
  func.func @transform_0(%arg0: i32, %arg1: i32) -> (i32, i32, i32) {
    %c0_i32 = arith.constant 0 : i32
    %c0_i32_0 = arith.constant 0 : i32
    %c0_i32_1 = arith.constant 0 : i32
    return %arg0, %c0_i32, %c0_i32_0 : i32, i32, i32
  }
  func.func @transform_1(%arg0: i32, %arg1: i32) -> (i32, i32) {
    %c0_i32 = arith.constant 0 : i32
    %c0_i32_0 = arith.constant 0 : i32
    %c0_i32_1 = arith.constant 0 : i32
    return %c0_i32, %c0_i32_0 : i32, i32
  }
  func.func @transform_2(%arg0: i32, %arg1: i32) -> (i32, i32, i32, i32, i32) {
    %c0_i32 = arith.constant 0 : i32
    %c0_i32_0 = arith.constant 0 : i32
    %c0_i32_1 = arith.constant 0 : i32
    %c0_i32_2 = arith.constant 0 : i32
    return %arg0, %arg1, %c0_i32, %c0_i32_0, %c0_i32_1 : i32, i32, i32, i32, i32
  }
  func.func @transform_3(%arg0: i32, %arg1: i32) -> (i32, i32, i32, i32, i32) {
    %c0_i32 = arith.constant 0 : i32
    %c0_i32_0 = arith.constant 0 : i32
    %c0_i32_1 = arith.constant 0 : i32
    %c0_i32_2 = arith.constant 0 : i32
    return %arg0, %arg1, %c0_i32, %c0_i32_0, %c0_i32_1 : i32, i32, i32, i32, i32
  }
}

module attributes {stable_mosaic.version = 14 : i64} {
  func.func @_tc_sumsq_body(%arg0: i32, %arg1: i32, %arg2: memref<1x8x64x64x96xf32, #tpu.memory_space<vmem>>, %arg3: memref<1x1x96xf32, #tpu.memory_space<vmem>>) attributes {dimension_semantics = [#tpu.dimension_semantics<parallel>, #tpu.dimension_semantics<arbitrary>], iteration_bounds = array<i64: 2, 6>, scalar_prefetch = 0 : i64, scratch_operands = 0 : i64, tpu.core_type = #tpu.core_type<tc>, window_params = [{transform_indices = @transform_0, window_bounds = array<i64: 1, 8, 64, 64, 96>}, {transform_indices = @transform_1, window_bounds = array<i64: 1, 1, 96>}]} {
    %eq3A = arith.constant 0 : i32
    %eq3A_0 = arith.cmpi eq, %arg1, %eq3A : i32
    %convert_element_type3A = arith.extui %eq3A_0 : i1 to i32
    %cond3A = arith.constant 0 : i32
    %cond3A_1 = arith.cmpi ne, %convert_element_type3A, %cond3A : i32
    scf.if %cond3A_1 {
      %broadcast_in_dim3A_18 = arith.constant 0.000000e+00 : f32
      %broadcast_in_dim3A_19 = vector.broadcast %broadcast_in_dim3A_18 : f32 to vector<1x1x96xf32>
      %swap3A_20 = arith.constant 0 : index
      %swap3A_21 = arith.constant 0 : index
      %swap3A_22 = arith.constant 0 : index
      %swap3A_23 = vector.load %arg3[%swap3A_20, %swap3A_21, %swap3A_22] : memref<1x1x96xf32, #tpu.memory_space<vmem>>, vector<1x1x96xf32>
      tpu.vector_store %arg3[%swap3A_20, %swap3A_21, %swap3A_22], %broadcast_in_dim3A_19 {strides = array<i32>} : memref<1x1x96xf32, #tpu.memory_space<vmem>>, vector<1x1x96xf32>,
    } else {
    }
    %get3A = arith.constant 0 : index
    %get3A_2 = arith.constant 0 : index
    %get3A_3 = arith.constant 0 : index
    %get3A_4 = arith.constant 0 : index
    %get3A_5 = arith.constant 0 : index
    %get3A_6 = vector.load %arg2[%get3A, %get3A_2, %get3A_3, %get3A_4, %get3A_5] : memref<1x8x64x64x96xf32, #tpu.memory_space<vmem>>, vector<1x8x64x64x96xf32>
    %reshape3A = vector.shape_cast %get3A_6 : vector<1x8x64x64x96xf32> to vector<32768x96xf32>
    %get3A_7 = arith.constant 0 : index
    %get3A_8 = arith.constant 0 : index
    %get3A_9 = arith.constant 0 : index
    %get3A_10 = vector.load %arg3[%get3A_7, %get3A_8, %get3A_9] : memref<1x1x96xf32, #tpu.memory_space<vmem>>, vector<1x1x96xf32>
    %get3A_11 = vector.shape_cast %get3A_10 : vector<1x1x96xf32> to vector<1x96xf32>
    %mul3A = arith.mulf %reshape3A, %reshape3A : vector<32768x96xf32>
    %reduce_sum3A = arith.constant dense<0.000000e+00> : vector<96xf32>
    %reduce_sum3A_12 = vector.multi_reduction <add>, %mul3A, %reduce_sum3A [0] : vector<32768x96xf32> to vector<96xf32>
    %broadcast_in_dim3A = vector.shape_cast %reduce_sum3A_12 : vector<96xf32> to vector<1x96xf32>
    %add3A = arith.addf %get3A_11, %broadcast_in_dim3A : vector<1x96xf32>
    %swap3A = arith.constant 0 : index
    %swap3A_13 = arith.constant 0 : index
    %swap3A_14 = arith.constant 0 : index
    %swap3A_15 = vector.load %arg3[%swap3A, %swap3A_13, %swap3A_14] : memref<1x1x96xf32, #tpu.memory_space<vmem>>, vector<1x1x96xf32>
    %swap3A_16 = vector.shape_cast %swap3A_15 : vector<1x1x96xf32> to vector<1x96xf32>
    %swap3A_17 = vector.shape_cast %add3A : vector<1x96xf32> to vector<1x1x96xf32>
    tpu.vector_store %arg3[%swap3A, %swap3A_13, %swap3A_14], %swap3A_17 {strides = array<i32>} : memref<1x1x96xf32, #tpu.memory_space<vmem>>, vector<1x1x96xf32>,
    return
  }
  func.func @transform_0(%arg0: i32, %arg1: i32) -> (i32, i32, i32, i32, i32) {
    %c0_i32 = arith.constant 0 : i32
    %c0_i32_0 = arith.constant 0 : i32
    %c0_i32_1 = arith.constant 0 : i32
    %c0_i32_2 = arith.constant 0 : i32
    return %arg0, %arg1, %c0_i32, %c0_i32_0, %c0_i32_1 : i32, i32, i32, i32, i32
  }
  func.func @transform_1(%arg0: i32, %arg1: i32) -> (i32, i32, i32) {
    %c0_i32 = arith.constant 0 : i32
    %c0_i32_0 = arith.constant 0 : i32
    %c0_i32_1 = arith.constant 0 : i32
    return %arg0, %c0_i32, %c0_i32_0 : i32, i32, i32
  }
}

</mosaic_0001>

<sc_bundles>
// kernel: kernel.6.cloned.1.call-start
scs
__scs_entry_jumppad:
0x0: {  	(pc) =	sbr.rel $0x88, $3  }
0x1: {  	(tag) =	ssettag $0x0;
	lr =	simm.s32 $0x1  }
0x2: {  	[smem:$0x3F9E] =	sst lr;
	_ =	strace $0xD0000000  }
0x3: {  	_ = 	snop  }
0x4: {  	_ = 	snop  }
0x5: {  	_ = 	snop  }
0x6: {  	_ = 	snop  }
0x7: {  	_ = 	snop  }
__scs_overlays_trampoline_lowered:
0x8: {  	[smem:$0x3FAD] =	sst s0  }
0x9: {  	[smem:$0x3FAE] =	sst s1  }
0xa: {  	[smem:$0x3FAF] =	sst s2  }
0xb: {  	[smem:$0x3FB0] =	sst s3  }
0xc: {  	[smem:$0x3FB1] =	sst s4  }
0xd: {  	[smem:$0x3FB2] =	sst s5  }
0xe: {  	[smem:$0x3FB3] =	sst s6  }
0xf: {  	[smem:$0x3FB4] =	sst s7  }
0x10: {  	[smem:$0x3FB5] =	sst s8  }
0x11: {  	[smem:$0x3FB6] =	sst s9;
	s0 =	simm.s32 @!p0 $0x0  }
0x12: {  	s1 =	sld [smem:$0x3F9C];
	s0 =	simm.s32 @p0 $0x1  }
0x13: {  	[smem:$0x3FB7] =	sst s0;
	s0 =	simm.s32 @!p1 $0x0  }
0x14: {  	s2 =	sld [smem:$0x3F9B];
	s0 =	simm.s32 @p1 $0x1  }
0x15: {  	[smem:$0x3FB8] =	sst s0;
	s0 =	simm.s32 @!p2 $0x0  }
0x16: {  	s3 =	sld [smem:$0x3FDB];
	s0 =	simm.s32 @p2 $0x1  }
0x17: {  	s4 =	simm.s32 $0x1BF5;
	[smem:$0x3FBA] =	sst s0  }
0x18: {  	s0 =	sld [smem:$0x3F9D];
	_ =	swait.ge [sflag:s4], $0x0  }
0x19: {  	s7 =	sld [smem:$0x3F9E]  }
0x1a: {  	s8 =	sadd.s32 $0xFFFFE003, lr  }
0x1b: {  	s9 =	sadd.s32 $0xFFFFFEF7, lr;
	s5 =	simm.s32 $0xFFFFFFFF;
	p2 =	slt.u32 s8, $0xFFFFF086  }
0x1c: {  	p1 =	slt.u32 s9, $0xF7A;
	s5 =	simm.s32 @!p2 $0x0  }
0x1d: {  	s5 =	simm.s32 @p1 $0x1;
	p0 =	seq.s32 s7, s2  }
0x1e: {  	s7 =	smul.u32 @!p0 $0xF7A, s2;
	p2 =	seq.s32 @!p0 s5, $0x0  }
0x1f: {  	s9 =	smul.u32 $0xF7A, s1;
	s8 =	simm.s32 @!p0 $0x1BF5;
	p2 =	por !p2, p0  }
0x20: {  	[sflag:s8] =	ssyncset.s32 @!p0 $0xFFFFF086;
	s6 =	sadd.s32 @!p0 s3, s7;
	s7 =	simm.s32 @!p0 $0x108  }
0x21: {  	s3 =	sadd.s32 s3, s9;
	s6 =	sadd.s32 @!p0 $0x88, s6;
	s7 =	simm.s32 @p2 $0x1082  }
0x22: {  	[simem:s7], [sflag:s8] =	dma.local @!p0 [hbm:s6], $0xF7A  }
0x23: {  	s9 =	sor.u32 $0xD0000000, s2;
	s6 =	simm.s32 $0x108;
	_ =	swait.ge @!p0 [sflag:s8], $0x0  }
0x24: {  	s3 =	sadd.s32 $0x88, s3;
	s6 =	simm.s32 @!p1 $0x1082;
	[sflag:s4] =	ssyncset.s32 $0xFFFFF086  }
0x25: {  	[simem:s6], [sflag:s4] =	dma.local [hbm:s3], $0xF7A  }
0x26: {  	[smem:$0x3F9E] =	sst s1;
	(tag) =	ssettag s2;
	_ =	strace s9  }
0x27: {  	s1 =	sld [smem:$0x3FAE]  }
0x28: {  	s2 =	sld [smem:$0x3FAF]  }
0x29: {  	s4 =	sld [smem:$0x3FB1]  }
0x2a: {  	p0 =	seq.s32 s5, $0x0;
	s5 =	sld [smem:$0x3FB2]  }
0x2b: {  	s6 =	sld [smem:$0x3FB3]  }
0x2c: {  	s7 =	sld [smem:$0x3FB4]  }
0x2d: {  	s3 =	simm.s32 $0x108;
	s8 =	sld [smem:$0x3FB5]  }
0x2e: {  	s3 =	simm.s32 @!p0 $0x1082;
	s9 =	sld [smem:$0x3FB6]  }
0x2f: {  	lr =	sadd.s32 s0, s3;
	s0 =	sld [smem:$0x3FAD]  }
0x30: {  	s3 =	sld [smem:$0x3FB0]  }
0x31: {  	[smem:$0x3FB9] =	sst s10  }
0x32: {  	s10 =	sld [smem:$0x3FB7];
	_ =	sdelay $0x3  }
0x33: {  	p0 =	seq.s32 s10, $0x1;
	s10 =	sld [smem:$0x3FB9];
	_ =	sdelay $0x3  }
0x34: {  	[smem:$0x3FB9] =	sst s10  }
0x35: {  	s10 =	sld [smem:$0x3FB8];
	_ =	sdelay $0x3  }
0x36: {  	p1 =	seq.s32 s10, $0x1;
	s10 =	sld [smem:$0x3FB9];
	_ =	sdelay $0x3  }
0x37: {  	[smem:$0x3FB9] =	sst s10  }
0x38: {  	s10 =	sld [smem:$0x3FBA]  }
0x39: {  	_ = 	snop;
	(pc) =	sbr.ind lr, $3  }
0x3a: {  	_ = 	snop  }
0x3b: {  	_ = 	snop  }
0x3c: {  	p2 =	seq.s32 s10, $0x1;
	s10 =	sld [smem:$0x3FB9]  }
0x3d: {  	_ =	shalt  }
0x3e: {  	_ =	shalt  }
0x3f: {  	_ =	shalt  }
0x40: {  	_ =	shalt  }
0x41: {  	_ =	shalt  }
0x42: {  	_ =	shalt  }
0x43: {  	_ =	shalt  }
0x44: {  	_ =	shalt  }
0x45: {  	_ =	shalt  }
0x46: {  	_ =	shalt  }
0x47: {  	_ =	shalt  }
0x48: {  	_ =	shalt  }
0x49: {  	_ =	shalt  }
0x4a: {  	_ =	shalt  }
0x4b: {  	_ =	shalt  }
0x4c: {  	_ =	shalt  }
0x4d: {  	_ =	shalt  }
0x4e: {  	_ =	shalt  }
0x4f: {  	_ =	shalt  }
0x50: {  	_ =	shalt  }
0x51: {  	_ =	shalt  }
0x52: {  	_ =	shalt  }
0x53: {  	_ =	shalt  }
0x54: {  	_ =	shalt  }
0x55: {  	_ =	shalt  }
0x56: {  	_ =	shalt  }
0x57: {  	_ =	shalt  }
0x58: {  	_ =	shalt  }
0x59: {  	_ =	shalt  }
0x5a: {  	_ =	shalt  }
0x5b: {  	_ =	shalt  }
0x5c: {  	_ =	shalt  }
0x5d: {  	_ =	shalt  }
0x5e: {  	_ =	shalt  }
0x5f: {  	_ =	shalt  }
0x60: {  	_ =	shalt  }
0x61: {  	_ =	shalt  }
0x62: {  	_ =	shalt  }
0x63: {  	_ =	shalt  }
0x64: {  	_ =	shalt  }
0x65: {  	_ =	shalt  }
0x66: {  	_ =	shalt  }
0x67: {  	_ =	shalt  }
0x68: {  	_ =	shalt  }
0x69: {  	_ =	shalt  }
0x6a: {  	_ =	shalt  }
0x6b: {  	_ =	shalt  }
0x6c: {  	_ =	shalt  }
0x6d: {  	_ =	shalt  }
0x6e: {  	_ =	shalt  }
0x6f: {  	_ =	shalt  }
0x70: {  	_ =	shalt  }
0x71: {  	_ =	shalt  }
0x72: {  	_ =	shalt  }
0x73: {  	_ =	shalt  }
0x74: {  	_ =	shalt  }
0x75: {  	_ =	shalt  }
0x76: {  	_ =	shalt  }
0x77: {  	_ =	shalt  }
0x78: {  	_ =	shalt  }
0x79: {  	_ =	shalt  }
0x7a: {  	_ =	shalt  }
0x7b: {  	_ =	shalt  }
0x7c: {  	_ =	shalt  }
0x7d: {  	_ =	shalt  }
0x7e: {  	_ =	shalt  }
0x7f: {  	_ =	shalt  }
0x80: {  	_ =	shalt  }
0x81: {  	_ =	shalt  }
0x82: {  	_ =	shalt  }
0x83: {  	_ =	shalt  }
0x84: {  	_ =	shalt  }
0x85: {  	_ =	shalt  }
0x86: {  	_ =	shalt  }
0x87: {  	_ =	shalt  }
.Lfunc_end0:
.L_simem_size_0:
called_computation_lowered:
.L_overlay_start_0:
0x88: {  	s2 =	sld [smem:$0x3FD9]  }
0x89: {  	s3 =	sld [smem:$0x3FFE];
	_ =	sdelay $0x1  }
0x8a: {  	s1 =	srdreg.scid  }
0x8b: {  	s0 =	sand.u32 $0x1, s1  }
0x8c: {  	s18 =	sshll.u32 s0, $0xA;
	s2 =	sadd.s32 s3, s2  }
0x8d: {  	s2 =	sadd.s32 s2, s18  }
0x8e: {  	[smem:$0x3FC5] =	sst s2  }
0x8f: {  	_ = 	snop  }
0x90: {  	s2 =	sld [smem:$0x3FC9]  }
0x91: {  	s19 =	sld [smem:$0x3FD0];
	(tm) =	ssettm $0x1  }
0x92: {  	s4 =	sld [smem:$0x3FFB];
	_ =	sdelay $0x3  }
0x93: {  	_ =	strace s4  }
0x94: {  	s4 =	sld [smem:$0x3FFC];
	_ =	sdelay $0x3  }
0x95: {  	_ =	strace s4  }
0x96: {  	s4 =	sld [smem:$0x3FFD];
	_ =	sdelay $0x3  }
0x97: {  	_ =	strace s4  }
0x98: {  	_ =	strace $0x8FFFFFFF  }
0x99: {  	s20 =	sld [smem:$0x3FDB];
	_ =	sdelay $0x1  }
0x9a: {  	s5 =	simm.s32 $_scs_section_size  }
0x9b: {  	s6 =	simm.s32 $_size__tile_overlayer_lowered;
	s7 =	simm.s32 $_tile_overlayer_lowered  }
0x9c: {  	s23 =	simm.s32 $0x1BFF;
	s22 =	sshll.u32 s7, $0x1;
	s4 =	sadd.s32 s5, s20  }
0x9d: {  	s8 =	simm.s32 $0x0;
	s21 =	sshll.u32 s6, $0x1;
	s6 =	sadd.s32 s22, s4  }
0x9e: {  	[timem:s8], [sflag:s23] =	dma.local [hbm:s6], s21  }
0x9f: {  	_ =	swait.ge [sflag:s23], s21  }
0xa0: {  	s5 =	ssub.s32 $0x0, s21;
	[sflag:s23] =	ssyncset.done $0x0  }
0xa1: {  	[sflag:s23] =	ssyncadd.s32 s5;
	_ =	sdelay $0x1  }
0xa2: {  	s24 =	simm.s32 $0x1B8B  }
0xa3: {  	_ =	swait.ge [sflag:s24], $0x1  }
0xa4: {  	[sflag:s24] =	ssyncset.done $0x0  }
0xa5: {  	s25 =	simm.s32 $0x1B8E;
	[sflag:s24] =	ssyncadd.s32 $0xFFFFFFFF  }
0xa6: {  	s26 =	simm.s32 $execute0_lowered;
	[smem:$0x3FD2] =	sst s25  }
0xa7: {  	s5 =	sshll.u32 s26, $0x1;
	_ =	strace $0x80000046;
	[dreg:$0x1] =	wrdreg $0xFFFFFFFF  }
0xa8: {  	s28 =	simm.s32 $_size_execute0_lowered;
	s4 =	sadd.s32 s4, s5;
	[dreg:$0x0] =	wrdreg $0x0  }
0xa9: {  	s5 =	sshll.u32 s28, $0x1;
	[dreg:$0x2] =	wrdreg s4  }
0xaa: {  	[dreg:$0x3] =	wrdreg s5  }
0xab: {  	[dreg:$0x4] =	wrdreg $0xC0  }
0xac: {  	_ =	task [dreg:s8], $0x5FFFF  }
0xad: {  	[dreg:$0x1] =	wrdreg $0xFFFFFFFF  }
0xae: {  	[dreg:$0x0] =	wrdreg $0x60  }
0xaf: {  	[dreg:$0x2] =	wrdreg s2  }
0xb0: {  	[dreg:$0x3] =	wrdreg s19  }
0xb1: {  	[dreg:$0x4] =	wrdreg $0x9  }
0xb2: {  	_ =	task.clear_ibuf [dreg:s8], $0x5FFFF;
	_ =	strace $0x90000046  }
0xb3: {  	s29 =	simm.s32 $0x9;
	_ =	strace $0x80000048  }
0xb4: {  	_ =	swait.ge [sflag:s29], $0x1  }
0xb5: {  	[sflag:s29] =	ssyncadd.s32 $0xFFFFFFFF  }
0xb6: {  	_ =	strace $0x90000048  }
0xb7: {  	_ =	sfence  }
0xb8: {  	s30 =	sld [smem:$0x0];
	_ =	sdelay $0x2  }
0xb9: {  	s31 =	sshll.u32 s1, $0xD;
	s1 =	sshrl.u32 s1, $0x2  }
0xba: {  	s3 =	sand.u32 $0x4000, s31;
	s1 =	sadd.s32 s1, s30  }
0xbb: {  	s0 =	sor.u32 s3, s0;
	s1 =	sshll.u32 s1, $0x11  }
0xbc: {  	s0 =	sor.u32 s1, s0  }
0xbd: {  	s0 =	sadd.s32 $0x8F2B, s0  }
0xbe: {  	[sflag:s0] =	ssyncadd.remote.s32 $0x1  }
0xbf: {  	_ =	sfence.sel $0xFFFF  }
0xc0: {  	[dreg:$0x0] =	wrdreg $0xFFFFFFFF;
	(pc) =	sbr.abs _section_cstart, $3  }
0xc1: {  	[dreg:$0x1] =	wrdreg $0xFFFFFFFF  }
0xc2: {  	_ =	task.clear_ibuf [dreg:s8], $0x2FFFF;
	_ =	strace $0x9FFFFFFF  }
0xc3: {  	(tm) =	ssettm $0x7FFFFFFF  }
tec
execute0_lowered:
.L_overlay_start_1:
0x0: {  	(tag) =	ssettag $0x1  }
0x1: {  	s1 =	srdreg.scid;
	s3 =	rddreg [dreg:$0x0]  }
0x2: {  	s0 =	stileid.u32;
	s19 =	rddreg [dreg:$0x1];
	s22 =	simm.s32 $0x8000  }
0x3: {  	s23 =	simm.s32 $0x2;
	s24 =	simm.s32 $0x10000;
	s25 =	simm.s32 $0x3  }
0x4: {  	s26 =	simm.s32 $0x0;
	s4 =	sand.u32 $0x1, s1;
	s30 =	sshll.u32 s0, $0x1  }
0x5: {  	s2 =	sshll.u32 s0, $0x13;
	s1 =	rddreg [dreg:$0x2];
	s18 =	sor.u32 s4, s30  }
0x6: {  	s5 =	sand.u32 $0x400000, s2;
	s2 =	simm.s32 $0x0;
	s4 =	ssub.s32 $0x2, s4  }
0x7: {  	s6 =	sshll.u32 s18, $0x10;
	[smem:$0x7FF] =	sst s2;
	s31 =	sshrl.u32 s4, $0x1  }
0x8: {  	s21 =	sshll.u32 s18, $0x4;
	s5 =	sor.u32 s6, s5;
	_ =	strace $0x80000047  }
0x9: {  	s20 =	ssub.s32 s4, s31;
	s19 =	sadd.s32 s19, s21;
	s5 =	sor.u32 $0x300000, s5  }
0xa: {  	s21 =	simm.s32 $0x1;
	s20 =	smax.u32 s20, $0x1;
	s3 =	sadd.s32 s3, s5  }
0xb: {  	s4 =	sadd.s32 $0x1000, s3;
	s5 =	sadd.s32 $0x2000, s3;
	s6 =	sadd.s32 $0x3000, s3  }
0xc: {  	s7 =	sadd.s32 $0x4000, s3;
	s8 =	sadd.s32 $0x5000, s3;
	s9 =	sadd.s32 $0x6000, s3  }
0xd: {  	s10 =	sadd.s32 $0x7000, s3;
	s11 =	sadd.s32 $0x8000, s3;
	s12 =	sadd.s32 $0x9000, s3  }
0xe: {  	s13 =	sadd.s32 $0xA000, s3;
	s14 =	sadd.s32 $0xB000, s3;
	s15 =	sadd.s32 $0xC000, s3  }
0xf: {  	s16 =	sadd.s32 $0xD000, s3;
	s17 =	sadd.s32 $0xE000, s3;
	s18 =	sadd.s32 $0xF000, s3  }
.LBB2_1:
0x10: {  	[tilespmem:s2], [sflag:$0x1] =	stream.linear.gather [hbm4b:s3+s2], $0x8000, $0x38;
	[tilespmem:$0x10080] =	vst v63  }
0x11: {  	_ =	swait.ge [sflag:s21], $0x8000  }
0x12: {  	[sflag:s21] =	ssyncset.done $0x0  }
0x13: {  	s29 =	simm.s32 $0x0;
	[sflag:s21] =	ssyncadd.s32 $0xFFFF8000  }
0x14: {  	[tilespmem:s22], [sflag:$0x2] =	stream.linear.gather [hbm4b:s4+s2], $0x8000, $0x38;
	[tilespmem:$0x10080] =	vst v63  }
0x15: {  	v0 =	vld [tilespmem:s29+$0x50]  }
0x16: {  	v1 =	vld [tilespmem:s29+$0x0]  }
0x17: {  	v3 =	vld [tilespmem:s29+$0x10]  }
0x18: {  	v4 =	vld [tilespmem:s29+$0x20]  }
0x19: {  	v8 =	vld [tilespmem:s29+$0x30]  }
0x1a: {  	v10 =	vld [tilespmem:s29+$0x40]  }
0x1b: {  	s28 =	simm.s32 $0x80  }
0x1c: {  	v5 =	vld [tilespmem:s28+$0x50];
	v0 =	vmul.f32 v0, v0  }
0x1d: {  	v6 =	vld [tilespmem:s28+$0x0];
	v1 =	vmul.f32 v1, v1;
	v3 =	vmul.f32 v3, v3  }
0x1e: {  	v2 =	vimm.f32 $0.0e+00;
	v9 =	vld [tilespmem:s28+$0x10];
	v4 =	vmul.f32 v4, v4;
	v11 =	vmul.f32 v8, v8  }
0x1f: {  	v7 =	vld [tilespmem:s28+$0x20];
	v12 =	vmul.f32 v10, v10;
	v0 =	vadd.f32 v0, v2;
	v1 =	vadd.f32 v1, v2  }
0x20: {  	s29 =	simm.s32 $0x400;
	v8 =	vld [tilespmem:s28+$0x30];
	v10 =	vimm.f32 $0.0e+00;
	v3 =	vadd.f32 v3, v2;
	v4 =	vadd.f32 v4, v2  }
.LBB2_2:
0x21: {  	p0 =	sne.s32 s29, $0x1FE00;
	v13 =	vld [tilespmem:s28+$0x40];
	s28 =	sshra.s32 s29, $0x2;
	s29 =	sadd.s32 $0x200, s29;
	v14 =	vmul.f32 v5, v5;
	v2 =	vadd.f32 v11, v2  }
.Ltmp0:
0x22: {  	v5 =	vld [tilespmem:s28+$0x50];
	v11 =	vmul.f32 v6, v6;
	v10 =	vadd.f32 v12, v10;
	(pc) =	sbr.rel @p0 .LBB2_2-.Ltmp0, $4  }
0x23: {  	v6 =	vld [tilespmem:s28+$0x0];
	v12 =	vmul.f32 v9, v9;
	v0 =	vadd.f32 v14, v0  }
0x24: {  	v9 =	vld [tilespmem:s28+$0x10];
	v1 =	vadd.f32 v11, v1;
	v14 =	vmul.f32 v7, v7  }
0x25: {  	v7 =	vld [tilespmem:s28+$0x20];
	v3 =	vadd.f32 v12, v3;
	v11 =	vmul.f32 v8, v8  }
0x26: {  	v8 =	vld [tilespmem:s28+$0x30];
	v4 =	vadd.f32 v14, v4;
	v12 =	vmul.f32 v13, v13  }
0x27: {  	v13 =	vld [tilespmem:s28+$0x40];
	_ =	swait.ge [sflag:s23], $0x8000  }
0x28: {  	[sflag:s23] =	ssyncset.done $0x0  }
0x29: {  	s28 =	simm.s32 $0x0;
	s29 =	simm.s32 $0x0;
	[sflag:s23] =	ssyncadd.s32 $0xFFFF8000  }
0x2a: {  	[tilespmem:s28], [sflag:$0x1] =	stream.linear.gather [hbm4b:s5+s28], $0x8000, $0x38;
	[tilespmem:$0x10080] =	vst v63  }
0x2b: {  	v14 =	vld [tilespmem:s29+$0x8050]  }
0x2c: {  	v15 =	vld [tilespmem:s29+$0x8000]  }
0x2d: {  	v5 =	vmul.f32 v5, v5;
	v6 =	vmul.f32 v6, v6;
	v16 =	vld [tilespmem:s29+$0x8010]  }
0x2e: {  	v2 =	vadd.f32 v11, v2;
	v10 =	vadd.f32 v12, v10;
	v9 =	vmul.f32 v9, v9;
	v11 =	vld [tilespmem:s29+$0x8020]  }
0x2f: {  	v5 =	vadd.f32 v5, v0;
	v0 =	vmul.f32 v7, v7;
	v17 =	vadd.f32 v6, v1;
	v12 =	vld [tilespmem:s29+$0x8030]  }
0x30: {  	s28 =	simm.s32 $0x80;
	v9 =	vadd.f32 v9, v3;
	v1 =	vmul.f32 v8, v8;
	v18 =	vld [tilespmem:s29+$0x8040];
	v3 =	vmul.f32 v13, v13  }
0x31: {  	v6 =	vld [tilespmem:s28+$0x8050];
	v19 =	vadd.f32 v0, v4;
	v4 =	vmul.f32 v14, v14  }
0x32: {  	v7 =	vld [tilespmem:s28+$0x8000];
	v0 =	vadd.f32 v1, v2;
	v1 =	vadd.f32 v3, v10;
	v8 =	vmul.f32 v15, v15  }
0x33: {  	v10 =	vld [tilespmem:s28+$0x8010];
	v13 =	vmul.f32 v16, v16;
	v2 =	vadd.f32 v4, v5;
	v5 =	vmul.f32 v11, v11  }
0x34: {  	v12 =	vmul.f32 v12, v12;
	v3 =	vadd.f32 v8, v17;
	v8 =	vld [tilespmem:s28+$0x8020]  }
0x35: {  	s29 =	simm.s32 $0x400;
	v4 =	vadd.f32 v13, v9;
	v9 =	vld [tilespmem:s28+$0x8030];
	v11 =	vmul.f32 v18, v18;
	v5 =	vadd.f32 v5, v19  }
.LBB2_4:
0x36: {  	p0 =	sne.s32 s29, $0x1FE00;
	v13 =	vld [tilespmem:s28+$0x8040];
	s28 =	sshra.s32 s29, $0x2;
	s29 =	sadd.s32 $0x200, s29;
	v14 =	vmul.f32 v6, v6;
	v0 =	vadd.f32 v12, v0  }
.Ltmp1:
0x37: {  	v6 =	vld [tilespmem:s28+$0x8050];
	v12 =	vmul.f32 v7, v7;
	v1 =	vadd.f32 v11, v1;
	(pc) =	sbr.rel @p0 .LBB2_4-.Ltmp1, $4  }
0x38: {  	v7 =	vld [tilespmem:s28+$0x8000];
	v11 =	vmul.f32 v10, v10;
	v2 =	vadd.f32 v14, v2  }
0x39: {  	v10 =	vld [tilespmem:s28+$0x8010];
	v3 =	vadd.f32 v12, v3;
	v14 =	vmul.f32 v8, v8  }
0x3a: {  	v8 =	vld [tilespmem:s28+$0x8020];
	v4 =	vadd.f32 v11, v4;
	v12 =	vmul.f32 v9, v9  }
0x3b: {  	v9 =	vld [tilespmem:s28+$0x8030];
	v5 =	vadd.f32 v14, v5;
	v11 =	vmul.f32 v13, v13  }
0x3c: {  	v13 =	vld [tilespmem:s28+$0x8040];
	_ =	swait.ge [sflag:s21], $0x8000  }
0x3d: {  	[sflag:s21] =	ssyncset.done $0x0  }
0x3e: {  	s28 =	simm.s32 $0x0;
	s29 =	simm.s32 $0x0;
	[sflag:s21] =	ssyncadd.s32 $0xFFFF8000  }
0x3f: {  	[tilespmem:s22], [sflag:$0x2] =	stream.linear.gather [hbm4b:s6+s28], $0x8000, $0x38;
	[tilespmem:$0x10080] =	vst v63  }
0x40: {  	v14 =	vld [tilespmem:s29+$0x50]  }
0x41: {  	v15 =	vld [tilespmem:s29+$0x0]  }
0x42: {  	v6 =	vmul.f32 v6, v6;
	v16 =	vld [tilespmem:s29+$0x10]  }
0x43: {  	v0 =	vadd.f32 v12, v0;
	v7 =	vmul.f32 v7, v7;
	v1 =	vadd.f32 v11, v1;
	v12 =	vld [tilespmem:s29+$0x20]  }
0x44: {  	v10 =	vmul.f32 v10, v10;
	v2 =	vadd.f32 v6, v2;
	v6 =	vmul.f32 v8, v8;
	v11 =	vld [tilespmem:s29+$0x30]  }
0x45: {  	v3 =	vadd.f32 v7, v3;
	s28 =	simm.s32 $0x80;
	v7 =	vmul.f32 v9, v9;
	v17 =	vld [tilespmem:s29+$0x40]  }
0x46: {  	v4 =	vadd.f32 v10, v4;
	v5 =	vadd.f32 v6, v5;
	v8 =	vmul.f32 v13, v13;
	v6 =	vld [tilespmem:s28+$0x50]  }
0x47: {  	v0 =	vadd.f32 v7, v0;
	v7 =	vld [tilespmem:s28+$0x0];
	v9 =	vmul.f32 v14, v14;
	v13 =	vmul.f32 v15, v15  }
0x48: {  	v10 =	vld [tilespmem:s28+$0x10];
	v1 =	vadd.f32 v8, v1;
	v14 =	vmul.f32 v16, v16;
	v15 =	vmul.f32 v12, v12  }
0x49: {  	v8 =	vld [tilespmem:s28+$0x20];
	v12 =	vmul.f32 v11, v11;
	v2 =	vadd.f32 v9, v2;
	v3 =	vadd.f32 v13, v3  }
0x4a: {  	s29 =	simm.s32 $0x400;
	v11 =	vmul.f32 v17, v17;
	v4 =	vadd.f32 v14, v4;
	v9 =	vld [tilespmem:s28+$0x30];
	v5 =	vadd.f32 v15, v5  }
.LBB2_6:
0x4b: {  	p0 =	sne.s32 s29, $0x1FE00;
	v13 =	vld [tilespmem:s28+$0x40];
	s28 =	sshra.s32 s29, $0x2;
	s29 =	sadd.s32 $0x200, s29;
	v14 =	vmul.f32 v6, v6;
	v0 =	vadd.f32 v12, v0  }
.Ltmp2:
0x4c: {  	v6 =	vld [tilespmem:s28+$0x50];
	v12 =	vmul.f32 v7, v7;
	v1 =	vadd.f32 v11, v1;
	(pc) =	sbr.rel @p0 .LBB2_6-.Ltmp2, $4  }
0x4d: {  	v7 =	vld [tilespmem:s28+$0x0];
	v11 =	vmul.f32 v10, v10;
	v2 =	vadd.f32 v14, v2  }
0x4e: {  	v10 =	vld [tilespmem:s28+$0x10];
	v3 =	vadd.f32 v12, v3;
	v14 =	vmul.f32 v8, v8  }
0x4f: {  	v8 =	vld [tilespmem:s28+$0x20];
	v4 =	vadd.f32 v11, v4;
	v12 =	vmul.f32 v9, v9  }
0x50: {  	v9 =	vld [tilespmem:s28+$0x30];
	v5 =	vadd.f32 v14, v5;
	v11 =	vmul.f32 v13, v13  }
0x51: {  	v13 =	vld [tilespmem:s28+$0x40];
	_ =	swait.ge [sflag:s23], $0x8000  }
0x52: {  	[sflag:s23] =	ssyncset.done $0x0  }
0x53: {  	s28 =	simm.s32 $0x0;
	s29 =	simm.s32 $0x0;
	[sflag:s23] =	ssyncadd.s32 $0xFFFF8000  }
0x54: {  	[tilespmem:s28], [sflag:$0x1] =	stream.linear.gather [hbm4b:s7+s28], $0x8000, $0x38;
	[tilespmem:$0x10080] =	vst v63  }
0x55: {  	v14 =	vld [tilespmem:s29+$0x8050]  }
0x56: {  	v15 =	vld [tilespmem:s29+$0x8000]  }
0x57: {  	v6 =	vmul.f32 v6, v6;
	v16 =	vld [tilespmem:s29+$0x8010]  }
0x58: {  	v0 =	vadd.f32 v12, v0;
	v7 =	vmul.f32 v7, v7;
	v1 =	vadd.f32 v11, v1;
	v12 =	vld [tilespmem:s29+$0x8020]  }
0x59: {  	v10 =	vmul.f32 v10, v10;
	v2 =	vadd.f32 v6, v2;
	v6 =	vmul.f32 v8, v8;
	v11 =	vld [tilespmem:s29+$0x8030]  }
0x5a: {  	v3 =	vadd.f32 v7, v3;
	s28 =	simm.s32 $0x80;
	v7 =	vmul.f32 v9, v9;
	v17 =	vld [tilespmem:s29+$0x8040]  }
0x5b: {  	v4 =	vadd.f32 v10, v4;
	v5 =	vadd.f32 v6, v5;
	v8 =	vmul.f32 v13, v13;
	v6 =	vld [tilespmem:s28+$0x8050]  }
0x5c: {  	v0 =	vadd.f32 v7, v0;
	v7 =	vld [tilespmem:s28+$0x8000];
	v9 =	vmul.f32 v14, v14;
	v13 =	vmul.f32 v15, v15  }
0x5d: {  	v10 =	vld [tilespmem:s28+$0x8010];
	v1 =	vadd.f32 v8, v1;
	v14 =	vmul.f32 v16, v16;
	v15 =	vmul.f32 v12, v12  }
0x5e: {  	v8 =	vld [tilespmem:s28+$0x8020];
	v12 =	vmul.f32 v11, v11;
	v2 =	vadd.f32 v9, v2;
	v3 =	vadd.f32 v13, v3  }
0x5f: {  	s29 =	simm.s32 $0x400;
	v11 =	vmul.f32 v17, v17;
	v4 =	vadd.f32 v14, v4;
	v9 =	vld [tilespmem:s28+$0x8030];
	v5 =	vadd.f32 v15, v5  }
.LBB2_8:
0x60: {  	p0 =	sne.s32 s29, $0x1FE00;
	v13 =	vld [tilespmem:s28+$0x8040];
	s28 =	sshra.s32 s29, $0x2;
	s29 =	sadd.s32 $0x200, s29;
	v14 =	vmul.f32 v6, v6;
	v0 =	vadd.f32 v12, v0  }
.Ltmp3:
0x61: {  	v6 =	vld [tilespmem:s28+$0x8050];
	v12 =	vmul.f32 v7, v7;
	v1 =	vadd.f32 v11, v1;
	(pc) =	sbr.rel @p0 .LBB2_8-.Ltmp3, $4  }
0x62: {  	v7 =	vld [tilespmem:s28+$0x8000];
	v11 =	vmul.f32 v10, v10;
	v2 =	vadd.f32 v14, v2  }
0x63: {  	v10 =	vld [tilespmem:s28+$0x8010];
	v3 =	vadd.f32 v12, v3;
	v14 =	vmul.f32 v8, v8  }
0x64: {  	v8 =	vld [tilespmem:s28+$0x8020];
	v4 =	vadd.f32 v11, v4;
	v12 =	vmul.f32 v9, v9  }
0x65: {  	v9 =	vld [tilespmem:s28+$0x8030];
	v5 =	vadd.f32 v14, v5;
	v11 =	vmul.f32 v13, v13  }
0x66: {  	v13 =	vld [tilespmem:s28+$0x8040];
	_ =	swait.ge [sflag:s21], $0x8000  }
0x67: {  	[sflag:s21] =	ssyncset.done $0x0  }
0x68: {  	s28 =	simm.s32 $0x0;
	s29 =	simm.s32 $0x0;
	[sflag:s21] =	ssyncadd.s32 $0xFFFF8000  }
0x69: {  	[tilespmem:s22], [sflag:$0x2] =	stream.linear.gather [hbm4b:s8+s28], $0x8000, $0x38;
	[tilespmem:$0x10080] =	vst v63  }
0x6a: {  	v14 =	vld [tilespmem:s29+$0x50]  }
0x6b: {  	v15 =	vld [tilespmem:s29+$0x0]  }
0x6c: {  	v6 =	vmul.f32 v6, v6;
	v16 =	vld [tilespmem:s29+$0x10]  }
0x6d: {  	v0 =	vadd.f32 v12, v0;
	v7 =	vmul.f32 v7, v7;
	v1 =	vadd.f32 v11, v1;
	v12 =	vld [tilespmem:s29+$0x20]  }
0x6e: {  	v10 =	vmul.f32 v10, v10;
	v2 =	vadd.f32 v6, v2;
	v6 =	vmul.f32 v8, v8;
	v11 =	vld [tilespmem:s29+$0x30]  }
0x6f: {  	v3 =	vadd.f32 v7, v3;
	s28 =	simm.s32 $0x80;
	v7 =	vmul.f32 v9, v9;
	v17 =	vld [tilespmem:s29+$0x40]  }
0x70: {  	v4 =	vadd.f32 v10, v4;
	v5 =	vadd.f32 v6, v5;
	v8 =	vmul.f32 v13, v13;
	v6 =	vld [tilespmem:s28+$0x50]  }
0x71: {  	v0 =	vadd.f32 v7, v0;
	v7 =	vld [tilespmem:s28+$0x0];
	v9 =	vmul.f32 v14, v14;
	v13 =	vmul.f32 v15, v15  }
0x72: {  	v10 =	vld [tilespmem:s28+$0x10];
	v1 =	vadd.f32 v8, v1;
	v14 =	vmul.f32 v16, v16;
	v15 =	vmul.f32 v12, v12  }
0x73: {  	v8 =	vld [tilespmem:s28+$0x20];
	v12 =	vmul.f32 v11, v11;
	v2 =	vadd.f32 v9, v2;
	v3 =	vadd.f32 v13, v3  }
0x74: {  	s29 =	simm.s32 $0x400;
	v11 =	vmul.f32 v17, v17;
	v4 =	vadd.f32 v14, v4;
	v9 =	vld [tilespmem:s28+$0x30];
	v5 =	vadd.f32 v15, v5  }
.LBB2_10:
0x75: {  	p0 =	sne.s32 s29, $0x1FE00;
	v13 =	vld [tilespmem:s28+$0x40];
	s28 =	sshra.s32 s29, $0x2;
	s29 =	sadd.s32 $0x200, s29;
	v14 =	vmul.f32 v6, v6;
	v0 =	vadd.f32 v12, v0  }
.Ltmp4:
0x76: {  	v6 =	vld [tilespmem:s28+$0x50];
	v12 =	vmul.f32 v7, v7;
	v1 =	vadd.f32 v11, v1;
	(pc) =	sbr.rel @p0 .LBB2_10-.Ltmp4, $4  }
0x77: {  	v7 =	vld [tilespmem:s28+$0x0];
	v11 =	vmul.f32 v10, v10;
	v2 =	vadd.f32 v14, v2  }
0x78: {  	v10 =	vld [tilespmem:s28+$0x10];
	v3 =	vadd.f32 v12, v3;
	v14 =	vmul.f32 v8, v8  }
0x79: {  	v8 =	vld [tilespmem:s28+$0x20];
	v4 =	vadd.f32 v11, v4;
	v12 =	vmul.f32 v9, v9  }
0x7a: {  	v9 =	vld [tilespmem:s28+$0x30];
	v5 =	vadd.f32 v14, v5;
	v11 =	vmul.f32 v13, v13  }
0x7b: {  	v13 =	vld [tilespmem:s28+$0x40];
	_ =	swait.ge [sflag:s23], $0x8000  }
0x7c: {  	[sflag:s23] =	ssyncset.done $0x0  }
0x7d: {  	s28 =	simm.s32 $0x0;
	s29 =	simm.s32 $0x0;
	[sflag:s23] =	ssyncadd.s32 $0xFFFF8000  }
0x7e: {  	[tilespmem:s28], [sflag:$0x1] =	stream.linear.gather [hbm4b:s9+s28], $0x8000, $0x38;
	[tilespmem:$0x10080] =	vst v63  }
0x7f: {  	v14 =	vld [tilespmem:s29+$0x8050]  }
0x80: {  	v15 =	vld [tilespmem:s29+$0x8000]  }
0x81: {  	v6 =	vmul.f32 v6, v6;
	v16 =	vld [tilespmem:s29+$0x8010]  }
0x82: {  	v0 =	vadd.f32 v12, v0;
	v7 =	vmul.f32 v7, v7;
	v1 =	vadd.f32 v11, v1;
	v12 =	vld [tilespmem:s29+$0x8020]  }
0x83: {  	v10 =	vmul.f32 v10, v10;
	v2 =	vadd.f32 v6, v2;
	v6 =	vmul.f32 v8, v8;
	v11 =	vld [tilespmem:s29+$0x8030]  }
0x84: {  	v3 =	vadd.f32 v7, v3;
	s28 =	simm.s32 $0x80;
	v7 =	vmul.f32 v9, v9;
	v17 =	vld [tilespmem:s29+$0x8040]  }
0x85: {  	v4 =	vadd.f32 v10, v4;
	v5 =	vadd.f32 v6, v5;
	v8 =	vmul.f32 v13, v13;
	v6 =	vld [tilespmem:s28+$0x8050]  }
0x86: {  	v0 =	vadd.f32 v7, v0;
	v7 =	vld [tilespmem:s28+$0x8000];
	v9 =	vmul.f32 v14, v14;
	v13 =	vmul.f32 v15, v15  }
0x87: {  	v10 =	vld [tilespmem:s28+$0x8010];
	v1 =	vadd.f32 v8, v1;
	v14 =	vmul.f32 v16, v16;
	v15 =	vmul.f32 v12, v12  }
0x88: {  	v8 =	vld [tilespmem:s28+$0x8020];
	v12 =	vmul.f32 v11, v11;
	v2 =	vadd.f32 v9, v2;
	v3 =	vadd.f32 v13, v3  }
0x89: {  	s29 =	simm.s32 $0x400;
	v11 =	vmul.f32 v17, v17;
	v4 =	vadd.f32 v14, v4;
	v9 =	vld [tilespmem:s28+$0x8030];
	v5 =	vadd.f32 v15, v5  }
.LBB2_12:
0x8a: {  	p0 =	sne.s32 s29, $0x1FE00;
	v13 =	vld [tilespmem:s28+$0x8040];
	s28 =	sshra.s32 s29, $0x2;
	s29 =	sadd.s32 $0x200, s29;
	v14 =	vmul.f32 v6, v6;
	v0 =	vadd.f32 v12, v0  }
.Ltmp5:
0x8b: {  	v6 =	vld [tilespmem:s28+$0x8050];
	v12 =	vmul.f32 v7, v7;
	v1 =	vadd.f32 v11, v1;
	(pc) =	sbr.rel @p0 .LBB2_12-.Ltmp5, $4  }
0x8c: {  	v7 =	vld [tilespmem:s28+$0x8000];
	v11 =	vmul.f32 v10, v10;
	v2 =	vadd.f32 v14, v2  }
0x8d: {  	v10 =	vld [tilespmem:s28+$0x8010];
	v3 =	vadd.f32 v12, v3;
	v14 =	vmul.f32 v8, v8  }
0x8e: {  	v8 =	vld [tilespmem:s28+$0x8020];
	v4 =	vadd.f32 v11, v4;
	v12 =	vmul.f32 v9, v9  }
0x8f: {  	v9 =	vld [tilespmem:s28+$0x8030];
	v5 =	vadd.f32 v14, v5;
	v11 =	vmul.f32 v13, v13  }
0x90: {  	v13 =	vld [tilespmem:s28+$0x8040];
	_ =	swait.ge [sflag:s21], $0x8000  }
0x91: {  	[sflag:s21] =	ssyncset.done $0x0  }
0x92: {  	s28 =	simm.s32 $0x0;
	s29 =	simm.s32 $0x0;
	[sflag:s21] =	ssyncadd.s32 $0xFFFF8000  }
0x93: {  	[tilespmem:s22], [sflag:$0x2] =	stream.linear.gather [hbm4b:s10+s28], $0x8000, $0x38;
	[tilespmem:$0x10080] =	vst v63  }
0x94: {  	v14 =	vld [tilespmem:s29+$0x50]  }
0x95: {  	v15 =	vld [tilespmem:s29+$0x0]  }
0x96: {  	v6 =	vmul.f32 v6, v6;
	v16 =	vld [tilespmem:s29+$0x10]  }
0x97: {  	v0 =	vadd.f32 v12, v0;
	v7 =	vmul.f32 v7, v7;
	v1 =	vadd.f32 v11, v1;
	v12 =	vld [tilespmem:s29+$0x20]  }
0x98: {  	v10 =	vmul.f32 v10, v10;
	v2 =	vadd.f32 v6, v2;
	v6 =	vmul.f32 v8, v8;
	v11 =	vld [tilespmem:s29+$0x30]  }
0x99: {  	v3 =	vadd.f32 v7, v3;
	s28 =	simm.s32 $0x80;
	v7 =	vmul.f32 v9, v9;
	v17 =	vld [tilespmem:s29+$0x40]  }
0x9a: {  	v4 =	vadd.f32 v10, v4;
	v5 =	vadd.f32 v6, v5;
	v8 =	vmul.f32 v13, v13;
	v6 =	vld [tilespmem:s28+$0x50]  }
0x9b: {  	v0 =	vadd.f32 v7, v0;
	v7 =	vld [tilespmem:s28+$0x0];
	v9 =	vmul.f32 v14, v14;
	v13 =	vmul.f32 v15, v15  }
0x9c: {  	v10 =	vld [tilespmem:s28+$0x10];
	v1 =	vadd.f32 v8, v1;
	v14 =	vmul.f32 v16, v16;
	v15 =	vmul.f32 v12, v12  }
0x9d: {  	v8 =	vld [tilespmem:s28+$0x20];
	v12 =	vmul.f32 v11, v11;
	v2 =	vadd.f32 v9, v2;
	v3 =	vadd.f32 v13, v3  }
0x9e: {  	s29 =	simm.s32 $0x400;
	v11 =	vmul.f32 v17, v17;
	v4 =	vadd.f32 v14, v4;
	v9 =	vld [tilespmem:s28+$0x30];
	v5 =	vadd.f32 v15, v5  }
.LBB2_14:
0x9f: {  	p0 =	sne.s32 s29, $0x1FE00;
	v13 =	vld [tilespmem:s28+$0x40];
	s28 =	sshra.s32 s29, $0x2;
	s29 =	sadd.s32 $0x200, s29;
	v14 =	vmul.f32 v6, v6;
	v0 =	vadd.f32 v12, v0  }
.Ltmp6:
0xa0: {  	v6 =	vld [tilespmem:s28+$0x50];
	v12 =	vmul.f32 v7, v7;
	v1 =	vadd.f32 v11, v1;
	(pc) =	sbr.rel @p0 .LBB2_14-.Ltmp6, $4  }
0xa1: {  	v7 =	vld [tilespmem:s28+$0x0];
	v11 =	vmul.f32 v10, v10;
	v2 =	vadd.f32 v14, v2  }
0xa2: {  	v10 =	vld [tilespmem:s28+$0x10];
	v3 =	vadd.f32 v12, v3;
	v14 =	vmul.f32 v8, v8  }
0xa3: {  	v8 =	vld [tilespmem:s28+$0x20];
	v4 =	vadd.f32 v11, v4;
	v12 =	vmul.f32 v9, v9  }
0xa4: {  	v9 =	vld [tilespmem:s28+$0x30];
	v5 =	vadd.f32 v14, v5;
	v11 =	vmul.f32 v13, v13  }
0xa5: {  	v13 =	vld [tilespmem:s28+$0x40];
	_ =	swait.ge [sflag:s23], $0x8000  }
0xa6: {  	[sflag:s23] =	ssyncset.done $0x0  }
0xa7: {  	s28 =	simm.s32 $0x0;
	s29 =	simm.s32 $0x0;
	[sflag:s23] =	ssyncadd.s32 $0xFFFF8000  }
0xa8: {  	[tilespmem:s28], [sflag:$0x1] =	stream.linear.gather [hbm4b:s11+s28], $0x8000, $0x38;
	[tilespmem:$0x10080] =	vst v63  }
0xa9: {  	v14 =	vld [tilespmem:s29+$0x8050]  }
0xaa: {  	v15 =	vld [tilespmem:s29+$0x8000]  }
0xab: {  	v6 =	vmul.f32 v6, v6;
	v16 =	vld [tilespmem:s29+$0x8010]  }
0xac: {  	v0 =	vadd.f32 v12, v0;
	v7 =	vmul.f32 v7, v7;
	v1 =	vadd.f32 v11, v1;
	v12 =	vld [tilespmem:s29+$0x8020]  }
0xad: {  	v10 =	vmul.f32 v10, v10;
	v2 =	vadd.f32 v6, v2;
	v6 =	vmul.f32 v8, v8;
	v11 =	vld [tilespmem:s29+$0x8030]  }
0xae: {  	v3 =	vadd.f32 v7, v3;
	s28 =	simm.s32 $0x80;
	v7 =	vmul.f32 v9, v9;
	v17 =	vld [tilespmem:s29+$0x8040]  }
0xaf: {  	v4 =	vadd.f32 v10, v4;
	v5 =	vadd.f32 v6, v5;
	v8 =	vmul.f32 v13, v13;
	v6 =	vld [tilespmem:s28+$0x8050]  }
0xb0: {  	v0 =	vadd.f32 v7, v0;
	v7 =	vld [tilespmem:s28+$0x8000];
	v9 =	vmul.f32 v14, v14;
	v13 =	vmul.f32 v15, v15  }
0xb1: {  	v10 =	vld [tilespmem:s28+$0x8010];
	v1 =	vadd.f32 v8, v1;
	v14 =	vmul.f32 v16, v16;
	v15 =	vmul.f32 v12, v12  }
0xb2: {  	v8 =	vld [tilespmem:s28+$0x8020];
	v12 =	vmul.f32 v11, v11;
	v2 =	vadd.f32 v9, v2;
	v3 =	vadd.f32 v13, v3  }
0xb3: {  	s29 =	simm.s32 $0x400;
	v11 =	vmul.f32 v17, v17;
	v4 =	vadd.f32 v14, v4;
	v9 =	vld [tilespmem:s28+$0x8030];
	v5 =	vadd.f32 v15, v5  }
.LBB2_16:
0xb4: {  	p0 =	sne.s32 s29, $0x1FE00;
	v13 =	vld [tilespmem:s28+$0x8040];
	s28 =	sshra.s32 s29, $0x2;
	s29 =	sadd.s32 $0x200, s29;
	v14 =	vmul.f32 v6, v6;
	v0 =	vadd.f32 v12, v0  }
.Ltmp7:
0xb5: {  	v6 =	vld [tilespmem:s28+$0x8050];
	v12 =	vmul.f32 v7, v7;
	v1 =	vadd.f32 v11, v1;
	(pc) =	sbr.rel @p0 .LBB2_16-.Ltmp7, $4  }
0xb6: {  	v7 =	vld [tilespmem:s28+$0x8000];
	v11 =	vmul.f32 v10, v10;
	v2 =	vadd.f32 v14, v2  }
0xb7: {  	v10 =	vld [tilespmem:s28+$0x8010];
	v3 =	vadd.f32 v12, v3;
	v14 =	vmul.f32 v8, v8  }
0xb8: {  	v8 =	vld [tilespmem:s28+$0x8020];
	v4 =	vadd.f32 v11, v4;
	v12 =	vmul.f32 v9, v9  }
0xb9: {  	v9 =	vld [tilespmem:s28+$0x8030];
	v5 =	vadd.f32 v14, v5;
	v11 =	vmul.f32 v13, v13  }
0xba: {  	v13 =	vld [tilespmem:s28+$0x8040];
	_ =	swait.ge [sflag:s21], $0x8000  }
0xbb: {  	[sflag:s21] =	ssyncset.done $0x0  }
0xbc: {  	s28 =	simm.s32 $0x0;
	s29 =	simm.s32 $0x0;
	[sflag:s21] =	ssyncadd.s32 $0xFFFF8000  }
0xbd: {  	[tilespmem:s22], [sflag:$0x2] =	stream.linear.gather [hbm4b:s12+s28], $0x8000, $0x38;
	[tilespmem:$0x10080] =	vst v63  }
0xbe: {  	v14 =	vld [tilespmem:s29+$0x50]  }
0xbf: {  	v15 =	vld [tilespmem:s29+$0x0]  }
0xc0: {  	v6 =	vmul.f32 v6, v6;
	v16 =	vld [tilespmem:s29+$0x10]  }
0xc1: {  	v0 =	vadd.f32 v12, v0;
	v7 =	vmul.f32 v7, v7;
	v1 =	vadd.f32 v11, v1;
	v12 =	vld [tilespmem:s29+$0x20]  }
0xc2: {  	v10 =	vmul.f32 v10, v10;
	v2 =	vadd.f32 v6, v2;
	v6 =	vmul.f32 v8, v8;
	v11 =	vld [tilespmem:s29+$0x30]  }
0xc3: {  	v3 =	vadd.f32 v7, v3;
	s28 =	simm.s32 $0x80;
	v7 =	vmul.f32 v9, v9;
	v17 =	vld [tilespmem:s29+$0x40]  }
0xc4: {  	v4 =	vadd.f32 v10, v4;
	v5 =	vadd.f32 v6, v5;
	v8 =	vmul.f32 v13, v13;
	v6 =	vld [tilespmem:s28+$0x50]  }
0xc5: {  	v0 =	vadd.f32 v7, v0;
	v7 =	vld [tilespmem:s28+$0x0];
	v9 =	vmul.f32 v14, v14;
	v13 =	vmul.f32 v15, v15  }
0xc6: {  	v10 =	vld [tilespmem:s28+$0x10];
	v1 =	vadd.f32 v8, v1;
	v14 =	vmul.f32 v16, v16;
	v15 =	vmul.f32 v12, v12  }
0xc7: {  	v8 =	vld [tilespmem:s28+$0x20];
	v12 =	vmul.f32 v11, v11;
	v2 =	vadd.f32 v9, v2;
	v3 =	vadd.f32 v13, v3  }
0xc8: {  	s29 =	simm.s32 $0x400;
	v11 =	vmul.f32 v17, v17;
	v4 =	vadd.f32 v14, v4;
	v9 =	vld [tilespmem:s28+$0x30];
	v5 =	vadd.f32 v15, v5  }
.LBB2_18:
0xc9: {  	p0 =	sne.s32 s29, $0x1FE00;
	v13 =	vld [tilespmem:s28+$0x40];
	s28 =	sshra.s32 s29, $0x2;
	s29 =	sadd.s32 $0x200, s29;
	v14 =	vmul.f32 v6, v6;
	v0 =	vadd.f32 v12, v0  }
.Ltmp8:
0xca: {  	v6 =	vld [tilespmem:s28+$0x50];
	v12 =	vmul.f32 v7, v7;
	v1 =	vadd.f32 v11, v1;
	(pc) =	sbr.rel @p0 .LBB2_18-.Ltmp8, $4  }
0xcb: {  	v7 =	vld [tilespmem:s28+$0x0];
	v11 =	vmul.f32 v10, v10;
	v2 =	vadd.f32 v14, v2  }
0xcc: {  	v10 =	vld [tilespmem:s28+$0x10];
	v3 =	vadd.f32 v12, v3;
	v14 =	vmul.f32 v8, v8  }
0xcd: {  	v8 =	vld [tilespmem:s28+$0x20];
	v4 =	vadd.f32 v11, v4;
	v12 =	vmul.f32 v9, v9  }
0xce: {  	v9 =	vld [tilespmem:s28+$0x30];
	v5 =	vadd.f32 v14, v5;
	v11 =	vmul.f32 v13, v13  }
0xcf: {  	v13 =	vld [tilespmem:s28+$0x40];
	_ =	swait.ge [sflag:s23], $0x8000  }
0xd0: {  	[sflag:s23] =	ssyncset.done $0x0  }
0xd1: {  	s28 =	simm.s32 $0x0;
	s29 =	simm.s32 $0x0;
	[sflag:s23] =	ssyncadd.s32 $0xFFFF8000  }
0xd2: {  	[tilespmem:s28], [sflag:$0x1] =	stream.linear.gather [hbm4b:s13+s28], $0x8000, $0x38;
	[tilespmem:$0x10080] =	vst v63  }
0xd3: {  	v14 =	vld [tilespmem:s29+$0x8050]  }
0xd4: {  	v15 =	vld [tilespmem:s29+$0x8000]  }
0xd5: {  	v6 =	vmul.f32 v6, v6;
	v16 =	vld [tilespmem:s29+$0x8010]  }
0xd6: {  	v0 =	vadd.f32 v12, v0;
	v7 =	vmul.f32 v7, v7;
	v1 =	vadd.f32 v11, v1;
	v12 =	vld [tilespmem:s29+$0x8020]  }
0xd7: {  	v10 =	vmul.f32 v10, v10;
	v2 =	vadd.f32 v6, v2;
	v6 =	vmul.f32 v8, v8;
	v11 =	vld [tilespmem:s29+$0x8030]  }
0xd8: {  	v3 =	vadd.f32 v7, v3;
	s28 =	simm.s32 $0x80;
	v7 =	vmul.f32 v9, v9;
	v17 =	vld [tilespmem:s29+$0x8040]  }
0xd9: {  	v4 =	vadd.f32 v10, v4;
	v5 =	vadd.f32 v6, v5;
	v8 =	vmul.f32 v13, v13;
	v6 =	vld [tilespmem:s28+$0x8050]  }
0xda: {  	v0 =	vadd.f32 v7, v0;
	v7 =	vld [tilespmem:s28+$0x8000];
	v9 =	vmul.f32 v14, v14;
	v13 =	vmul.f32 v15, v15  }
0xdb: {  	v10 =	vld [tilespmem:s28+$0x8010];
	v1 =	vadd.f32 v8, v1;
	v14 =	vmul.f32 v16, v16;
	v15 =	vmul.f32 v12, v12  }
0xdc: {  	v8 =	vld [tilespmem:s28+$0x8020];
	v12 =	vmul.f32 v11, v11;
	v2 =	vadd.f32 v9, v2;
	v3 =	vadd.f32 v13, v3  }
0xdd: {  	s29 =	simm.s32 $0x400;
	v11 =	vmul.f32 v17, v17;
	v4 =	vadd.f32 v14, v4;
	v9 =	vld [tilespmem:s28+$0x8030];
	v5 =	vadd.f32 v15, v5  }
.LBB2_20:
0xde: {  	p0 =	sne.s32 s29, $0x1FE00;
	v13 =	vld [tilespmem:s28+$0x8040];
	s28 =	sshra.s32 s29, $0x2;
	s29 =	sadd.s32 $0x200, s29;
	v14 =	vmul.f32 v6, v6;
	v0 =	vadd.f32 v12, v0  }
.Ltmp9:
0xdf: {  	v6 =	vld [tilespmem:s28+$0x8050];
	v12 =	vmul.f32 v7, v7;
	v1 =	vadd.f32 v11, v1;
	(pc) =	sbr.rel @p0 .LBB2_20-.Ltmp9, $4  }
0xe0: {  	v7 =	vld [tilespmem:s28+$0x8000];
	v11 =	vmul.f32 v10, v10;
	v2 =	vadd.f32 v14, v2  }
0xe1: {  	v10 =	vld [tilespmem:s28+$0x8010];
	v3 =	vadd.f32 v12, v3;
	v14 =	vmul.f32 v8, v8  }
0xe2: {  	v8 =	vld [tilespmem:s28+$0x8020];
	v4 =	vadd.f32 v11, v4;
	v12 =	vmul.f32 v9, v9  }
0xe3: {  	v9 =	vld [tilespmem:s28+$0x8030];
	v5 =	vadd.f32 v14, v5;
	v11 =	vmul.f32 v13, v13  }
0xe4: {  	v13 =	vld [tilespmem:s28+$0x8040];
	_ =	swait.ge [sflag:s21], $0x8000  }
0xe5: {  	[sflag:s21] =	ssyncset.done $0x0  }
0xe6: {  	s28 =	simm.s32 $0x0;
	s29 =	simm.s32 $0x0;
	[sflag:s21] =	ssyncadd.s32 $0xFFFF8000  }
0xe7: {  	[tilespmem:s22], [sflag:$0x2] =	stream.linear.gather [hbm4b:s14+s28], $0x8000, $0x38;
	[tilespmem:$0x10080] =	vst v63  }
0xe8: {  	v14 =	vld [tilespmem:s29+$0x50]  }
0xe9: {  	v15 =	vld [tilespmem:s29+$0x0]  }
0xea: {  	v6 =	vmul.f32 v6, v6;
	v16 =	vld [tilespmem:s29+$0x10]  }
0xeb: {  	v0 =	vadd.f32 v12, v0;
	v7 =	vmul.f32 v7, v7;
	v1 =	vadd.f32 v11, v1;
	v12 =	vld [tilespmem:s29+$0x20]  }
0xec: {  	v10 =	vmul.f32 v10, v10;
	v2 =	vadd.f32 v6, v2;
	v6 =	vmul.f32 v8, v8;
	v11 =	vld [tilespmem:s29+$0x30]  }
0xed: {  	v3 =	vadd.f32 v7, v3;
	s28 =	simm.s32 $0x80;
	v7 =	vmul.f32 v9, v9;
	v17 =	vld [tilespmem:s29+$0x40]  }
0xee: {  	v4 =	vadd.f32 v10, v4;
	v5 =	vadd.f32 v6, v5;
	v8 =	vmul.f32 v13, v13;
	v6 =	vld [tilespmem:s28+$0x50]  }
0xef: {  	v0 =	vadd.f32 v7, v0;
	v7 =	vld [tilespmem:s28+$0x0];
	v9 =	vmul.f32 v14, v14;
	v13 =	vmul.f32 v15, v15  }
0xf0: {  	v10 =	vld [tilespmem:s28+$0x10];
	v1 =	vadd.f32 v8, v1;
	v14 =	vmul.f32 v16, v16;
	v15 =	vmul.f32 v12, v12  }
0xf1: {  	v8 =	vld [tilespmem:s28+$0x20];
	v12 =	vmul.f32 v11, v11;
	v2 =	vadd.f32 v9, v2;
	v3 =	vadd.f32 v13, v3  }
0xf2: {  	s29 =	simm.s32 $0x400;
	v11 =	vmul.f32 v17, v17;
	v4 =	vadd.f32 v14, v4;
	v9 =	vld [tilespmem:s28+$0x30];
	v5 =	vadd.f32 v15, v5  }
.LBB2_22:
0xf3: {  	p0 =	sne.s32 s29, $0x1FE00;
	v13 =	vld [tilespmem:s28+$0x40];
	s28 =	sshra.s32 s29, $0x2;
	s29 =	sadd.s32 $0x200, s29;
	v14 =	vmul.f32 v6, v6;
	v0 =	vadd.f32 v12, v0  }
.Ltmp10:
0xf4: {  	v6 =	vld [tilespmem:s28+$0x50];
	v12 =	vmul.f32 v7, v7;
	v1 =	vadd.f32 v11, v1;
	(pc) =	sbr.rel @p0 .LBB2_22-.Ltmp10, $4  }
0xf5: {  	v7 =	vld [tilespmem:s28+$0x0];
	v11 =	vmul.f32 v10, v10;
	v2 =	vadd.f32 v14, v2  }
0xf6: {  	v10 =	vld [tilespmem:s28+$0x10];
	v3 =	vadd.f32 v12, v3;
	v14 =	vmul.f32 v8, v8  }
0xf7: {  	v8 =	vld [tilespmem:s28+$0x20];
	v4 =	vadd.f32 v11, v4;
	v12 =	vmul.f32 v9, v9  }
0xf8: {  	v9 =	vld [tilespmem:s28+$0x30];
	v5 =	vadd.f32 v14, v5;
	v11 =	vmul.f32 v13, v13  }
0xf9: {  	v13 =	vld [tilespmem:s28+$0x40];
	_ =	swait.ge [sflag:s23], $0x8000  }
0xfa: {  	[sflag:s23] =	ssyncset.done $0x0  }
0xfb: {  	s28 =	simm.s32 $0x0;
	s29 =	simm.s32 $0x0;
	[sflag:s23] =	ssyncadd.s32 $0xFFFF8000  }
0xfc: {  	[tilespmem:s28], [sflag:$0x1] =	stream.linear.gather [hbm4b:s15+s28], $0x8000, $0x38;
	[tilespmem:$0x10080] =	vst v63  }
0xfd: {  	v14 =	vld [tilespmem:s29+$0x8050]  }
0xfe: {  	v15 =	vld [tilespmem:s29+$0x8000]  }
0xff: {  	v6 =	vmul.f32 v6, v6;
	v16 =	vld [tilespmem:s29+$0x8010]  }
0x100: {  	v0 =	vadd.f32 v12, v0;
	v7 =	vmul.f32 v7, v7;
	v1 =	vadd.f32 v11, v1;
	v12 =	vld [tilespmem:s29+$0x8020]  }
0x101: {  	v10 =	vmul.f32 v10, v10;
	v2 =	vadd.f32 v6, v2;
	v6 =	vmul.f32 v8, v8;
	v11 =	vld [tilespmem:s29+$0x8030]  }
0x102: {  	v3 =	vadd.f32 v7, v3;
	s28 =	simm.s32 $0x80;
	v7 =	vmul.f32 v9, v9;
	v17 =	vld [tilespmem:s29+$0x8040]  }
0x103: {  	v4 =	vadd.f32 v10, v4;
	v5 =	vadd.f32 v6, v5;
	v8 =	vmul.f32 v13, v13;
	v6 =	vld [tilespmem:s28+$0x8050]  }
0x104: {  	v0 =	vadd.f32 v7, v0;
	v7 =	vld [tilespmem:s28+$0x8000];
	v9 =	vmul.f32 v14, v14;
	v13 =	vmul.f32 v15, v15  }
0x105: {  	v10 =	vld [tilespmem:s28+$0x8010];
	v1 =	vadd.f32 v8, v1;
	v14 =	vmul.f32 v16, v16;
	v15 =	vmul.f32 v12, v12  }
0x106: {  	v8 =	vld [tilespmem:s28+$0x8020];
	v12 =	vmul.f32 v11, v11;
	v2 =	vadd.f32 v9, v2;
	v3 =	vadd.f32 v13, v3  }
0x107: {  	s29 =	simm.s32 $0x400;
	v11 =	vmul.f32 v17, v17;
	v4 =	vadd.f32 v14, v4;
	v9 =	vld [tilespmem:s28+$0x8030];
	v5 =	vadd.f32 v15, v5  }
.LBB2_24:
0x108: {  	p0 =	sne.s32 s29, $0x1FE00;
	v13 =	vld [tilespmem:s28+$0x8040];
	s28 =	sshra.s32 s29, $0x2;
	s29 =	sadd.s32 $0x200, s29;
	v14 =	vmul.f32 v6, v6;
	v0 =	vadd.f32 v12, v0  }
.Ltmp11:
0x109: {  	v6 =	vld [tilespmem:s28+$0x8050];
	v12 =	vmul.f32 v7, v7;
	v1 =	vadd.f32 v11, v1;
	(pc) =	sbr.rel @p0 .LBB2_24-.Ltmp11, $4  }
0x10a: {  	v7 =	vld [tilespmem:s28+$0x8000];
	v11 =	vmul.f32 v10, v10;
	v2 =	vadd.f32 v14, v2  }
0x10b: {  	v10 =	vld [tilespmem:s28+$0x8010];
	v3 =	vadd.f32 v12, v3;
	v14 =	vmul.f32 v8, v8  }
0x10c: {  	v8 =	vld [tilespmem:s28+$0x8020];
	v4 =	vadd.f32 v11, v4;
	v12 =	vmul.f32 v9, v9  }
0x10d: {  	v9 =	vld [tilespmem:s28+$0x8030];
	v5 =	vadd.f32 v14, v5;
	v11 =	vmul.f32 v13, v13  }
0x10e: {  	v13 =	vld [tilespmem:s28+$0x8040];
	_ =	swait.ge [sflag:s21], $0x8000  }
0x10f: {  	[sflag:s21] =	ssyncset.done $0x0  }
0x110: {  	s28 =	simm.s32 $0x0;
	s29 =	simm.s32 $0x0;
	[sflag:s21] =	ssyncadd.s32 $0xFFFF8000  }
0x111: {  	[tilespmem:s22], [sflag:$0x2] =	stream.linear.gather [hbm4b:s16+s28], $0x8000, $0x38;
	[tilespmem:$0x10080] =	vst v63  }
0x112: {  	v14 =	vld [tilespmem:s29+$0x50]  }
0x113: {  	v15 =	vld [tilespmem:s29+$0x0]  }
0x114: {  	v6 =	vmul.f32 v6, v6;
	v16 =	vld [tilespmem:s29+$0x10]  }
0x115: {  	v0 =	vadd.f32 v12, v0;
	v7 =	vmul.f32 v7, v7;
	v1 =	vadd.f32 v11, v1;
	v12 =	vld [tilespmem:s29+$0x20]  }
0x116: {  	v10 =	vmul.f32 v10, v10;
	v2 =	vadd.f32 v6, v2;
	v6 =	vmul.f32 v8, v8;
	v11 =	vld [tilespmem:s29+$0x30]  }
0x117: {  	v3 =	vadd.f32 v7, v3;
	s28 =	simm.s32 $0x80;
	v7 =	vmul.f32 v9, v9;
	v17 =	vld [tilespmem:s29+$0x40]  }
0x118: {  	v4 =	vadd.f32 v10, v4;
	v5 =	vadd.f32 v6, v5;
	v8 =	vmul.f32 v13, v13;
	v6 =	vld [tilespmem:s28+$0x50]  }
0x119: {  	v0 =	vadd.f32 v7, v0;
	v7 =	vld [tilespmem:s28+$0x0];
	v9 =	vmul.f32 v14, v14;
	v13 =	vmul.f32 v15, v15  }
0x11a: {  	v10 =	vld [tilespmem:s28+$0x10];
	v1 =	vadd.f32 v8, v1;
	v14 =	vmul.f32 v16, v16;
	v15 =	vmul.f32 v12, v12  }
0x11b: {  	v8 =	vld [tilespmem:s28+$0x20];
	v12 =	vmul.f32 v11, v11;
	v2 =	vadd.f32 v9, v2;
	v3 =	vadd.f32 v13, v3  }
0x11c: {  	s29 =	simm.s32 $0x400;
	v11 =	vmul.f32 v17, v17;
	v4 =	vadd.f32 v14, v4;
	v9 =	vld [tilespmem:s28+$0x30];
	v5 =	vadd.f32 v15, v5  }
.LBB2_26:
0x11d: {  	p0 =	sne.s32 s29, $0x1FE00;
	v13 =	vld [tilespmem:s28+$0x40];
	s28 =	sshra.s32 s29, $0x2;
	s29 =	sadd.s32 $0x200, s29;
	v14 =	vmul.f32 v6, v6;
	v0 =	vadd.f32 v12, v0  }
.Ltmp12:
0x11e: {  	v6 =	vld [tilespmem:s28+$0x50];
	v12 =	vmul.f32 v7, v7;
	v1 =	vadd.f32 v11, v1;
	(pc) =	sbr.rel @p0 .LBB2_26-.Ltmp12, $4  }
0x11f: {  	v7 =	vld [tilespmem:s28+$0x0];
	v11 =	vmul.f32 v10, v10;
	v2 =	vadd.f32 v14, v2  }
0x120: {  	v10 =	vld [tilespmem:s28+$0x10];
	v3 =	vadd.f32 v12, v3;
	v14 =	vmul.f32 v8, v8  }
0x121: {  	v8 =	vld [tilespmem:s28+$0x20];
	v4 =	vadd.f32 v11, v4;
	v12 =	vmul.f32 v9, v9  }
0x122: {  	v9 =	vld [tilespmem:s28+$0x30];
	v5 =	vadd.f32 v14, v5;
	v11 =	vmul.f32 v13, v13  }
0x123: {  	v13 =	vld [tilespmem:s28+$0x40];
	_ =	swait.ge [sflag:s23], $0x8000  }
0x124: {  	[sflag:s23] =	ssyncset.done $0x0  }
0x125: {  	s28 =	simm.s32 $0x0;
	s29 =	simm.s32 $0x0;
	[sflag:s23] =	ssyncadd.s32 $0xFFFF8000  }
0x126: {  	[tilespmem:s28], [sflag:$0x1] =	stream.linear.gather [hbm4b:s17+s28], $0x8000, $0x38;
	[tilespmem:$0x10080] =	vst v63  }
0x127: {  	v14 =	vld [tilespmem:s29+$0x8050]  }
0x128: {  	v15 =	vld [tilespmem:s29+$0x8000]  }
0x129: {  	v6 =	vmul.f32 v6, v6;
	v16 =	vld [tilespmem:s29+$0x8010]  }
0x12a: {  	v0 =	vadd.f32 v12, v0;
	v7 =	vmul.f32 v7, v7;
	v1 =	vadd.f32 v11, v1;
	v12 =	vld [tilespmem:s29+$0x8020]  }
0x12b: {  	v10 =	vmul.f32 v10, v10;
	v2 =	vadd.f32 v6, v2;
	v6 =	vmul.f32 v8, v8;
	v11 =	vld [tilespmem:s29+$0x8030]  }
0x12c: {  	v3 =	vadd.f32 v7, v3;
	s28 =	simm.s32 $0x80;
	v7 =	vmul.f32 v9, v9;
	v17 =	vld [tilespmem:s29+$0x8040]  }
0x12d: {  	v4 =	vadd.f32 v10, v4;
	v5 =	vadd.f32 v6, v5;
	v8 =	vmul.f32 v13, v13;
	v6 =	vld [tilespmem:s28+$0x8050]  }
0x12e: {  	v0 =	vadd.f32 v7, v0;
	v7 =	vld [tilespmem:s28+$0x8000];
	v9 =	vmul.f32 v14, v14;
	v13 =	vmul.f32 v15, v15  }
0x12f: {  	v10 =	vld [tilespmem:s28+$0x8010];
	v1 =	vadd.f32 v8, v1;
	v14 =	vmul.f32 v16, v16;
	v15 =	vmul.f32 v12, v12  }
0x130: {  	v8 =	vld [tilespmem:s28+$0x8020];
	v12 =	vmul.f32 v11, v11;
	v2 =	vadd.f32 v9, v2;
	v3 =	vadd.f32 v13, v3  }
0x131: {  	s29 =	simm.s32 $0x400;
	v11 =	vmul.f32 v17, v17;
	v4 =	vadd.f32 v14, v4;
	v9 =	vld [tilespmem:s28+$0x8030];
	v5 =	vadd.f32 v15, v5  }
.LBB2_28:
0x132: {  	p0 =	sne.s32 s29, $0x1FE00;
	v13 =	vld [tilespmem:s28+$0x8040];
	s28 =	sshra.s32 s29, $0x2;
	s29 =	sadd.s32 $0x200, s29;
	v14 =	vmul.f32 v6, v6;
	v0 =	vadd.f32 v12, v0  }
.Ltmp13:
0x133: {  	v6 =	vld [tilespmem:s28+$0x8050];
	v12 =	vmul.f32 v7, v7;
	v1 =	vadd.f32 v11, v1;
	(pc) =	sbr.rel @p0 .LBB2_28-.Ltmp13, $4  }
0x134: {  	v7 =	vld [tilespmem:s28+$0x8000];
	v11 =	vmul.f32 v10, v10;
	v2 =	vadd.f32 v14, v2  }
0x135: {  	v10 =	vld [tilespmem:s28+$0x8010];
	v3 =	vadd.f32 v12, v3;
	v14 =	vmul.f32 v8, v8  }
0x136: {  	v8 =	vld [tilespmem:s28+$0x8020];
	v4 =	vadd.f32 v11, v4;
	v12 =	vmul.f32 v9, v9  }
0x137: {  	v9 =	vld [tilespmem:s28+$0x8030];
	v5 =	vadd.f32 v14, v5;
	v11 =	vmul.f32 v13, v13  }
0x138: {  	v13 =	vld [tilespmem:s28+$0x8040];
	_ =	swait.ge [sflag:s21], $0x8000  }
0x139: {  	[sflag:s21] =	ssyncset.done $0x0  }
0x13a: {  	s28 =	simm.s32 $0x0;
	s29 =	simm.s32 $0x0;
	[sflag:s21] =	ssyncadd.s32 $0xFFFF8000  }
0x13b: {  	[tilespmem:s22], [sflag:$0x2] =	stream.linear.gather [hbm4b:s18+s28], $0x8000, $0x38;
	[tilespmem:$0x10080] =	vst v63  }
0x13c: {  	v14 =	vld [tilespmem:s29+$0x50]  }
0x13d: {  	v15 =	vld [tilespmem:s29+$0x0]  }
0x13e: {  	v6 =	vmul.f32 v6, v6;
	v16 =	vld [tilespmem:s29+$0x10]  }
0x13f: {  	v0 =	vadd.f32 v12, v0;
	v7 =	vmul.f32 v7, v7;
	v1 =	vadd.f32 v11, v1;
	v12 =	vld [tilespmem:s29+$0x20]  }
0x140: {  	v10 =	vmul.f32 v10, v10;
	v2 =	vadd.f32 v6, v2;
	v6 =	vmul.f32 v8, v8;
	v11 =	vld [tilespmem:s29+$0x30]  }
0x141: {  	v3 =	vadd.f32 v7, v3;
	s28 =	simm.s32 $0x80;
	v7 =	vmul.f32 v9, v9;
	v17 =	vld [tilespmem:s29+$0x40]  }
0x142: {  	v4 =	vadd.f32 v10, v4;
	v5 =	vadd.f32 v6, v5;
	v8 =	vmul.f32 v13, v13;
	v6 =	vld [tilespmem:s28+$0x50]  }
0x143: {  	v0 =	vadd.f32 v7, v0;
	v7 =	vld [tilespmem:s28+$0x0];
	v9 =	vmul.f32 v14, v14;
	v13 =	vmul.f32 v15, v15  }
0x144: {  	v10 =	vld [tilespmem:s28+$0x10];
	v1 =	vadd.f32 v8, v1;
	v14 =	vmul.f32 v16, v16;
	v15 =	vmul.f32 v12, v12  }
0x145: {  	v8 =	vld [tilespmem:s28+$0x20];
	v12 =	vmul.f32 v11, v11;
	v2 =	vadd.f32 v9, v2;
	v3 =	vadd.f32 v13, v3  }
0x146: {  	s29 =	simm.s32 $0x400;
	v11 =	vmul.f32 v17, v17;
	v4 =	vadd.f32 v14, v4;
	v9 =	vld [tilespmem:s28+$0x30];
	v5 =	vadd.f32 v15, v5  }
.LBB2_30:
0x147: {  	p0 =	sne.s32 s29, $0x1FE00;
	v13 =	vld [tilespmem:s28+$0x40];
	s28 =	sshra.s32 s29, $0x2;
	s29 =	sadd.s32 $0x200, s29;
	v14 =	vmul.f32 v6, v6;
	v0 =	vadd.f32 v12, v0  }
.Ltmp14:
0x148: {  	v6 =	vld [tilespmem:s28+$0x50];
	v12 =	vmul.f32 v7, v7;
	v1 =	vadd.f32 v11, v1;
	(pc) =	sbr.rel @p0 .LBB2_30-.Ltmp14, $4  }
0x149: {  	v7 =	vld [tilespmem:s28+$0x0];
	v11 =	vmul.f32 v10, v10;
	v2 =	vadd.f32 v14, v2  }
0x14a: {  	v10 =	vld [tilespmem:s28+$0x10];
	v3 =	vadd.f32 v12, v3;
	v14 =	vmul.f32 v8, v8  }
0x14b: {  	v8 =	vld [tilespmem:s28+$0x20];
	v4 =	vadd.f32 v11, v4;
	v12 =	vmul.f32 v9, v9  }
0x14c: {  	v9 =	vld [tilespmem:s28+$0x30];
	v5 =	vadd.f32 v14, v5;
	v11 =	vmul.f32 v13, v13  }
0x14d: {  	v13 =	vld [tilespmem:s28+$0x40];
	_ =	swait.ge [sflag:s23], $0x8000  }
0x14e: {  	[sflag:s23] =	ssyncset.done $0x0  }
0x14f: {  	s29 =	simm.s32 $0x0;
	[sflag:s23] =	ssyncadd.s32 $0xFFFF8000  }
0x150: {  	v14 =	vld [tilespmem:s29+$0x8050]  }
0x151: {  	v15 =	vld [tilespmem:s29+$0x8000]  }
0x152: {  	v16 =	vld [tilespmem:s29+$0x8010]  }
0x153: {  	v6 =	vmul.f32 v6, v6;
	v0 =	vadd.f32 v12, v0;
	v7 =	vmul.f32 v7, v7;
	v12 =	vld [tilespmem:s29+$0x8020]  }
0x154: {  	v11 =	vadd.f32 v11, v1;
	v10 =	vmul.f32 v10, v10;
	v1 =	vmul.f32 v8, v8;
	v17 =	vld [tilespmem:s29+$0x8030]  }
0x155: {  	s28 =	simm.s32 $0x80;
	v6 =	vadd.f32 v6, v2;
	v7 =	vadd.f32 v7, v3;
	v18 =	vld [tilespmem:s29+$0x8040];
	v2 =	vmul.f32 v9, v9  }
0x156: {  	v10 =	vadd.f32 v10, v4;
	v19 =	vadd.f32 v1, v5;
	v3 =	vmul.f32 v13, v13;
	v1 =	vld [tilespmem:s28+$0x8050]  }
0x157: {  	v4 =	vld [tilespmem:s28+$0x8000];
	v2 =	vadd.f32 v2, v0;
	v5 =	vmul.f32 v14, v14;
	v9 =	vmul.f32 v15, v15  }
0x158: {  	v8 =	vld [tilespmem:s28+$0x8010];
	v3 =	vadd.f32 v3, v11;
	v13 =	vmul.f32 v16, v16;
	v12 =	vmul.f32 v12, v12  }
0x159: {  	v11 =	vmul.f32 v17, v17;
	v0 =	vadd.f32 v5, v6;
	v6 =	vadd.f32 v9, v7;
	v9 =	vld [tilespmem:s28+$0x8020]  }
0x15a: {  	s29 =	simm.s32 $0x400;
	v5 =	vadd.f32 v13, v10;
	v10 =	vld [tilespmem:s28+$0x8030];
	v7 =	vadd.f32 v12, v19;
	v12 =	vmul.f32 v18, v18  }
.LBB2_32:
0x15b: {  	p0 =	sne.s32 s29, $0x1FE00;
	v13 =	vld [tilespmem:s28+$0x8040];
	s28 =	sshra.s32 s29, $0x2;
	s29 =	sadd.s32 $0x200, s29;
	v14 =	vmul.f32 v1, v1;
	v2 =	vadd.f32 v11, v2  }
.Ltmp15:
0x15c: {  	v1 =	vld [tilespmem:s28+$0x8050];
	v11 =	vmul.f32 v4, v4;
	v3 =	vadd.f32 v12, v3;
	(pc) =	sbr.rel @p0 .LBB2_32-.Ltmp15, $4  }
0x15d: {  	v4 =	vld [tilespmem:s28+$0x8000];
	v12 =	vmul.f32 v8, v8;
	v0 =	vadd.f32 v14, v0  }
0x15e: {  	v8 =	vld [tilespmem:s28+$0x8010];
	v6 =	vadd.f32 v11, v6;
	v14 =	vmul.f32 v9, v9  }
0x15f: {  	v9 =	vld [tilespmem:s28+$0x8020];
	v5 =	vadd.f32 v12, v5;
	v11 =	vmul.f32 v10, v10  }
0x160: {  	v10 =	vld [tilespmem:s28+$0x8030];
	v7 =	vadd.f32 v14, v7;
	v12 =	vmul.f32 v13, v13  }
0x161: {  	v13 =	vld [tilespmem:s28+$0x8040];
	v1 =	vmul.f32 v1, v1  }
0x162: {  	v4 =	vmul.f32 v4, v4  }
0x163: {  	v8 =	vmul.f32 v8, v8;
	v0 =	vadd.f32 v1, v0  }
0x164: {  	v4 =	vadd.f32 v4, v6;
	v61 =	vmul.f32 v9, v9  }
0x165: {  	v2 =	vadd.f32 v11, v2;
	v5 =	vadd.f32 v8, v5;
	v62 =	vmul.f32 v10, v10;
	[tilespmem:$0x10050] =	vst v0  }
0x166: {  	v3 =	vadd.f32 v12, v3;
	v6 =	vadd.f32 v61, v7;
	v63 =	vmul.f32 v13, v13;
	[tilespmem:$0x10000] =	vst v4  }
0x167: {  	v2 =	vadd.f32 v62, v2;
	[tilespmem:$0x10010] =	vst v5  }
0x168: {  	s26 =	sadd.s32 $0x1, s26;
	v3 =	vadd.f32 v63, v3;
	[tilespmem:$0x10020] =	vst v6  }
0x169: {  	p0 =	sne.s32 s26, s20;
	[tilespmem:$0x10030] =	vst v2  }
.Ltmp16:
0x16a: {  	[tilespmem:$0x10040] =	vst v3;
	(pc) =	sbr.rel @p0 .LBB2_1-.Ltmp16, $4  }
0x16b: {  	[hbm4b:s19+s2] =	stream.linear.scatter [tilespmem:s24], [sflag:$0x3], $0x80, $0x38;
	[tilespmem:$0x10080] =	vst v63  }
0x16c: {  	_ =	swait.ge [sflag:s25], $0x80  }
0x16d: {  	[sflag:s25] =	ssyncset.done $0x0  }
0x16e: {  	[sflag:s25] =	ssyncadd.s32 $0xFFFFFF80  }
0x16f: {  	_ =	sfence.sel $0x180000  }
0x170: {  	[bflag:$0x0] =	sbarrier.arrive $0xFFFF  }
0x171: {  	p0 =	sne.s32 s0, $0x0;
	_ =	strace $0x90000047  }
0x172: {  	s0 =	sadd.s32 @!p0 $0x100000, s1;
	[bflag:$0x2] =	sbarrier.arrive $0xFFFF  }
0x173: {  	[sflag:s0] =	ssyncadd.tile.s32 @!p0 $0x1;
	_ =	shalt  }
.Lfunc_end2:
_tile_overlayer_lowered:
.L_overlay_start_2:
0x174: {  	(tag) =	ssettag $0x2  }
0x175: {  	s0 =	rddreg [dreg:$0x0];
	s2 =	stileid.u32  }
0x176: {  	s1 =	rddreg [dreg:$0x1];
	p0 =	sne.s32 s2, $0x0  }
0x177: {  	s3 =	rddreg [dreg:$0x2];
	[bflag:$0x3] =	sbarrier.arrive $0xFFFF;
	s2 =	simm.s32 @!p0 $0x1C03  }
0x178: {  	[timem:s3], [sflag:s2] =	dma.local @!p0 [hbm:s0], s1  }
0x179: {  	s0 =	simm.s32 @!p0 $0x3  }
0x17a: {  	_ =	swait.ge @!p0 [sflag:s0], s1  }
0x17b: {  	s1 =	ssub.s32 @!p0 $0x0, s1;
	[sflag:s0] =	ssyncset.done @!p0 $0x0  }
0x17c: {  	[sflag:s0] =	ssyncadd.s32 @!p0 s1  }
0x17d: {  	[bflag:$0x3] =	sbarrier.arrive $0xFFFF  }
0x17e: {  	_ =	shalt  }

</sc_bundles>
